<compile_context>
chip_gen: v7x
topology: tpu7x:2x2x1
jax: 0.10.2.dev20260603
libtpu: 0.0.44.dev20260713+nightly
codegen_flags: <defaults>
</compile_context>

<pallas_src>
import functools

import jax
import jax.numpy as jnp
from jax import lax
from jax.experimental import pallas as pl
from jax.experimental.pallas import tpu as pltpu
from jax.experimental.pallas import tpu_sc as plsc

_NUM_SAMPLES = 16
_SAMPLE_RATE = 4


def _sample_indices(t):
    sample_range = _NUM_SAMPLES * _SAMPLE_RATE
    sample_pos = max(1, 1 + t - sample_range)
    start_idx = 0 if sample_pos == 1 else sample_pos // 2
    idx = [((i * _SAMPLE_RATE + start_idx) % t) + 1 for i in range(_NUM_SAMPLES)]
    return [min(max(v, 0), t - 1) for v in idx]


def kernel(x):
    c, t, h, w = x.shape
    idxs = _sample_indices(t)
    a0 = idxs[0]
    step = idxs[1] - idxs[0]
    assert all(idxs[j] == a0 + step * j for j in range(_NUM_SAMPLES))

    info = plsc.get_sparse_core_info()
    nc, ns, nl = info.num_cores, info.num_subcores, info.num_lanes
    nw = nc * ns
    n_slabs = c * h
    per_w = n_slabs // nw
    assert n_slabs % nw == 0 and per_w % 2 == 1 and w % nl == 0 and nl == 16
    assert _NUM_SAMPLES == nl

    xt = jnp.transpose(x, (0, 2, 3, 1))

    mesh = plsc.VectorSubcoreMesh(core_axis_name="c", subcore_axis_name="s")

    @functools.partial(
        pl.kernel,
        out_type=jax.ShapeDtypeStruct((c * _NUM_SAMPLES * h * w,), x.dtype),
        mesh=mesh,
        scratch_types=[
            pltpu.VMEM((w, t), jnp.float32),
            pltpu.VMEM((w, t), jnp.float32),
            pltpu.VMEM((_NUM_SAMPLES * w,), jnp.float32),
            pltpu.VMEM((_NUM_SAMPLES * w,), jnp.float32),
            pltpu.SemaphoreType.DMA,
            pltpu.SemaphoreType.DMA,
            pltpu.SemaphoreType.DMA,
            pltpu.SemaphoreType.DMA,
        ],
        compiler_params=pltpu.CompilerParams(needs_layout_passes=False),
    )
    def temporal_gather(xt_hbm, out_hbm, bi0, bi1, bo0, bo1, g0s, g1s, s0s, s1s):
        bi = (bi0, bi1)
        bo = (bo0, bo1)
        gsem = (g0s, g1s)
        ssem = (s0s, s1s)
        wid = lax.axis_index("s") * nc + lax.axis_index("c")
        slab0 = wid * per_w

        def coords(g):
            ci = g // h
            return ci, g - ci * h

        def gather_start(slot, g):
            ci, hi = coords(g)
            pltpu.async_copy(xt_hbm.at[ci, hi], bi[slot], gsem[slot])

        def gather_wait(slot):
            pltpu.make_async_copy(xt_hbm.at[0, 0], bi[slot], gsem[slot]).wait()

        def transpose_slab(slot):
            jota = jnp.arange(nl, dtype=jnp.int32)

            def dpass(d, carry):
                jrot = (d + jota) & (nl - 1)
                tv = a0 + step * jrot
                sb = jrot * w
                for wg in range(w // nl):
                    rvec = wg * nl + jota
                    vec = plsc.load_gather(bi[slot], [rvec, tv])
                    plsc.store_scatter(bo[slot], [sb + rvec], vec)
                return carry

            lax.fori_loop(0, _NUM_SAMPLES, dpass, 0)

        def scatter_start(slot, g):
            ci, hi = coords(g)
            base = ci * _NUM_SAMPLES * h * w + hi * w
            for j in range(_NUM_SAMPLES):
                pltpu.async_copy(
                    bo[slot].at[pl.ds(j * w, w)],
                    out_hbm.at[pl.ds(base + j * h * w, w)],
                    ssem[slot],
                )

        def scatter_drain(slot):
            for j in range(_NUM_SAMPLES):
                pltpu.make_async_copy(
                    out_hbm.at[pl.ds(0, w)],
                    bo[slot].at[pl.ds(j * w, w)],
                    ssem[slot],
                ).wait()

        gather_start(0, slab0)

        def dstep(k, carry):
            ge = slab0 + 2 * k
            gather_wait(0)
            gather_start(1, ge + 1)

            @pl.when(k > 0)
            def _():
                scatter_drain(0)

            transpose_slab(0)
            scatter_start(0, ge)

            gather_wait(1)
            gather_start(0, ge + 2)

            @pl.when(k > 0)
            def _():
                scatter_drain(1)

            transpose_slab(1)
            scatter_start(1, ge + 1)
            return carry

        lax.fori_loop(0, per_w // 2, dstep, 0)

        gather_wait(0)
        scatter_drain(0)
        transpose_slab(0)
        scatter_start(0, slab0 + per_w - 1)
        scatter_drain(1)
        scatter_drain(0)

    out = temporal_gather(xt)
    return out.reshape(c, _NUM_SAMPLES, h, w)

# --- scband reference (transcript-rebuilt; emitter-appended) ---
"""Pipeline reference for scband-temporal-subsample-82557861364368 (READ-ONLY COPY).

The authoritative reference and input builder live on the scoring server;
editing this copy changes nothing except your own understanding.
"""

import jax, jax.numpy as jnp
import numpy as np

NUM_SAMPLES = 16
SAMPLE_RATE = 4
TEMPORAL_DIM = -3


def setup_inputs(seed: int = 0) -> dict:
    key = jax.random.key(seed)
    x = jax.random.normal(key, (3, 128, 224, 224), dtype=jnp.float32)
    return {"x": x}


def reference(x):
    t = x.shape[TEMPORAL_DIM]
    assert NUM_SAMPLES > 0 and t > 0
    sample_range = NUM_SAMPLES * SAMPLE_RATE
    sample_pos = max(1, 1 + t - sample_range)
    start_idx = 0 if sample_pos == 1 else sample_pos // 2
    offsets = jnp.array([(idx * SAMPLE_RATE + start_idx) % t for idx in range(NUM_SAMPLES)], dtype=jnp.int32)
    indices = offsets + 1
    indices = jnp.clip(indices, 0, t - 1).astype(jnp.int32)
    return jnp.take(x, indices, axis=TEMPORAL_DIM)

if __name__ == "__main__":
    import jax
    _d = setup_inputs()
    print(jax.jit(kernel)(*tuple(_d.values())))

</pallas_src>

<mosaic_0001>
#map = affine_map<(d0, d1) -> (0, 0, 0, 0)>
#map1 = affine_map<(d0, d1) -> (0)>
module attributes {stable_mosaic.version = 14 : i64} {
  func.func @temporal_gather(%arg0: i32, %arg1: i32, %arg2: memref<3x224x224x128xf32, #tpu.memory_space<hbm>>, %arg3: memref<2408448xf32, #tpu.memory_space<hbm>>, %arg4: memref<224x128xf32, #tpu.memory_space<vmem>>, %arg5: memref<224x128xf32, #tpu.memory_space<vmem>>, %arg6: memref<3584xf32, #tpu.memory_space<vmem>>, %arg7: memref<3584xf32, #tpu.memory_space<vmem>>, %arg8: memref<!tpu.dma_semaphore, #tpu.memory_space<semaphore_mem>>, %arg9: memref<!tpu.dma_semaphore, #tpu.memory_space<semaphore_mem>>, %arg10: memref<!tpu.dma_semaphore, #tpu.memory_space<semaphore_mem>>, %arg11: memref<!tpu.dma_semaphore, #tpu.memory_space<semaphore_mem>>) attributes {dimension_semantics = [#tpu.dimension_semantics<core_parallel>, #tpu.dimension_semantics<subcore_parallel>], iteration_bounds = array<i64: 2, 16>, scalar_prefetch = 0 : i64, scratch_operands = 8 : i64, tpu.core_type = #tpu.core_type<sc_vector_subcore>, window_params = [{transform_indices = #map}, {transform_indices = #map1}]} {
    %mul3A = arith.constant 2 : i32
    %mul3A_0 = arith.muli %arg1, %mul3A : i32
    %add3A = arith.addi %mul3A_0, %arg0 : i32
    %mul3A_1 = arith.constant 21 : i32
    %mul3A_2 = arith.muli %add3A, %mul3A_1 : i32
    %jit3A = arith.constant 224 : i32
    %div3A = arith.divsi %mul3A_2, %jit3A : i32
    %sign3A = arith.constant 0 : i32
    %sign3A_3 = arith.cmpi sgt, %mul3A_2, %sign3A : i32
    %sign3A_4 = arith.extui %sign3A_3 : i1 to i32
    %sign3A_5 = arith.constant 0 : i32
    %sign3A_6 = arith.cmpi slt, %mul3A_2, %sign3A_5 : i32
    %sign3A_7 = arith.extui %sign3A_6 : i1 to i32
    %sign3A_8 = arith.subi %sign3A_4, %sign3A_7 : i32
    %sign3A_9 = arith.constant 0 : i32
    %sign3A_10 = arith.cmpi sgt, %jit3A, %sign3A_9 : i32
    %sign3A_11 = arith.extui %sign3A_10 : i1 to i32
    %sign3A_12 = arith.constant 0 : i32
    %sign3A_13 = arith.cmpi slt, %jit3A, %sign3A_12 : i32
    %sign3A_14 = arith.extui %sign3A_13 : i1 to i32
    %sign3A_15 = arith.subi %sign3A_11, %sign3A_14 : i32
    %ne3A = arith.cmpi ne, %sign3A_8, %sign3A_15 : i32
    %rem3A = arith.remsi %mul3A_2, %jit3A : i32
    %ne3A_16 = arith.constant 0 : i32
    %ne3A_17 = arith.cmpi ne, %rem3A, %ne3A_16 : i32
    %and3A = arith.andi %ne3A, %ne3A_17 : i1
    %sub3A = arith.constant 1 : i32
    %sub3A_18 = arith.subi %div3A, %sub3A : i32
    %select_n3A = arith.select %and3A, %sub3A_18, %div3A : i32
    %mul3A_19 = arith.constant 224 : i32
    %mul3A_20 = arith.muli %select_n3A, %mul3A_19 : i32
    %sub3A_21 = arith.subi %mul3A_2, %mul3A_20 : i32
    %dma_start3A = arith.constant 0 : i32
    %dma_start3A_22 = arith.constant 0 : i32
    %dma_start3A_23 = tpu.memref_slice %arg2[%select_n3A, %sub3A_21, %dma_start3A, %dma_start3A_22] : memref<3x224x224x128xf32, #tpu.memory_space<hbm>> -> memref<1x1x224x128xf32, #tpu.memory_space<hbm>>
    %dma_start3A_24 = tpu.memref_squeeze %dma_start3A_23 : memref<1x1x224x128xf32, #tpu.memory_space<hbm>> -> memref<224x128xf32, #tpu.memory_space<hbm>>
    %dma_start3A_25 = arith.constant 0 : i32
    %dma_start3A_26 = arith.constant 0 : i32
    %dma_start3A_27 = tpu.memref_slice %arg2[%select_n3A, %sub3A_21, %dma_start3A_25, %dma_start3A_26] : memref<3x224x224x128xf32, #tpu.memory_space<hbm>> -> memref<1x1x224x128xf32, #tpu.memory_space<hbm>>
    %dma_start3A_28 = tpu.memref_squeeze %dma_start3A_27 : memref<1x1x224x128xf32, #tpu.memory_space<hbm>> -> memref<224x128xf32, #tpu.memory_space<hbm>>
    tpu.enqueue_dma source(%dma_start3A_28 : memref<224x128xf32, #tpu.memory_space<hbm>>) target(%arg4 : memref<224x128xf32, #tpu.memory_space<vmem>>) target_semaphore(%arg8 : memref<!tpu.dma_semaphore, #tpu.memory_space<semaphore_mem>>)
    %scan3A = arith.constant 0 : i32
    %scan3A_29 = arith.constant 0 : i32
    %scan3A_30 = arith.constant 10 : i32
    %scan3A_31 = arith.addi %scan3A_29, %scan3A_30 : i32
    %scan3A_32 = arith.constant 1 : i32
    scf.for %scan3A_601 = %scan3A_29 to %scan3A_31 step %scan3A_32  : i32 {
      %mul3A_602 = arith.constant 2 : i32
      %mul3A_603 = arith.muli %mul3A_602, %scan3A_601 : i32
      %add3A_604 = arith.addi %mul3A_2, %mul3A_603 : i32
      %dma_wait3A_605 = arith.constant 0 : i32
      %dma_wait3A_606 = arith.constant 0 : i32
      %dma_wait3A_607 = arith.constant 0 : i32
      %dma_wait3A_608 = arith.constant 0 : i32
      %dma_wait3A_609 = tpu.memref_slice %arg2[%dma_wait3A_605, %dma_wait3A_606, %dma_wait3A_607, %dma_wait3A_608] : memref<3x224x224x128xf32, #tpu.memory_space<hbm>> -> memref<1x1x224x128xf32, #tpu.memory_space<hbm>>
      %dma_wait3A_610 = tpu.memref_squeeze %dma_wait3A_609 : memref<1x1x224x128xf32, #tpu.memory_space<hbm>> -> memref<224x128xf32, #tpu.memory_space<hbm>>
      %dma_wait3A_611 = arith.constant 0 : i32
      %dma_wait3A_612 = arith.constant 0 : i32
      %dma_wait3A_613 = tpu.memref_slice %arg2[%dma_wait3A_605, %dma_wait3A_606, %dma_wait3A_611, %dma_wait3A_612] : memref<3x224x224x128xf32, #tpu.memory_space<hbm>> -> memref<1x1x224x128xf32, #tpu.memory_space<hbm>>
      %dma_wait3A_614 = tpu.memref_squeeze %dma_wait3A_613 : memref<1x1x224x128xf32, #tpu.memory_space<hbm>> -> memref<224x128xf32, #tpu.memory_space<hbm>>
      tpu.wait_dma2 semaphore(%arg8 : memref<!tpu.dma_semaphore, #tpu.memory_space<semaphore_mem>>) src(%dma_wait3A_614 : memref<224x128xf32, #tpu.memory_space<hbm>>) dst(%arg4 : memref<224x128xf32, #tpu.memory_space<vmem>>)
      %add3A_615 = arith.constant 1 : i32
      %add3A_616 = arith.addi %add3A_604, %add3A_615 : i32
      %jit3A_617 = arith.constant 224 : i32
      %div3A_618 = arith.divsi %add3A_616, %jit3A_617 : i32
      %sign3A_619 = arith.constant 0 : i32
      %sign3A_620 = arith.cmpi sgt, %add3A_616, %sign3A_619 : i32
      %sign3A_621 = arith.extui %sign3A_620 : i1 to i32
      %sign3A_622 = arith.constant 0 : i32
      %sign3A_623 = arith.cmpi slt, %add3A_616, %sign3A_622 : i32
      %sign3A_624 = arith.extui %sign3A_623 : i1 to i32
      %sign3A_625 = arith.subi %sign3A_621, %sign3A_624 : i32
      %sign3A_626 = arith.constant 0 : i32
      %sign3A_627 = arith.cmpi sgt, %jit3A_617, %sign3A_626 : i32
      %sign3A_628 = arith.extui %sign3A_627 : i1 to i32
      %sign3A_629 = arith.constant 0 : i32
      %sign3A_630 = arith.cmpi slt, %jit3A_617, %sign3A_629 : i32
      %sign3A_631 = arith.extui %sign3A_630 : i1 to i32
      %sign3A_632 = arith.subi %sign3A_628, %sign3A_631 : i32
      %ne3A_633 = arith.cmpi ne, %sign3A_625, %sign3A_632 : i32
      %rem3A_634 = arith.remsi %add3A_616, %jit3A_617 : i32
      %ne3A_635 = arith.constant 0 : i32
      %ne3A_636 = arith.cmpi ne, %rem3A_634, %ne3A_635 : i32
      %and3A_637 = arith.andi %ne3A_633, %ne3A_636 : i1
      %sub3A_638 = arith.constant 1 : i32
      %sub3A_639 = arith.subi %div3A_618, %sub3A_638 : i32
      %select_n3A_640 = arith.select %and3A_637, %sub3A_639, %div3A_618 : i32
      %mul3A_641 = arith.constant 224 : i32
      %mul3A_642 = arith.muli %select_n3A_640, %mul3A_641 : i32
      %sub3A_643 = arith.subi %add3A_616, %mul3A_642 : i32
      %dma_start3A_644 = arith.constant 0 : i32
      %dma_start3A_645 = arith.constant 0 : i32
      %dma_start3A_646 = tpu.memref_slice %arg2[%select_n3A_640, %sub3A_643, %dma_start3A_644, %dma_start3A_645] : memref<3x224x224x128xf32, #tpu.memory_space<hbm>> -> memref<1x1x224x128xf32, #tpu.memory_space<hbm>>
      %dma_start3A_647 = tpu.memref_squeeze %dma_start3A_646 : memref<1x1x224x128xf32, #tpu.memory_space<hbm>> -> memref<224x128xf32, #tpu.memory_space<hbm>>
      %dma_start3A_648 = arith.constant 0 : i32
      %dma_start3A_649 = arith.constant 0 : i32
      %dma_start3A_650 = tpu.memref_slice %arg2[%select_n3A_640, %sub3A_643, %dma_start3A_648, %dma_start3A_649] : memref<3x224x224x128xf32, #tpu.memory_space<hbm>> -> memref<1x1x224x128xf32, #tpu.memory_space<hbm>>
      %dma_start3A_651 = tpu.memref_squeeze %dma_start3A_650 : memref<1x1x224x128xf32, #tpu.memory_space<hbm>> -> memref<224x128xf32, #tpu.memory_space<hbm>>
      tpu.enqueue_dma source(%dma_start3A_651 : memref<224x128xf32, #tpu.memory_space<hbm>>) target(%arg5 : memref<224x128xf32, #tpu.memory_space<vmem>>) target_semaphore(%arg9 : memref<!tpu.dma_semaphore, #tpu.memory_space<semaphore_mem>>)
      %gt3A = arith.constant 0 : i32
      %gt3A_652 = arith.cmpi sgt, %scan3A_601, %gt3A : i32
      %convert_element_type3A = arith.extui %gt3A_652 : i1 to i32
      %cond3A = arith.constant 0 : i32
      %cond3A_653 = arith.cmpi ne, %convert_element_type3A, %cond3A : i32
      scf.if %cond3A_653 {
        %dma_wait3A_1050 = arith.constant 0 : i32
        %dma_wait3A_1051 = tpu.memref_slice %arg6[%dma_wait3A_1050] : memref<3584xf32, #tpu.memory_space<vmem>> -> memref<224xf32, #tpu.memory_space<vmem>>
        %dma_wait3A_1052 = arith.constant 0 : i32
        %dma_wait3A_1053 = tpu.memref_slice %arg3[%dma_wait3A_1052] : memref<2408448xf32, #tpu.memory_space<hbm>> -> memref<224xf32, #tpu.memory_space<hbm>>
        %dma_wait3A_1054 = arith.constant 0 : i32
        %dma_wait3A_1055 = tpu.memref_slice %arg6[%dma_wait3A_1054] : memref<3584xf32, #tpu.memory_space<vmem>> -> memref<224xf32, #tpu.memory_space<vmem>>
        %dma_wait3A_1056 = arith.constant 0 : i32
        %dma_wait3A_1057 = tpu.memref_slice %arg3[%dma_wait3A_1056] : memref<2408448xf32, #tpu.memory_space<hbm>> -> memref<224xf32, #tpu.memory_space<hbm>>
        tpu.wait_dma2 semaphore(%arg10 : memref<!tpu.dma_semaphore, #tpu.memory_space<semaphore_mem>>) src(%dma_wait3A_1057 : memref<224xf32, #tpu.memory_space<hbm>>) dst(%dma_wait3A_1055 : memref<224xf32, #tpu.memory_space<vmem>>)
        %dma_wait3A_1058 = arith.constant 224 : i32
        %dma_wait3A_1059 = tpu.memref_slice %arg6[%dma_wait3A_1058] : memref<3584xf32, #tpu.memory_space<vmem>> -> memref<224xf32, #tpu.memory_space<vmem>>
        %dma_wait3A_1060 = arith.constant 0 : i32
        %dma_wait3A_1061 = tpu.memref_slice %arg3[%dma_wait3A_1060] : memref<2408448xf32, #tpu.memory_space<hbm>> -> memref<224xf32, #tpu.memory_space<hbm>>
        %dma_wait3A_1062 = arith.constant 224 : i32
        %dma_wait3A_1063 = tpu.memref_slice %arg6[%dma_wait3A_1062] : memref<3584xf32, #tpu.memory_space<vmem>> -> memref<224xf32, #tpu.memory_space<vmem>>
        %dma_wait3A_1064 = arith.constant 0 : i32
        %dma_wait3A_1065 = tpu.memref_slice %arg3[%dma_wait3A_1064] : memref<2408448xf32, #tpu.memory_space<hbm>> -> memref<224xf32, #tpu.memory_space<hbm>>
        tpu.wait_dma2 semaphore(%arg10 : memref<!tpu.dma_semaphore, #tpu.memory_space<semaphore_mem>>) src(%dma_wait3A_1065 : memref<224xf32, #tpu.memory_space<hbm>>) dst(%dma_wait3A_1063 : memref<224xf32, #tpu.memory_space<vmem>>)
        %dma_wait3A_1066 = arith.constant 448 : i32
        %dma_wait3A_1067 = tpu.memref_slice %arg6[%dma_wait3A_1066] : memref<3584xf32, #tpu.memory_space<vmem>> -> memref<224xf32, #tpu.memory_space<vmem>>
        %dma_wait3A_1068 = arith.constant 0 : i32
        %dma_wait3A_1069 = tpu.memref_slice %arg3[%dma_wait3A_1068] : memref<2408448xf32, #tpu.memory_space<hbm>> -> memref<224xf32, #tpu.memory_space<hbm>>
        %dma_wait3A_1070 = arith.constant 448 : i32
        %dma_wait3A_1071 = tpu.memref_slice %arg6[%dma_wait3A_1070] : memref<3584xf32, #tpu.memory_space<vmem>> -> memref<224xf32, #tpu.memory_space<vmem>>
        %dma_wait3A_1072 = arith.constant 0 : i32
        %dma_wait3A_1073 = tpu.memref_slice %arg3[%dma_wait3A_1072] : memref<2408448xf32, #tpu.memory_space<hbm>> -> memref<224xf32, #tpu.memory_space<hbm>>
        tpu.wait_dma2 semaphore(%arg10 : memref<!tpu.dma_semaphore, #tpu.memory_space<semaphore_mem>>) src(%dma_wait3A_1073 : memref<224xf32, #tpu.memory_space<hbm>>) dst(%dma_wait3A_1071 : memref<224xf32, #tpu.memory_space<vmem>>)
        %dma_wait3A_1074 = arith.constant 672 : i32
        %dma_wait3A_1075 = tpu.memref_slice %arg6[%dma_wait3A_1074] : memref<3584xf32, #tpu.memory_space<vmem>> -> memref<224xf32, #tpu.memory_space<vmem>>
        %dma_wait3A_1076 = arith.constant 0 : i32
        %dma_wait3A_1077 = tpu.memref_slice %arg3[%dma_wait3A_1076] : memref<2408448xf32, #tpu.memory_space<hbm>> -> memref<224xf32, #tpu.memory_space<hbm>>
        %dma_wait3A_1078 = arith.constant 672 : i32
        %dma_wait3A_1079 = tpu.memref_slice %arg6[%dma_wait3A_1078] : memref<3584xf32, #tpu.memory_space<vmem>> -> memref<224xf32, #tpu.memory_space<vmem>>
        %dma_wait3A_1080 = arith.constant 0 : i32
        %dma_wait3A_1081 = tpu.memref_slice %arg3[%dma_wait3A_1080] : memref<2408448xf32, #tpu.memory_space<hbm>> -> memref<224xf32, #tpu.memory_space<hbm>>
        tpu.wait_dma2 semaphore(%arg10 : memref<!tpu.dma_semaphore, #tpu.memory_space<semaphore_mem>>) src(%dma_wait3A_1081 : memref<224xf32, #tpu.memory_space<hbm>>) dst(%dma_wait3A_1079 : memref<224xf32, #tpu.memory_space<vmem>>)
        %dma_wait3A_1082 = arith.constant 896 : i32
        %dma_wait3A_1083 = tpu.memref_slice %arg6[%dma_wait3A_1082] : memref<3584xf32, #tpu.memory_space<vmem>> -> memref<224xf32, #tpu.memory_space<vmem>>
        %dma_wait3A_1084 = arith.constant 0 : i32
        %dma_wait3A_1085 = tpu.memref_slice %arg3[%dma_wait3A_1084] : memref<2408448xf32, #tpu.memory_space<hbm>> -> memref<224xf32, #tpu.memory_space<hbm>>
        %dma_wait3A_1086 = arith.constant 896 : i32
        %dma_wait3A_1087 = tpu.memref_slice %arg6[%dma_wait3A_1086] : memref<3584xf32, #tpu.memory_space<vmem>> -> memref<224xf32, #tpu.memory_space<vmem>>
        %dma_wait3A_1088 = arith.constant 0 : i32
        %dma_wait3A_1089 = tpu.memref_slice %arg3[%dma_wait3A_1088] : memref<2408448xf32, #tpu.memory_space<hbm>> -> memref<224xf32, #tpu.memory_space<hbm>>
        tpu.wait_dma2 semaphore(%arg10 : memref<!tpu.dma_semaphore, #tpu.memory_space<semaphore_mem>>) src(%dma_wait3A_1089 : memref<224xf32, #tpu.memory_space<hbm>>) dst(%dma_wait3A_1087 : memref<224xf32, #tpu.memory_space<vmem>>)
        %dma_wait3A_1090 = arith.constant 1120 : i32
        %dma_wait3A_1091 = tpu.memref_slice %arg6[%dma_wait3A_1090] : memref<3584xf32, #tpu.memory_space<vmem>> -> memref<224xf32, #tpu.memory_space<vmem>>
        %dma_wait3A_1092 = arith.constant 0 : i32
        %dma_wait3A_1093 = tpu.memref_slice %arg3[%dma_wait3A_1092] : memref<2408448xf32, #tpu.memory_space<hbm>> -> memref<224xf32, #tpu.memory_space<hbm>>
        %dma_wait3A_1094 = arith.constant 1120 : i32
        %dma_wait3A_1095 = tpu.memref_slice %arg6[%dma_wait3A_1094] : memref<3584xf32, #tpu.memory_space<vmem>> -> memref<224xf32, #tpu.memory_space<vmem>>
        %dma_wait3A_1096 = arith.constant 0 : i32
        %dma_wait3A_1097 = tpu.memref_slice %arg3[%dma_wait3A_1096] : memref<2408448xf32, #tpu.memory_space<hbm>> -> memref<224xf32, #tpu.memory_space<hbm>>
        tpu.wait_dma2 semaphore(%arg10 : memref<!tpu.dma_semaphore, #tpu.memory_space<semaphore_mem>>) src(%dma_wait3A_1097 : memref<224xf32, #tpu.memory_space<hbm>>) dst(%dma_wait3A_1095 : memref<224xf32, #tpu.memory_space<vmem>>)
        %dma_wait3A_1098 = arith.constant 1344 : i32
        %dma_wait3A_1099 = tpu.memref_slice %arg6[%dma_wait3A_1098] : memref<3584xf32, #tpu.memory_space<vmem>> -> memref<224xf32, #tpu.memory_space<vmem>>
        %dma_wait3A_1100 = arith.constant 0 : i32
        %dma_wait3A_1101 = tpu.memref_slice %arg3[%dma_wait3A_1100] : memref<2408448xf32, #tpu.memory_space<hbm>> -> memref<224xf32, #tpu.memory_space<hbm>>
        %dma_wait3A_1102 = arith.constant 1344 : i32
        %dma_wait3A_1103 = tpu.memref_slice %arg6[%dma_wait3A_1102] : memref<3584xf32, #tpu.memory_space<vmem>> -> memref<224xf32, #tpu.memory_space<vmem>>
        %dma_wait3A_1104 = arith.constant 0 : i32
        %dma_wait3A_1105 = tpu.memref_slice %arg3[%dma_wait3A_1104] : memref<2408448xf32, #tpu.memory_space<hbm>> -> memref<224xf32, #tpu.memory_space<hbm>>
        tpu.wait_dma2 semaphore(%arg10 : memref<!tpu.dma_semaphore, #tpu.memory_space<semaphore_mem>>) src(%dma_wait3A_1105 : memref<224xf32, #tpu.memory_space<hbm>>) dst(%dma_wait3A_1103 : memref<224xf32, #tpu.memory_space<vmem>>)
        %dma_wait3A_1106 = arith.constant 1568 : i32
        %dma_wait3A_1107 = tpu.memref_slice %arg6[%dma_wait3A_1106] : memref<3584xf32, #tpu.memory_space<vmem>> -> memref<224xf32, #tpu.memory_space<vmem>>
        %dma_wait3A_1108 = arith.constant 0 : i32
        %dma_wait3A_1109 = tpu.memref_slice %arg3[%dma_wait3A_1108] : memref<2408448xf32, #tpu.memory_space<hbm>> -> memref<224xf32, #tpu.memory_space<hbm>>
        %dma_wait3A_1110 = arith.constant 1568 : i32
        %dma_wait3A_1111 = tpu.memref_slice %arg6[%dma_wait3A_1110] : memref<3584xf32, #tpu.memory_space<vmem>> -> memref<224xf32, #tpu.memory_space<vmem>>
        %dma_wait3A_1112 = arith.constant 0 : i32
        %dma_wait3A_1113 = tpu.memref_slice %arg3[%dma_wait3A_1112] : memref<2408448xf32, #tpu.memory_space<hbm>> -> memref<224xf32, #tpu.memory_space<hbm>>
        tpu.wait_dma2 semaphore(%arg10 : memref<!tpu.dma_semaphore, #tpu.memory_space<semaphore_mem>>) src(%dma_wait3A_1113 : memref<224xf32, #tpu.memory_space<hbm>>) dst(%dma_wait3A_1111 : memref<224xf32, #tpu.memory_space<vmem>>)
        %dma_wait3A_1114 = arith.constant 1792 : i32
        %dma_wait3A_1115 = tpu.memref_slice %arg6[%dma_wait3A_1114] : memref<3584xf32, #tpu.memory_space<vmem>> -> memref<224xf32, #tpu.memory_space<vmem>>
        %dma_wait3A_1116 = arith.constant 0 : i32
        %dma_wait3A_1117 = tpu.memref_slice %arg3[%dma_wait3A_1116] : memref<2408448xf32, #tpu.memory_space<hbm>> -> memref<224xf32, #tpu.memory_space<hbm>>
        %dma_wait3A_1118 = arith.constant 1792 : i32
        %dma_wait3A_1119 = tpu.memref_slice %arg6[%dma_wait3A_1118] : memref<3584xf32, #tpu.memory_space<vmem>> -> memref<224xf32, #tpu.memory_space<vmem>>
        %dma_wait3A_1120 = arith.constant 0 : i32
        %dma_wait3A_1121 = tpu.memref_slice %arg3[%dma_wait3A_1120] : memref<2408448xf32, #tpu.memory_space<hbm>> -> memref<224xf32, #tpu.memory_space<hbm>>
        tpu.wait_dma2 semaphore(%arg10 : memref<!tpu.dma_semaphore, #tpu.memory_space<semaphore_mem>>) src(%dma_wait3A_1121 : memref<224xf32, #tpu.memory_space<hbm>>) dst(%dma_wait3A_1119 : memref<224xf32, #tpu.memory_space<vmem>>)
        %dma_wait3A_1122 = arith.constant 2016 : i32
        %dma_wait3A_1123 = tpu.memref_slice %arg6[%dma_wait3A_1122] : memref<3584xf32, #tpu.memory_space<vmem>> -> memref<224xf32, #tpu.memory_space<vmem>>
        %dma_wait3A_1124 = arith.constant 0 : i32
        %dma_wait3A_1125 = tpu.memref_slice %arg3[%dma_wait3A_1124] : memref<2408448xf32, #tpu.memory_space<hbm>> -> memref<224xf32, #tpu.memory_space<hbm>>
        %dma_wait3A_1126 = arith.constant 2016 : i32
        %dma_wait3A_1127 = tpu.memref_slice %arg6[%dma_wait3A_1126] : memref<3584xf32, #tpu.memory_space<vmem>> -> memref<224xf32, #tpu.memory_space<vmem>>
        %dma_wait3A_1128 = arith.constant 0 : i32
        %dma_wait3A_1129 = tpu.memref_slice %arg3[%dma_wait3A_1128] : memref<2408448xf32, #tpu.memory_space<hbm>> -> memref<224xf32, #tpu.memory_space<hbm>>
        tpu.wait_dma2 semaphore(%arg10 : memref<!tpu.dma_semaphore, #tpu.memory_space<semaphore_mem>>) src(%dma_wait3A_1129 : memref<224xf32, #tpu.memory_space<hbm>>) dst(%dma_wait3A_1127 : memref<224xf32, #tpu.memory_space<vmem>>)
        %dma_wait3A_1130 = arith.constant 2240 : i32
        %dma_wait3A_1131 = tpu.memref_slice %arg6[%dma_wait3A_1130] : memref<3584xf32, #tpu.memory_space<vmem>> -> memref<224xf32, #tpu.memory_space<vmem>>
        %dma_wait3A_1132 = arith.constant 0 : i32
        %dma_wait3A_1133 = tpu.memref_slice %arg3[%dma_wait3A_1132] : memref<2408448xf32, #tpu.memory_space<hbm>> -> memref<224xf32, #tpu.memory_space<hbm>>
        %dma_wait3A_1134 = arith.constant 2240 : i32
        %dma_wait3A_1135 = tpu.memref_slice %arg6[%dma_wait3A_1134] : memref<3584xf32, #tpu.memory_space<vmem>> -> memref<224xf32, #tpu.memory_space<vmem>>
        %dma_wait3A_1136 = arith.constant 0 : i32
        %dma_wait3A_1137 = tpu.memref_slice %arg3[%dma_wait3A_1136] : memref<2408448xf32, #tpu.memory_space<hbm>> -> memref<224xf32, #tpu.memory_space<hbm>>
        tpu.wait_dma2 semaphore(%arg10 : memref<!tpu.dma_semaphore, #tpu.memory_space<semaphore_mem>>) src(%dma_wait3A_1137 : memref<224xf32, #tpu.memory_space<hbm>>) dst(%dma_wait3A_1135 : memref<224xf32, #tpu.memory_space<vmem>>)
        %dma_wait3A_1138 = arith.constant 2464 : i32
        %dma_wait3A_1139 = tpu.memref_slice %arg6[%dma_wait3A_1138] : memref<3584xf32, #tpu.memory_space<vmem>> -> memref<224xf32, #tpu.memory_space<vmem>>
        %dma_wait3A_1140 = arith.constant 0 : i32
        %dma_wait3A_1141 = tpu.memref_slice %arg3[%dma_wait3A_1140] : memref<2408448xf32, #tpu.memory_space<hbm>> -> memref<224xf32, #tpu.memory_space<hbm>>
        %dma_wait3A_1142 = arith.constant 2464 : i32
        %dma_wait3A_1143 = tpu.memref_slice %arg6[%dma_wait3A_1142] : memref<3584xf32, #tpu.memory_space<vmem>> -> memref<224xf32, #tpu.memory_space<vmem>>
        %dma_wait3A_1144 = arith.constant 0 : i32
        %dma_wait3A_1145 = tpu.memref_slice %arg3[%dma_wait3A_1144] : memref<2408448xf32, #tpu.memory_space<hbm>> -> memref<224xf32, #tpu.memory_space<hbm>>
        tpu.wait_dma2 semaphore(%arg10 : memref<!tpu.dma_semaphore, #tpu.memory_space<semaphore_mem>>) src(%dma_wait3A_1145 : memref<224xf32, #tpu.memory_space<hbm>>) dst(%dma_wait3A_1143 : memref<224xf32, #tpu.memory_space<vmem>>)
        %dma_wait3A_1146 = arith.constant 2688 : i32
        %dma_wait3A_1147 = tpu.memref_slice %arg6[%dma_wait3A_1146] : memref<3584xf32, #tpu.memory_space<vmem>> -> memref<224xf32, #tpu.memory_space<vmem>>
        %dma_wait3A_1148 = arith.constant 0 : i32
        %dma_wait3A_1149 = tpu.memref_slice %arg3[%dma_wait3A_1148] : memref<2408448xf32, #tpu.memory_space<hbm>> -> memref<224xf32, #tpu.memory_space<hbm>>
        %dma_wait3A_1150 = arith.constant 2688 : i32
        %dma_wait3A_1151 = tpu.memref_slice %arg6[%dma_wait3A_1150] : memref<3584xf32, #tpu.memory_space<vmem>> -> memref<224xf32, #tpu.memory_space<vmem>>
        %dma_wait3A_1152 = arith.constant 0 : i32
        %dma_wait3A_1153 = tpu.memref_slice %arg3[%dma_wait3A_1152] : memref<2408448xf32, #tpu.memory_space<hbm>> -> memref<224xf32, #tpu.memory_space<hbm>>
        tpu.wait_dma2 semaphore(%arg10 : memref<!tpu.dma_semaphore, #tpu.memory_space<semaphore_mem>>) src(%dma_wait3A_1153 : memref<224xf32, #tpu.memory_space<hbm>>) dst(%dma_wait3A_1151 : memref<224xf32, #tpu.memory_space<vmem>>)
        %dma_wait3A_1154 = arith.constant 2912 : i32
        %dma_wait3A_1155 = tpu.memref_slice %arg6[%dma_wait3A_1154] : memref<3584xf32, #tpu.memory_space<vmem>> -> memref<224xf32, #tpu.memory_space<vmem>>
        %dma_wait3A_1156 = arith.constant 0 : i32
        %dma_wait3A_1157 = tpu.memref_slice %arg3[%dma_wait3A_1156] : memref<2408448xf32, #tpu.memory_space<hbm>> -> memref<224xf32, #tpu.memory_space<hbm>>
        %dma_wait3A_1158 = arith.constant 2912 : i32
        %dma_wait3A_1159 = tpu.memref_slice %arg6[%dma_wait3A_1158] : memref<3584xf32, #tpu.memory_space<vmem>> -> memref<224xf32, #tpu.memory_space<vmem>>
        %dma_wait3A_1160 = arith.constant 0 : i32
        %dma_wait3A_1161 = tpu.memref_slice %arg3[%dma_wait3A_1160] : memref<2408448xf32, #tpu.memory_space<hbm>> -> memref<224xf32, #tpu.memory_space<hbm>>
        tpu.wait_dma2 semaphore(%arg10 : memref<!tpu.dma_semaphore, #tpu.memory_space<semaphore_mem>>) src(%dma_wait3A_1161 : memref<224xf32, #tpu.memory_space<hbm>>) dst(%dma_wait3A_1159 : memref<224xf32, #tpu.memory_space<vmem>>)
        %dma_wait3A_1162 = arith.constant 3136 : i32
        %dma_wait3A_1163 = tpu.memref_slice %arg6[%dma_wait3A_1162] : memref<3584xf32, #tpu.memory_space<vmem>> -> memref<224xf32, #tpu.memory_space<vmem>>
        %dma_wait3A_1164 = arith.constant 0 : i32
        %dma_wait3A_1165 = tpu.memref_slice %arg3[%dma_wait3A_1164] : memref<2408448xf32, #tpu.memory_space<hbm>> -> memref<224xf32, #tpu.memory_space<hbm>>
        %dma_wait3A_1166 = arith.constant 3136 : i32
        %dma_wait3A_1167 = tpu.memref_slice %arg6[%dma_wait3A_1166] : memref<3584xf32, #tpu.memory_space<vmem>> -> memref<224xf32, #tpu.memory_space<vmem>>
        %dma_wait3A_1168 = arith.constant 0 : i32
        %dma_wait3A_1169 = tpu.memref_slice %arg3[%dma_wait3A_1168] : memref<2408448xf32, #tpu.memory_space<hbm>> -> memref<224xf32, #tpu.memory_space<hbm>>
        tpu.wait_dma2 semaphore(%arg10 : memref<!tpu.dma_semaphore, #tpu.memory_space<semaphore_mem>>) src(%dma_wait3A_1169 : memref<224xf32, #tpu.memory_space<hbm>>) dst(%dma_wait3A_1167 : memref<224xf32, #tpu.memory_space<vmem>>)
        %dma_wait3A_1170 = arith.constant 3360 : i32
        %dma_wait3A_1171 = tpu.memref_slice %arg6[%dma_wait3A_1170] : memref<3584xf32, #tpu.memory_space<vmem>> -> memref<224xf32, #tpu.memory_space<vmem>>
        %dma_wait3A_1172 = arith.constant 0 : i32
        %dma_wait3A_1173 = tpu.memref_slice %arg3[%dma_wait3A_1172] : memref<2408448xf32, #tpu.memory_space<hbm>> -> memref<224xf32, #tpu.memory_space<hbm>>
        %dma_wait3A_1174 = arith.constant 3360 : i32
        %dma_wait3A_1175 = tpu.memref_slice %arg6[%dma_wait3A_1174] : memref<3584xf32, #tpu.memory_space<vmem>> -> memref<224xf32, #tpu.memory_space<vmem>>
        %dma_wait3A_1176 = arith.constant 0 : i32
        %dma_wait3A_1177 = tpu.memref_slice %arg3[%dma_wait3A_1176] : memref<2408448xf32, #tpu.memory_space<hbm>> -> memref<224xf32, #tpu.memory_space<hbm>>
        tpu.wait_dma2 semaphore(%arg10 : memref<!tpu.dma_semaphore, #tpu.memory_space<semaphore_mem>>) src(%dma_wait3A_1177 : memref<224xf32, #tpu.memory_space<hbm>>) dst(%dma_wait3A_1175 : memref<224xf32, #tpu.memory_space<vmem>>)
      } else {
      }
      %iota3A_654 = tpu.iota {dimensions = array<i32: 0>} : vector<16xi32>
      %scan3A_655 = arith.constant 0 : i32
      %scan3A_656 = arith.constant 0 : i32
      %scan3A_657 = arith.constant 16 : i32
      %scan3A_658 = arith.addi %scan3A_656, %scan3A_657 : i32
      %scan3A_659 = arith.constant 1 : i32
      scf.for %scan3A_1050 = %scan3A_656 to %scan3A_658 step %scan3A_659  : i32 {
        %add3A_1051 = vector.broadcast %scan3A_1050 : i32 to vector<16xi32>
        %add3A_1052 = arith.addi %add3A_1051, %iota3A_654 : vector<16xi32>
        %and3A_1053 = arith.constant 15 : i32
        %and3A_1054 = vector.broadcast %and3A_1053 : i32 to vector<16xi32>
        %and3A_1055 = arith.andi %add3A_1052, %and3A_1054 : vector<16xi32>
        %mul3A_1056 = arith.constant 4 : i32
        %mul3A_1057 = vector.broadcast %mul3A_1056 : i32 to vector<16xi32>
        %mul3A_1058 = arith.muli %mul3A_1057, %and3A_1055 : vector<16xi32>
        %add3A_1059 = arith.constant 33 : i32
        %add3A_1060 = vector.broadcast %add3A_1059 : i32 to vector<16xi32>
        %add3A_1061 = arith.addi %add3A_1060, %mul3A_1058 : vector<16xi32>
        %mul3A_1062 = arith.constant 224 : i32
        %mul3A_1063 = vector.broadcast %mul3A_1062 : i32 to vector<16xi32>
        %mul3A_1064 = arith.muli %and3A_1055, %mul3A_1063 : vector<16xi32>
        %add3A_1065 = arith.constant 0 : i32
        %add3A_1066 = vector.broadcast %add3A_1065 : i32 to vector<16xi32>
        %add3A_1067 = arith.addi %add3A_1066, %iota3A_654 : vector<16xi32>
        %gather3A = tpu.vector_load_idx %arg4[%add3A_1067, %add3A_1061] : memref<224x128xf32, #tpu.memory_space<vmem>>[vector<16xi32>, vector<16xi32>], vector<16xf32>,
        %add3A_1068 = arith.addi %mul3A_1064, %add3A_1067 : vector<16xi32>
        tpu.vector_store_idx %arg6[%add3A_1068], %gather3A : memref<3584xf32, #tpu.memory_space<vmem>>[vector<16xi32>], vector<16xf32>,
        %add3A_1069 = arith.constant 16 : i32
        %add3A_1070 = vector.broadcast %add3A_1069 : i32 to vector<16xi32>
        %add3A_1071 = arith.addi %add3A_1070, %iota3A_654 : vector<16xi32>
        %gather3A_1072 = tpu.vector_load_idx %arg4[%add3A_1071, %add3A_1061] : memref<224x128xf32, #tpu.memory_space<vmem>>[vector<16xi32>, vector<16xi32>], vector<16xf32>,
        %add3A_1073 = arith.addi %mul3A_1064, %add3A_1071 : vector<16xi32>
        tpu.vector_store_idx %arg6[%add3A_1073], %gather3A_1072 : memref<3584xf32, #tpu.memory_space<vmem>>[vector<16xi32>], vector<16xf32>,
        %add3A_1074 = arith.constant 32 : i32
        %add3A_1075 = vector.broadcast %add3A_1074 : i32 to vector<16xi32>
        %add3A_1076 = arith.addi %add3A_1075, %iota3A_654 : vector<16xi32>
        %gather3A_1077 = tpu.vector_load_idx %arg4[%add3A_1076, %add3A_1061] : memref<224x128xf32, #tpu.memory_space<vmem>>[vector<16xi32>, vector<16xi32>], vector<16xf32>,
        %add3A_1078 = arith.addi %mul3A_1064, %add3A_1076 : vector<16xi32>
        tpu.vector_store_idx %arg6[%add3A_1078], %gather3A_1077 : memref<3584xf32, #tpu.memory_space<vmem>>[vector<16xi32>], vector<16xf32>,
        %add3A_1079 = arith.constant 48 : i32
        %add3A_1080 = vector.broadcast %add3A_1079 : i32 to vector<16xi32>
        %add3A_1081 = arith.addi %add3A_1080, %iota3A_654 : vector<16xi32>
        %gather3A_1082 = tpu.vector_load_idx %arg4[%add3A_1081, %add3A_1061] : memref<224x128xf32, #tpu.memory_space<vmem>>[vector<16xi32>, vector<16xi32>], vector<16xf32>,
        %add3A_1083 = arith.addi %mul3A_1064, %add3A_1081 : vector<16xi32>
        tpu.vector_store_idx %arg6[%add3A_1083], %gather3A_1082 : memref<3584xf32, #tpu.memory_space<vmem>>[vector<16xi32>], vector<16xf32>,
        %add3A_1084 = arith.constant 64 : i32
        %add3A_1085 = vector.broadcast %add3A_1084 : i32 to vector<16xi32>
        %add3A_1086 = arith.addi %add3A_1085, %iota3A_654 : vector<16xi32>
        %gather3A_1087 = tpu.vector_load_idx %arg4[%add3A_1086, %add3A_1061] : memref<224x128xf32, #tpu.memory_space<vmem>>[vector<16xi32>, vector<16xi32>], vector<16xf32>,
        %add3A_1088 = arith.addi %mul3A_1064, %add3A_1086 : vector<16xi32>
        tpu.vector_store_idx %arg6[%add3A_1088], %gather3A_1087 : memref<3584xf32, #tpu.memory_space<vmem>>[vector<16xi32>], vector<16xf32>,
        %add3A_1089 = arith.constant 80 : i32
        %add3A_1090 = vector.broadcast %add3A_1089 : i32 to vector<16xi32>
        %add3A_1091 = arith.addi %add3A_1090, %iota3A_654 : vector<16xi32>
        %gather3A_1092 = tpu.vector_load_idx %arg4[%add3A_1091, %add3A_1061] : memref<224x128xf32, #tpu.memory_space<vmem>>[vector<16xi32>, vector<16xi32>], vector<16xf32>,
        %add3A_1093 = arith.addi %mul3A_1064, %add3A_1091 : vector<16xi32>
        tpu.vector_store_idx %arg6[%add3A_1093], %gather3A_1092 : memref<3584xf32, #tpu.memory_space<vmem>>[vector<16xi32>], vector<16xf32>,
        %add3A_1094 = arith.constant 96 : i32
        %add3A_1095 = vector.broadcast %add3A_1094 : i32 to vector<16xi32>
        %add3A_1096 = arith.addi %add3A_1095, %iota3A_654 : vector<16xi32>
        %gather3A_1097 = tpu.vector_load_idx %arg4[%add3A_1096, %add3A_1061] : memref<224x128xf32, #tpu.memory_space<vmem>>[vector<16xi32>, vector<16xi32>], vector<16xf32>,
        %add3A_1098 = arith.addi %mul3A_1064, %add3A_1096 : vector<16xi32>
        tpu.vector_store_idx %arg6[%add3A_1098], %gather3A_1097 : memref<3584xf32, #tpu.memory_space<vmem>>[vector<16xi32>], vector<16xf32>,
        %add3A_1099 = arith.constant 112 : i32
        %add3A_1100 = vector.broadcast %add3A_1099 : i32 to vector<16xi32>
        %add3A_1101 = arith.addi %add3A_1100, %iota3A_654 : vector<16xi32>
        %gather3A_1102 = tpu.vector_load_idx %arg4[%add3A_1101, %add3A_1061] : memref<224x128xf32, #tpu.memory_space<vmem>>[vector<16xi32>, vector<16xi32>], vector<16xf32>,
        %add3A_1103 = arith.addi %mul3A_1064, %add3A_1101 : vector<16xi32>
        tpu.vector_store_idx %arg6[%add3A_1103], %gather3A_1102 : memref<3584xf32, #tpu.memory_space<vmem>>[vector<16xi32>], vector<16xf32>,
        %add3A_1104 = arith.constant 128 : i32
        %add3A_1105 = vector.broadcast %add3A_1104 : i32 to vector<16xi32>
        %add3A_1106 = arith.addi %add3A_1105, %iota3A_654 : vector<16xi32>
        %gather3A_1107 = tpu.vector_load_idx %arg4[%add3A_1106, %add3A_1061] : memref<224x128xf32, #tpu.memory_space<vmem>>[vector<16xi32>, vector<16xi32>], vector<16xf32>,
        %add3A_1108 = arith.addi %mul3A_1064, %add3A_1106 : vector<16xi32>
        tpu.vector_store_idx %arg6[%add3A_1108], %gather3A_1107 : memref<3584xf32, #tpu.memory_space<vmem>>[vector<16xi32>], vector<16xf32>,
        %add3A_1109 = arith.constant 144 : i32
        %add3A_1110 = vector.broadcast %add3A_1109 : i32 to vector<16xi32>
        %add3A_1111 = arith.addi %add3A_1110, %iota3A_654 : vector<16xi32>
        %gather3A_1112 = tpu.vector_load_idx %arg4[%add3A_1111, %add3A_1061] : memref<224x128xf32, #tpu.memory_space<vmem>>[vector<16xi32>, vector<16xi32>], vector<16xf32>,
        %add3A_1113 = arith.addi %mul3A_1064, %add3A_1111 : vector<16xi32>
        tpu.vector_store_idx %arg6[%add3A_1113], %gather3A_1112 : memref<3584xf32, #tpu.memory_space<vmem>>[vector<16xi32>], vector<16xf32>,
        %add3A_1114 = arith.constant 160 : i32
        %add3A_1115 = vector.broadcast %add3A_1114 : i32 to vector<16xi32>
        %add3A_1116 = arith.addi %add3A_1115, %iota3A_654 : vector<16xi32>
        %gather3A_1117 = tpu.vector_load_idx %arg4[%add3A_1116, %add3A_1061] : memref<224x128xf32, #tpu.memory_space<vmem>>[vector<16xi32>, vector<16xi32>], vector<16xf32>,
        %add3A_1118 = arith.addi %mul3A_1064, %add3A_1116 : vector<16xi32>
        tpu.vector_store_idx %arg6[%add3A_1118], %gather3A_1117 : memref<3584xf32, #tpu.memory_space<vmem>>[vector<16xi32>], vector<16xf32>,
        %add3A_1119 = arith.constant 176 : i32
        %add3A_1120 = vector.broadcast %add3A_1119 : i32 to vector<16xi32>
        %add3A_1121 = arith.addi %add3A_1120, %iota3A_654 : vector<16xi32>
        %gather3A_1122 = tpu.vector_load_idx %arg4[%add3A_1121, %add3A_1061] : memref<224x128xf32, #tpu.memory_space<vmem>>[vector<16xi32>, vector<16xi32>], vector<16xf32>,
        %add3A_1123 = arith.addi %mul3A_1064, %add3A_1121 : vector<16xi32>
        tpu.vector_store_idx %arg6[%add3A_1123], %gather3A_1122 : memref<3584xf32, #tpu.memory_space<vmem>>[vector<16xi32>], vector<16xf32>,
        %add3A_1124 = arith.constant 192 : i32
        %add3A_1125 = vector.broadcast %add3A_1124 : i32 to vector<16xi32>
        %add3A_1126 = arith.addi %add3A_1125, %iota3A_654 : vector<16xi32>
        %gather3A_1127 = tpu.vector_load_idx %arg4[%add3A_1126, %add3A_1061] : memref<224x128xf32, #tpu.memory_space<vmem>>[vector<16xi32>, vector<16xi32>], vector<16xf32>,
        %add3A_1128 = arith.addi %mul3A_1064, %add3A_1126 : vector<16xi32>
        tpu.vector_store_idx %arg6[%add3A_1128], %gather3A_1127 : memref<3584xf32, #tpu.memory_space<vmem>>[vector<16xi32>], vector<16xf32>,
        %add3A_1129 = arith.constant 208 : i32
        %add3A_1130 = vector.broadcast %add3A_1129 : i32 to vector<16xi32>
        %add3A_1131 = arith.addi %add3A_1130, %iota3A_654 : vector<16xi32>
        %gather3A_1132 = tpu.vector_load_idx %arg4[%add3A_1131, %add3A_1061] : memref<224x128xf32, #tpu.memory_space<vmem>>[vector<16xi32>, vector<16xi32>], vector<16xf32>,
        %add3A_1133 = arith.addi %mul3A_1064, %add3A_1131 : vector<16xi32>
        tpu.vector_store_idx %arg6[%add3A_1133], %gather3A_1132 : memref<3584xf32, #tpu.memory_space<vmem>>[vector<16xi32>], vector<16xf32>,
      }
      %scan3A_660 = arith.constant 16 : i32
      %jit3A_661 = arith.constant 224 : i32
      %div3A_662 = arith.divsi %add3A_604, %jit3A_661 : i32
      %sign3A_663 = arith.constant 0 : i32
      %sign3A_664 = arith.cmpi sgt, %add3A_604, %sign3A_663 : i32
      %sign3A_665 = arith.extui %sign3A_664 : i1 to i32
      %sign3A_666 = arith.constant 0 : i32
      %sign3A_667 = arith.cmpi slt, %add3A_604, %sign3A_666 : i32
      %sign3A_668 = arith.extui %sign3A_667 : i1 to i32
      %sign3A_669 = arith.subi %sign3A_665, %sign3A_668 : i32
      %sign3A_670 = arith.constant 0 : i32
      %sign3A_671 = arith.cmpi sgt, %jit3A_661, %sign3A_670 : i32
      %sign3A_672 = arith.extui %sign3A_671 : i1 to i32
      %sign3A_673 = arith.constant 0 : i32
      %sign3A_674 = arith.cmpi slt, %jit3A_661, %sign3A_673 : i32
      %sign3A_675 = arith.extui %sign3A_674 : i1 to i32
      %sign3A_676 = arith.subi %sign3A_672, %sign3A_675 : i32
      %ne3A_677 = arith.cmpi ne, %sign3A_669, %sign3A_676 : i32
      %rem3A_678 = arith.remsi %add3A_604, %jit3A_661 : i32
      %ne3A_679 = arith.constant 0 : i32
      %ne3A_680 = arith.cmpi ne, %rem3A_678, %ne3A_679 : i32
      %and3A_681 = arith.andi %ne3A_677, %ne3A_680 : i1
      %sub3A_682 = arith.constant 1 : i32
      %sub3A_683 = arith.subi %div3A_662, %sub3A_682 : i32
      %select_n3A_684 = arith.select %and3A_681, %sub3A_683, %div3A_662 : i32
      %mul3A_685 = arith.constant 224 : i32
      %mul3A_686 = arith.muli %select_n3A_684, %mul3A_685 : i32
      %sub3A_687 = arith.subi %add3A_604, %mul3A_686 : i32
      %mul3A_688 = arith.constant 16 : i32
      %mul3A_689 = arith.muli %select_n3A_684, %mul3A_688 : i32
      %mul3A_690 = arith.constant 224 : i32
      %mul3A_691 = arith.muli %mul3A_689, %mul3A_690 : i32
      %mul3A_692 = arith.constant 224 : i32
      %mul3A_693 = arith.muli %mul3A_691, %mul3A_692 : i32
      %mul3A_694 = arith.constant 224 : i32
      %mul3A_695 = arith.muli %sub3A_687, %mul3A_694 : i32
      %add3A_696 = arith.addi %mul3A_693, %mul3A_695 : i32
      %add3A_697 = arith.constant 0 : i32
      %add3A_698 = arith.addi %add3A_696, %add3A_697 : i32
      %dma_start3A_699 = arith.constant 0 : i32
      %dma_start3A_700 = tpu.memref_slice %arg6[%dma_start3A_699] : memref<3584xf32, #tpu.memory_space<vmem>> -> memref<224xf32, #tpu.memory_space<vmem>>
      %dma_start3A_701 = tpu.memref_slice %arg3[%add3A_698] : memref<2408448xf32, #tpu.memory_space<hbm>> -> memref<224xf32, #tpu.memory_space<hbm>>
      %dma_start3A_702 = tpu.memref_slice %arg3[%add3A_698] : memref<2408448xf32, #tpu.memory_space<hbm>> -> memref<224xf32, #tpu.memory_space<hbm>>
      %dma_start3A_703 = arith.constant 0 : i32
      %dma_start3A_704 = tpu.memref_slice %arg6[%dma_start3A_703] : memref<3584xf32, #tpu.memory_space<vmem>> -> memref<224xf32, #tpu.memory_space<vmem>>
      tpu.enqueue_dma source(%dma_start3A_704 : memref<224xf32, #tpu.memory_space<vmem>>) target(%dma_start3A_702 : memref<224xf32, #tpu.memory_space<hbm>>) target_semaphore(%arg10 : memref<!tpu.dma_semaphore, #tpu.memory_space<semaphore_mem>>)
      %add3A_705 = arith.constant 50176 : i32
      %add3A_706 = arith.addi %add3A_696, %add3A_705 : i32
      %dma_start3A_707 = arith.constant 224 : i32
      %dma_start3A_708 = tpu.memref_slice %arg6[%dma_start3A_707] : memref<3584xf32, #tpu.memory_space<vmem>> -> memref<224xf32, #tpu.memory_space<vmem>>
      %dma_start3A_709 = tpu.memref_slice %arg3[%add3A_706] : memref<2408448xf32, #tpu.memory_space<hbm>> -> memref<224xf32, #tpu.memory_space<hbm>>
      %dma_start3A_710 = tpu.memref_slice %arg3[%add3A_706] : memref<2408448xf32, #tpu.memory_space<hbm>> -> memref<224xf32, #tpu.memory_space<hbm>>
      %dma_start3A_711 = arith.constant 224 : i32
      %dma_start3A_712 = tpu.memref_slice %arg6[%dma_start3A_711] : memref<3584xf32, #tpu.memory_space<vmem>> -> memref<224xf32, #tpu.memory_space<vmem>>
      tpu.enqueue_dma source(%dma_start3A_712 : memref<224xf32, #tpu.memory_space<vmem>>) target(%dma_start3A_710 : memref<224xf32, #tpu.memory_space<hbm>>) target_semaphore(%arg10 : memref<!tpu.dma_semaphore, #tpu.memory_space<semaphore_mem>>)
      %add3A_713 = arith.constant 100352 : i32
      %add3A_714 = arith.addi %add3A_696, %add3A_713 : i32
      %dma_start3A_715 = arith.constant 448 : i32
      %dma_start3A_716 = tpu.memref_slice %arg6[%dma_start3A_715] : memref<3584xf32, #tpu.memory_space<vmem>> -> memref<224xf32, #tpu.memory_space<vmem>>
      %dma_start3A_717 = tpu.memref_slice %arg3[%add3A_714] : memref<2408448xf32, #tpu.memory_space<hbm>> -> memref<224xf32, #tpu.memory_space<hbm>>
      %dma_start3A_718 = tpu.memref_slice %arg3[%add3A_714] : memref<2408448xf32, #tpu.memory_space<hbm>> -> memref<224xf32, #tpu.memory_space<hbm>>
      %dma_start3A_719 = arith.constant 448 : i32
      %dma_start3A_720 = tpu.memref_slice %arg6[%dma_start3A_719] : memref<3584xf32, #tpu.memory_space<vmem>> -> memref<224xf32, #tpu.memory_space<vmem>>
      tpu.enqueue_dma source(%dma_start3A_720 : memref<224xf32, #tpu.memory_space<vmem>>) target(%dma_start3A_718 : memref<224xf32, #tpu.memory_space<hbm>>) target_semaphore(%arg10 : memref<!tpu.dma_semaphore, #tpu.memory_space<semaphore_mem>>)
      %add3A_721 = arith.constant 150528 : i32
      %add3A_722 = arith.addi %add3A_696, %add3A_721 : i32
      %dma_start3A_723 = arith.constant 672 : i32
      %dma_start3A_724 = tpu.memref_slice %arg6[%dma_start3A_723] : memref<3584xf32, #tpu.memory_space<vmem>> -> memref<224xf32, #tpu.memory_space<vmem>>
      %dma_start3A_725 = tpu.memref_slice %arg3[%add3A_722] : memref<2408448xf32, #tpu.memory_space<hbm>> -> memref<224xf32, #tpu.memory_space<hbm>>
      %dma_start3A_726 = tpu.memref_slice %arg3[%add3A_722] : memref<2408448xf32, #tpu.memory_space<hbm>> -> memref<224xf32, #tpu.memory_space<hbm>>
      %dma_start3A_727 = arith.constant 672 : i32
      %dma_start3A_728 = tpu.memref_slice %arg6[%dma_start3A_727] : memref<3584xf32, #tpu.memory_space<vmem>> -> memref<224xf32, #tpu.memory_space<vmem>>
      tpu.enqueue_dma source(%dma_start3A_728 : memref<224xf32, #tpu.memory_space<vmem>>) target(%dma_start3A_726 : memref<224xf32, #tpu.memory_space<hbm>>) target_semaphore(%arg10 : memref<!tpu.dma_semaphore, #tpu.memory_space<semaphore_mem>>)
      %add3A_729 = arith.constant 200704 : i32
      %add3A_730 = arith.addi %add3A_696, %add3A_729 : i32
      %dma_start3A_731 = arith.constant 896 : i32
      %dma_start3A_732 = tpu.memref_slice %arg6[%dma_start3A_731] : memref<3584xf32, #tpu.memory_space<vmem>> -> memref<224xf32, #tpu.memory_space<vmem>>
      %dma_start3A_733 = tpu.memref_slice %arg3[%add3A_730] : memref<2408448xf32, #tpu.memory_space<hbm>> -> memref<224xf32, #tpu.memory_space<hbm>>
      %dma_start3A_734 = tpu.memref_slice %arg3[%add3A_730] : memref<2408448xf32, #tpu.memory_space<hbm>> -> memref<224xf32, #tpu.memory_space<hbm>>
      %dma_start3A_735 = arith.constant 896 : i32
      %dma_start3A_736 = tpu.memref_slice %arg6[%dma_start3A_735] : memref<3584xf32, #tpu.memory_space<vmem>> -> memref<224xf32, #tpu.memory_space<vmem>>
      tpu.enqueue_dma source(%dma_start3A_736 : memref<224xf32, #tpu.memory_space<vmem>>) target(%dma_start3A_734 : memref<224xf32, #tpu.memory_space<hbm>>) target_semaphore(%arg10 : memref<!tpu.dma_semaphore, #tpu.memory_space<semaphore_mem>>)
      %add3A_737 = arith.constant 250880 : i32
      %add3A_738 = arith.addi %add3A_696, %add3A_737 : i32
      %dma_start3A_739 = arith.constant 1120 : i32
      %dma_start3A_740 = tpu.memref_slice %arg6[%dma_start3A_739] : memref<3584xf32, #tpu.memory_space<vmem>> -> memref<224xf32, #tpu.memory_space<vmem>>
      %dma_start3A_741 = tpu.memref_slice %arg3[%add3A_738] : memref<2408448xf32, #tpu.memory_space<hbm>> -> memref<224xf32, #tpu.memory_space<hbm>>
      %dma_start3A_742 = tpu.memref_slice %arg3[%add3A_738] : memref<2408448xf32, #tpu.memory_space<hbm>> -> memref<224xf32, #tpu.memory_space<hbm>>
      %dma_start3A_743 = arith.constant 1120 : i32
      %dma_start3A_744 = tpu.memref_slice %arg6[%dma_start3A_743] : memref<3584xf32, #tpu.memory_space<vmem>> -> memref<224xf32, #tpu.memory_space<vmem>>
      tpu.enqueue_dma source(%dma_start3A_744 : memref<224xf32, #tpu.memory_space<vmem>>) target(%dma_start3A_742 : memref<224xf32, #tpu.memory_space<hbm>>) target_semaphore(%arg10 : memref<!tpu.dma_semaphore, #tpu.memory_space<semaphore_mem>>)
      %add3A_745 = arith.constant 301056 : i32
      %add3A_746 = arith.addi %add3A_696, %add3A_745 : i32
      %dma_start3A_747 = arith.constant 1344 : i32
      %dma_start3A_748 = tpu.memref_slice %arg6[%dma_start3A_747] : memref<3584xf32, #tpu.memory_space<vmem>> -> memref<224xf32, #tpu.memory_space<vmem>>
      %dma_start3A_749 = tpu.memref_slice %arg3[%add3A_746] : memref<2408448xf32, #tpu.memory_space<hbm>> -> memref<224xf32, #tpu.memory_space<hbm>>
      %dma_start3A_750 = tpu.memref_slice %arg3[%add3A_746] : memref<2408448xf32, #tpu.memory_space<hbm>> -> memref<224xf32, #tpu.memory_space<hbm>>
      %dma_start3A_751 = arith.constant 1344 : i32
      %dma_start3A_752 = tpu.memref_slice %arg6[%dma_start3A_751] : memref<3584xf32, #tpu.memory_space<vmem>> -> memref<224xf32, #tpu.memory_space<vmem>>
      tpu.enqueue_dma source(%dma_start3A_752 : memref<224xf32, #tpu.memory_space<vmem>>) target(%dma_start3A_750 : memref<224xf32, #tpu.memory_space<hbm>>) target_semaphore(%arg10 : memref<!tpu.dma_semaphore, #tpu.memory_space<semaphore_mem>>)
      %add3A_753 = arith.constant 351232 : i32
      %add3A_754 = arith.addi %add3A_696, %add3A_753 : i32
      %dma_start3A_755 = arith.constant 1568 : i32
      %dma_start3A_756 = tpu.memref_slice %arg6[%dma_start3A_755] : memref<3584xf32, #tpu.memory_space<vmem>> -> memref<224xf32, #tpu.memory_space<vmem>>
      %dma_start3A_757 = tpu.memref_slice %arg3[%add3A_754] : memref<2408448xf32, #tpu.memory_space<hbm>> -> memref<224xf32, #tpu.memory_space<hbm>>
      %dma_start3A_758 = tpu.memref_slice %arg3[%add3A_754] : memref<2408448xf32, #tpu.memory_space<hbm>> -> memref<224xf32, #tpu.memory_space<hbm>>
      %dma_start3A_759 = arith.constant 1568 : i32
      %dma_start3A_760 = tpu.memref_slice %arg6[%dma_start3A_759] : memref<3584xf32, #tpu.memory_space<vmem>> -> memref<224xf32, #tpu.memory_space<vmem>>
      tpu.enqueue_dma source(%dma_start3A_760 : memref<224xf32, #tpu.memory_space<vmem>>) target(%dma_start3A_758 : memref<224xf32, #tpu.memory_space<hbm>>) target_semaphore(%arg10 : memref<!tpu.dma_semaphore, #tpu.memory_space<semaphore_mem>>)
      %add3A_761 = arith.constant 401408 : i32
      %add3A_762 = arith.addi %add3A_696, %add3A_761 : i32
      %dma_start3A_763 = arith.constant 1792 : i32
      %dma_start3A_764 = tpu.memref_slice %arg6[%dma_start3A_763] : memref<3584xf32, #tpu.memory_space<vmem>> -> memref<224xf32, #tpu.memory_space<vmem>>
      %dma_start3A_765 = tpu.memref_slice %arg3[%add3A_762] : memref<2408448xf32, #tpu.memory_space<hbm>> -> memref<224xf32, #tpu.memory_space<hbm>>
      %dma_start3A_766 = tpu.memref_slice %arg3[%add3A_762] : memref<2408448xf32, #tpu.memory_space<hbm>> -> memref<224xf32, #tpu.memory_space<hbm>>
      %dma_start3A_767 = arith.constant 1792 : i32
      %dma_start3A_768 = tpu.memref_slice %arg6[%dma_start3A_767] : memref<3584xf32, #tpu.memory_space<vmem>> -> memref<224xf32, #tpu.memory_space<vmem>>
      tpu.enqueue_dma source(%dma_start3A_768 : memref<224xf32, #tpu.memory_space<vmem>>) target(%dma_start3A_766 : memref<224xf32, #tpu.memory_space<hbm>>) target_semaphore(%arg10 : memref<!tpu.dma_semaphore, #tpu.memory_space<semaphore_mem>>)
      %add3A_769 = arith.constant 451584 : i32
      %add3A_770 = arith.addi %add3A_696, %add3A_769 : i32
      %dma_start3A_771 = arith.constant 2016 : i32
      %dma_start3A_772 = tpu.memref_slice %arg6[%dma_start3A_771] : memref<3584xf32, #tpu.memory_space<vmem>> -> memref<224xf32, #tpu.memory_space<vmem>>
      %dma_start3A_773 = tpu.memref_slice %arg3[%add3A_770] : memref<2408448xf32, #tpu.memory_space<hbm>> -> memref<224xf32, #tpu.memory_space<hbm>>
      %dma_start3A_774 = tpu.memref_slice %arg3[%add3A_770] : memref<2408448xf32, #tpu.memory_space<hbm>> -> memref<224xf32, #tpu.memory_space<hbm>>
      %dma_start3A_775 = arith.constant 2016 : i32
      %dma_start3A_776 = tpu.memref_slice %arg6[%dma_start3A_775] : memref<3584xf32, #tpu.memory_space<vmem>> -> memref<224xf32, #tpu.memory_space<vmem>>
      tpu.enqueue_dma source(%dma_start3A_776 : memref<224xf32, #tpu.memory_space<vmem>>) target(%dma_start3A_774 : memref<224xf32, #tpu.memory_space<hbm>>) target_semaphore(%arg10 : memref<!tpu.dma_semaphore, #tpu.memory_space<semaphore_mem>>)
      %add3A_777 = arith.constant 501760 : i32
      %add3A_778 = arith.addi %add3A_696, %add3A_777 : i32
      %dma_start3A_779 = arith.constant 2240 : i32
      %dma_start3A_780 = tpu.memref_slice %arg6[%dma_start3A_779] : memref<3584xf32, #tpu.memory_space<vmem>> -> memref<224xf32, #tpu.memory_space<vmem>>
      %dma_start3A_781 = tpu.memref_slice %arg3[%add3A_778] : memref<2408448xf32, #tpu.memory_space<hbm>> -> memref<224xf32, #tpu.memory_space<hbm>>
      %dma_start3A_782 = tpu.memref_slice %arg3[%add3A_778] : memref<2408448xf32, #tpu.memory_space<hbm>> -> memref<224xf32, #tpu.memory_space<hbm>>
      %dma_start3A_783 = arith.constant 2240 : i32
      %dma_start3A_784 = tpu.memref_slice %arg6[%dma_start3A_783] : memref<3584xf32, #tpu.memory_space<vmem>> -> memref<224xf32, #tpu.memory_space<vmem>>
      tpu.enqueue_dma source(%dma_start3A_784 : memref<224xf32, #tpu.memory_space<vmem>>) target(%dma_start3A_782 : memref<224xf32, #tpu.memory_space<hbm>>) target_semaphore(%arg10 : memref<!tpu.dma_semaphore, #tpu.memory_space<semaphore_mem>>)
      %add3A_785 = arith.constant 551936 : i32
      %add3A_786 = arith.addi %add3A_696, %add3A_785 : i32
      %dma_start3A_787 = arith.constant 2464 : i32
      %dma_start3A_788 = tpu.memref_slice %arg6[%dma_start3A_787] : memref<3584xf32, #tpu.memory_space<vmem>> -> memref<224xf32, #tpu.memory_space<vmem>>
      %dma_start3A_789 = tpu.memref_slice %arg3[%add3A_786] : memref<2408448xf32, #tpu.memory_space<hbm>> -> memref<224xf32, #tpu.memory_space<hbm>>
      %dma_start3A_790 = tpu.memref_slice %arg3[%add3A_786] : memref<2408448xf32, #tpu.memory_space<hbm>> -> memref<224xf32, #tpu.memory_space<hbm>>
      %dma_start3A_791 = arith.constant 2464 : i32
      %dma_start3A_792 = tpu.memref_slice %arg6[%dma_start3A_791] : memref<3584xf32, #tpu.memory_space<vmem>> -> memref<224xf32, #tpu.memory_space<vmem>>
      tpu.enqueue_dma source(%dma_start3A_792 : memref<224xf32, #tpu.memory_space<vmem>>) target(%dma_start3A_790 : memref<224xf32, #tpu.memory_space<hbm>>) target_semaphore(%arg10 : memref<!tpu.dma_semaphore, #tpu.memory_space<semaphore_mem>>)
      %add3A_793 = arith.constant 602112 : i32
      %add3A_794 = arith.addi %add3A_696, %add3A_793 : i32
      %dma_start3A_795 = arith.constant 2688 : i32
      %dma_start3A_796 = tpu.memref_slice %arg6[%dma_start3A_795] : memref<3584xf32, #tpu.memory_space<vmem>> -> memref<224xf32, #tpu.memory_space<vmem>>
      %dma_start3A_797 = tpu.memref_slice %arg3[%add3A_794] : memref<2408448xf32, #tpu.memory_space<hbm>> -> memref<224xf32, #tpu.memory_space<hbm>>
      %dma_start3A_798 = tpu.memref_slice %arg3[%add3A_794] : memref<2408448xf32, #tpu.memory_space<hbm>> -> memref<224xf32, #tpu.memory_space<hbm>>
      %dma_start3A_799 = arith.constant 2688 : i32
      %dma_start3A_800 = tpu.memref_slice %arg6[%dma_start3A_799] : memref<3584xf32, #tpu.memory_space<vmem>> -> memref<224xf32, #tpu.memory_space<vmem>>
      tpu.enqueue_dma source(%dma_start3A_800 : memref<224xf32, #tpu.memory_space<vmem>>) target(%dma_start3A_798 : memref<224xf32, #tpu.memory_space<hbm>>) target_semaphore(%arg10 : memref<!tpu.dma_semaphore, #tpu.memory_space<semaphore_mem>>)
      %add3A_801 = arith.constant 652288 : i32
      %add3A_802 = arith.addi %add3A_696, %add3A_801 : i32
      %dma_start3A_803 = arith.constant 2912 : i32
      %dma_start3A_804 = tpu.memref_slice %arg6[%dma_start3A_803] : memref<3584xf32, #tpu.memory_space<vmem>> -> memref<224xf32, #tpu.memory_space<vmem>>
      %dma_start3A_805 = tpu.memref_slice %arg3[%add3A_802] : memref<2408448xf32, #tpu.memory_space<hbm>> -> memref<224xf32, #tpu.memory_space<hbm>>
      %dma_start3A_806 = tpu.memref_slice %arg3[%add3A_802] : memref<2408448xf32, #tpu.memory_space<hbm>> -> memref<224xf32, #tpu.memory_space<hbm>>
      %dma_start3A_807 = arith.constant 2912 : i32
      %dma_start3A_808 = tpu.memref_slice %arg6[%dma_start3A_807] : memref<3584xf32, #tpu.memory_space<vmem>> -> memref<224xf32, #tpu.memory_space<vmem>>
      tpu.enqueue_dma source(%dma_start3A_808 : memref<224xf32, #tpu.memory_space<vmem>>) target(%dma_start3A_806 : memref<224xf32, #tpu.memory_space<hbm>>) target_semaphore(%arg10 : memref<!tpu.dma_semaphore, #tpu.memory_space<semaphore_mem>>)
      %add3A_809 = arith.constant 702464 : i32
      %add3A_810 = arith.addi %add3A_696, %add3A_809 : i32
      %dma_start3A_811 = arith.constant 3136 : i32
      %dma_start3A_812 = tpu.memref_slice %arg6[%dma_start3A_811] : memref<3584xf32, #tpu.memory_space<vmem>> -> memref<224xf32, #tpu.memory_space<vmem>>
      %dma_start3A_813 = tpu.memref_slice %arg3[%add3A_810] : memref<2408448xf32, #tpu.memory_space<hbm>> -> memref<224xf32, #tpu.memory_space<hbm>>
      %dma_start3A_814 = tpu.memref_slice %arg3[%add3A_810] : memref<2408448xf32, #tpu.memory_space<hbm>> -> memref<224xf32, #tpu.memory_space<hbm>>
      %dma_start3A_815 = arith.constant 3136 : i32
      %dma_start3A_816 = tpu.memref_slice %arg6[%dma_start3A_815] : memref<3584xf32, #tpu.memory_space<vmem>> -> memref<224xf32, #tpu.memory_space<vmem>>
      tpu.enqueue_dma source(%dma_start3A_816 : memref<224xf32, #tpu.memory_space<vmem>>) target(%dma_start3A_814 : memref<224xf32, #tpu.memory_space<hbm>>) target_semaphore(%arg10 : memref<!tpu.dma_semaphore, #tpu.memory_space<semaphore_mem>>)
      %add3A_817 = arith.constant 752640 : i32
      %add3A_818 = arith.addi %add3A_696, %add3A_817 : i32
      %dma_start3A_819 = arith.constant 3360 : i32
      %dma_start3A_820 = tpu.memref_slice %arg6[%dma_start3A_819] : memref<3584xf32, #tpu.memory_space<vmem>> -> memref<224xf32, #tpu.memory_space<vmem>>
      %dma_start3A_821 = tpu.memref_slice %arg3[%add3A_818] : memref<2408448xf32, #tpu.memory_space<hbm>> -> memref<224xf32, #tpu.memory_space<hbm>>
      %dma_start3A_822 = tpu.memref_slice %arg3[%add3A_818] : memref<2408448xf32, #tpu.memory_space<hbm>> -> memref<224xf32, #tpu.memory_space<hbm>>
      %dma_start3A_823 = arith.constant 3360 : i32
      %dma_start3A_824 = tpu.memref_slice %arg6[%dma_start3A_823] : memref<3584xf32, #tpu.memory_space<vmem>> -> memref<224xf32, #tpu.memory_space<vmem>>
      tpu.enqueue_dma source(%dma_start3A_824 : memref<224xf32, #tpu.memory_space<vmem>>) target(%dma_start3A_822 : memref<224xf32, #tpu.memory_space<hbm>>) target_semaphore(%arg10 : memref<!tpu.dma_semaphore, #tpu.memory_space<semaphore_mem>>)
      %dma_wait3A_825 = arith.constant 0 : i32
      %dma_wait3A_826 = arith.constant 0 : i32
      %dma_wait3A_827 = arith.constant 0 : i32
      %dma_wait3A_828 = arith.constant 0 : i32
      %dma_wait3A_829 = tpu.memref_slice %arg2[%dma_wait3A_825, %dma_wait3A_826, %dma_wait3A_827, %dma_wait3A_828] : memref<3x224x224x128xf32, #tpu.memory_space<hbm>> -> memref<1x1x224x128xf32, #tpu.memory_space<hbm>>
      %dma_wait3A_830 = tpu.memref_squeeze %dma_wait3A_829 : memref<1x1x224x128xf32, #tpu.memory_space<hbm>> -> memref<224x128xf32, #tpu.memory_space<hbm>>
      %dma_wait3A_831 = arith.constant 0 : i32
      %dma_wait3A_832 = arith.constant 0 : i32
      %dma_wait3A_833 = tpu.memref_slice %arg2[%dma_wait3A_825, %dma_wait3A_826, %dma_wait3A_831, %dma_wait3A_832] : memref<3x224x224x128xf32, #tpu.memory_space<hbm>> -> memref<1x1x224x128xf32, #tpu.memory_space<hbm>>
      %dma_wait3A_834 = tpu.memref_squeeze %dma_wait3A_833 : memref<1x1x224x128xf32, #tpu.memory_space<hbm>> -> memref<224x128xf32, #tpu.memory_space<hbm>>
      tpu.wait_dma2 semaphore(%arg9 : memref<!tpu.dma_semaphore, #tpu.memory_space<semaphore_mem>>) src(%dma_wait3A_834 : memref<224x128xf32, #tpu.memory_space<hbm>>) dst(%arg5 : memref<224x128xf32, #tpu.memory_space<vmem>>)
      %add3A_835 = arith.constant 2 : i32
      %add3A_836 = arith.addi %add3A_604, %add3A_835 : i32
      %jit3A_837 = arith.constant 224 : i32
      %div3A_838 = arith.divsi %add3A_836, %jit3A_837 : i32
      %sign3A_839 = arith.constant 0 : i32
      %sign3A_840 = arith.cmpi sgt, %add3A_836, %sign3A_839 : i32
      %sign3A_841 = arith.extui %sign3A_840 : i1 to i32
      %sign3A_842 = arith.constant 0 : i32
      %sign3A_843 = arith.cmpi slt, %add3A_836, %sign3A_842 : i32
      %sign3A_844 = arith.extui %sign3A_843 : i1 to i32
      %sign3A_845 = arith.subi %sign3A_841, %sign3A_844 : i32
      %sign3A_846 = arith.constant 0 : i32
      %sign3A_847 = arith.cmpi sgt, %jit3A_837, %sign3A_846 : i32
      %sign3A_848 = arith.extui %sign3A_847 : i1 to i32
      %sign3A_849 = arith.constant 0 : i32
      %sign3A_850 = arith.cmpi slt, %jit3A_837, %sign3A_849 : i32
      %sign3A_851 = arith.extui %sign3A_850 : i1 to i32
      %sign3A_852 = arith.subi %sign3A_848, %sign3A_851 : i32
      %ne3A_853 = arith.cmpi ne, %sign3A_845, %sign3A_852 : i32
      %rem3A_854 = arith.remsi %add3A_836, %jit3A_837 : i32
      %ne3A_855 = arith.constant 0 : i32
      %ne3A_856 = arith.cmpi ne, %rem3A_854, %ne3A_855 : i32
      %and3A_857 = arith.andi %ne3A_853, %ne3A_856 : i1
      %sub3A_858 = arith.constant 1 : i32
      %sub3A_859 = arith.subi %div3A_838, %sub3A_858 : i32
      %select_n3A_860 = arith.select %and3A_857, %sub3A_859, %div3A_838 : i32
      %mul3A_861 = arith.constant 224 : i32
      %mul3A_862 = arith.muli %select_n3A_860, %mul3A_861 : i32
      %sub3A_863 = arith.subi %add3A_836, %mul3A_862 : i32
      %dma_start3A_864 = arith.constant 0 : i32
      %dma_start3A_865 = arith.constant 0 : i32
      %dma_start3A_866 = tpu.memref_slice %arg2[%select_n3A_860, %sub3A_863, %dma_start3A_864, %dma_start3A_865] : memref<3x224x224x128xf32, #tpu.memory_space<hbm>> -> memref<1x1x224x128xf32, #tpu.memory_space<hbm>>
      %dma_start3A_867 = tpu.memref_squeeze %dma_start3A_866 : memref<1x1x224x128xf32, #tpu.memory_space<hbm>> -> memref<224x128xf32, #tpu.memory_space<hbm>>
      %dma_start3A_868 = arith.constant 0 : i32
      %dma_start3A_869 = arith.constant 0 : i32
      %dma_start3A_870 = tpu.memref_slice %arg2[%select_n3A_860, %sub3A_863, %dma_start3A_868, %dma_start3A_869] : memref<3x224x224x128xf32, #tpu.memory_space<hbm>> -> memref<1x1x224x128xf32, #tpu.memory_space<hbm>>
      %dma_start3A_871 = tpu.memref_squeeze %dma_start3A_870 : memref<1x1x224x128xf32, #tpu.memory_space<hbm>> -> memref<224x128xf32, #tpu.memory_space<hbm>>
      tpu.enqueue_dma source(%dma_start3A_871 : memref<224x128xf32, #tpu.memory_space<hbm>>) target(%arg4 : memref<224x128xf32, #tpu.memory_space<vmem>>) target_semaphore(%arg8 : memref<!tpu.dma_semaphore, #tpu.memory_space<semaphore_mem>>)
      %gt3A_872 = arith.constant 0 : i32
      %gt3A_873 = arith.cmpi sgt, %scan3A_601, %gt3A_872 : i32
      %convert_element_type3A_874 = arith.extui %gt3A_873 : i1 to i32
      %cond3A_875 = arith.constant 0 : i32
      %cond3A_876 = arith.cmpi ne, %convert_element_type3A_874, %cond3A_875 : i32
      scf.if %cond3A_876 {
        %dma_wait3A_1050 = arith.constant 0 : i32
        %dma_wait3A_1051 = tpu.memref_slice %arg7[%dma_wait3A_1050] : memref<3584xf32, #tpu.memory_space<vmem>> -> memref<224xf32, #tpu.memory_space<vmem>>
        %dma_wait3A_1052 = arith.constant 0 : i32
        %dma_wait3A_1053 = tpu.memref_slice %arg3[%dma_wait3A_1052] : memref<2408448xf32, #tpu.memory_space<hbm>> -> memref<224xf32, #tpu.memory_space<hbm>>
        %dma_wait3A_1054 = arith.constant 0 : i32
        %dma_wait3A_1055 = tpu.memref_slice %arg7[%dma_wait3A_1054] : memref<3584xf32, #tpu.memory_space<vmem>> -> memref<224xf32, #tpu.memory_space<vmem>>
        %dma_wait3A_1056 = arith.constant 0 : i32
        %dma_wait3A_1057 = tpu.memref_slice %arg3[%dma_wait3A_1056] : memref<2408448xf32, #tpu.memory_space<hbm>> -> memref<224xf32, #tpu.memory_space<hbm>>
        tpu.wait_dma2 semaphore(%arg11 : memref<!tpu.dma_semaphore, #tpu.memory_space<semaphore_mem>>) src(%dma_wait3A_1057 : memref<224xf32, #tpu.memory_space<hbm>>) dst(%dma_wait3A_1055 : memref<224xf32, #tpu.memory_space<vmem>>)
        %dma_wait3A_1058 = arith.constant 224 : i32
        %dma_wait3A_1059 = tpu.memref_slice %arg7[%dma_wait3A_1058] : memref<3584xf32, #tpu.memory_space<vmem>> -> memref<224xf32, #tpu.memory_space<vmem>>
        %dma_wait3A_1060 = arith.constant 0 : i32
        %dma_wait3A_1061 = tpu.memref_slice %arg3[%dma_wait3A_1060] : memref<2408448xf32, #tpu.memory_space<hbm>> -> memref<224xf32, #tpu.memory_space<hbm>>
        %dma_wait3A_1062 = arith.constant 224 : i32
        %dma_wait3A_1063 = tpu.memref_slice %arg7[%dma_wait3A_1062] : memref<3584xf32, #tpu.memory_space<vmem>> -> memref<224xf32, #tpu.memory_space<vmem>>
        %dma_wait3A_1064 = arith.constant 0 : i32
        %dma_wait3A_1065 = tpu.memref_slice %arg3[%dma_wait3A_1064] : memref<2408448xf32, #tpu.memory_space<hbm>> -> memref<224xf32, #tpu.memory_space<hbm>>
        tpu.wait_dma2 semaphore(%arg11 : memref<!tpu.dma_semaphore, #tpu.memory_space<semaphore_mem>>) src(%dma_wait3A_1065 : memref<224xf32, #tpu.memory_space<hbm>>) dst(%dma_wait3A_1063 : memref<224xf32, #tpu.memory_space<vmem>>)
        %dma_wait3A_1066 = arith.constant 448 : i32
        %dma_wait3A_1067 = tpu.memref_slice %arg7[%dma_wait3A_1066] : memref<3584xf32, #tpu.memory_space<vmem>> -> memref<224xf32, #tpu.memory_space<vmem>>
        %dma_wait3A_1068 = arith.constant 0 : i32
        %dma_wait3A_1069 = tpu.memref_slice %arg3[%dma_wait3A_1068] : memref<2408448xf32, #tpu.memory_space<hbm>> -> memref<224xf32, #tpu.memory_space<hbm>>
        %dma_wait3A_1070 = arith.constant 448 : i32
        %dma_wait3A_1071 = tpu.memref_slice %arg7[%dma_wait3A_1070] : memref<3584xf32, #tpu.memory_space<vmem>> -> memref<224xf32, #tpu.memory_space<vmem>>
        %dma_wait3A_1072 = arith.constant 0 : i32
        %dma_wait3A_1073 = tpu.memref_slice %arg3[%dma_wait3A_1072] : memref<2408448xf32, #tpu.memory_space<hbm>> -> memref<224xf32, #tpu.memory_space<hbm>>
        tpu.wait_dma2 semaphore(%arg11 : memref<!tpu.dma_semaphore, #tpu.memory_space<semaphore_mem>>) src(%dma_wait3A_1073 : memref<224xf32, #tpu.memory_space<hbm>>) dst(%dma_wait3A_1071 : memref<224xf32, #tpu.memory_space<vmem>>)
        %dma_wait3A_1074 = arith.constant 672 : i32
        %dma_wait3A_1075 = tpu.memref_slice %arg7[%dma_wait3A_1074] : memref<3584xf32, #tpu.memory_space<vmem>> -> memref<224xf32, #tpu.memory_space<vmem>>
        %dma_wait3A_1076 = arith.constant 0 : i32
        %dma_wait3A_1077 = tpu.memref_slice %arg3[%dma_wait3A_1076] : memref<2408448xf32, #tpu.memory_space<hbm>> -> memref<224xf32, #tpu.memory_space<hbm>>
        %dma_wait3A_1078 = arith.constant 672 : i32
        %dma_wait3A_1079 = tpu.memref_slice %arg7[%dma_wait3A_1078] : memref<3584xf32, #tpu.memory_space<vmem>> -> memref<224xf32, #tpu.memory_space<vmem>>
        %dma_wait3A_1080 = arith.constant 0 : i32
        %dma_wait3A_1081 = tpu.memref_slice %arg3[%dma_wait3A_1080] : memref<2408448xf32, #tpu.memory_space<hbm>> -> memref<224xf32, #tpu.memory_space<hbm>>
        tpu.wait_dma2 semaphore(%arg11 : memref<!tpu.dma_semaphore, #tpu.memory_space<semaphore_mem>>) src(%dma_wait3A_1081 : memref<224xf32, #tpu.memory_space<hbm>>) dst(%dma_wait3A_1079 : memref<224xf32, #tpu.memory_space<vmem>>)
        %dma_wait3A_1082 = arith.constant 896 : i32
        %dma_wait3A_1083 = tpu.memref_slice %arg7[%dma_wait3A_1082] : memref<3584xf32, #tpu.memory_space<vmem>> -> memref<224xf32, #tpu.memory_space<vmem>>
        %dma_wait3A_1084 = arith.constant 0 : i32
        %dma_wait3A_1085 = tpu.memref_slice %arg3[%dma_wait3A_1084] : memref<2408448xf32, #tpu.memory_space<hbm>> -> memref<224xf32, #tpu.memory_space<hbm>>
        %dma_wait3A_1086 = arith.constant 896 : i32
        %dma_wait3A_1087 = tpu.memref_slice %arg7[%dma_wait3A_1086] : memref<3584xf32, #tpu.memory_space<vmem>> -> memref<224xf32, #tpu.memory_space<vmem>>
        %dma_wait3A_1088 = arith.constant 0 : i32
        %dma_wait3A_1089 = tpu.memref_slice %arg3[%dma_wait3A_1088] : memref<2408448xf32, #tpu.memory_space<hbm>> -> memref<224xf32, #tpu.memory_space<hbm>>
        tpu.wait_dma2 semaphore(%arg11 : memref<!tpu.dma_semaphore, #tpu.memory_space<semaphore_mem>>) src(%dma_wait3A_1089 : memref<224xf32, #tpu.memory_space<hbm>>) dst(%dma_wait3A_1087 : memref<224xf32, #tpu.memory_space<vmem>>)
        %dma_wait3A_1090 = arith.constant 1120 : i32
        %dma_wait3A_1091 = tpu.memref_slice %arg7[%dma_wait3A_1090] : memref<3584xf32, #tpu.memory_space<vmem>> -> memref<224xf32, #tpu.memory_space<vmem>>
        %dma_wait3A_1092 = arith.constant 0 : i32
        %dma_wait3A_1093 = tpu.memref_slice %arg3[%dma_wait3A_1092] : memref<2408448xf32, #tpu.memory_space<hbm>> -> memref<224xf32, #tpu.memory_space<hbm>>
        %dma_wait3A_1094 = arith.constant 1120 : i32
        %dma_wait3A_1095 = tpu.memref_slice %arg7[%dma_wait3A_1094] : memref<3584xf32, #tpu.memory_space<vmem>> -> memref<224xf32, #tpu.memory_space<vmem>>
        %dma_wait3A_1096 = arith.constant 0 : i32
        %dma_wait3A_1097 = tpu.memref_slice %arg3[%dma_wait3A_1096] : memref<2408448xf32, #tpu.memory_space<hbm>> -> memref<224xf32, #tpu.memory_space<hbm>>
        tpu.wait_dma2 semaphore(%arg11 : memref<!tpu.dma_semaphore, #tpu.memory_space<semaphore_mem>>) src(%dma_wait3A_1097 : memref<224xf32, #tpu.memory_space<hbm>>) dst(%dma_wait3A_1095 : memref<224xf32, #tpu.memory_space<vmem>>)
        %dma_wait3A_1098 = arith.constant 1344 : i32
        %dma_wait3A_1099 = tpu.memref_slice %arg7[%dma_wait3A_1098] : memref<3584xf32, #tpu.memory_space<vmem>> -> memref<224xf32, #tpu.memory_space<vmem>>
        %dma_wait3A_1100 = arith.constant 0 : i32
        %dma_wait3A_1101 = tpu.memref_slice %arg3[%dma_wait3A_1100] : memref<2408448xf32, #tpu.memory_space<hbm>> -> memref<224xf32, #tpu.memory_space<hbm>>
        %dma_wait3A_1102 = arith.constant 1344 : i32
        %dma_wait3A_1103 = tpu.memref_slice %arg7[%dma_wait3A_1102] : memref<3584xf32, #tpu.memory_space<vmem>> -> memref<224xf32, #tpu.memory_space<vmem>>
        %dma_wait3A_1104 = arith.constant 0 : i32
        %dma_wait3A_1105 = tpu.memref_slice %arg3[%dma_wait3A_1104] : memref<2408448xf32, #tpu.memory_space<hbm>> -> memref<224xf32, #tpu.memory_space<hbm>>
        tpu.wait_dma2 semaphore(%arg11 : memref<!tpu.dma_semaphore, #tpu.memory_space<semaphore_mem>>) src(%dma_wait3A_1105 : memref<224xf32, #tpu.memory_space<hbm>>) dst(%dma_wait3A_1103 : memref<224xf32, #tpu.memory_space<vmem>>)
        %dma_wait3A_1106 = arith.constant 1568 : i32
        %dma_wait3A_1107 = tpu.memref_slice %arg7[%dma_wait3A_1106] : memref<3584xf32, #tpu.memory_space<vmem>> -> memref<224xf32, #tpu.memory_space<vmem>>
        %dma_wait3A_1108 = arith.constant 0 : i32
        %dma_wait3A_1109 = tpu.memref_slice %arg3[%dma_wait3A_1108] : memref<2408448xf32, #tpu.memory_space<hbm>> -> memref<224xf32, #tpu.memory_space<hbm>>
        %dma_wait3A_1110 = arith.constant 1568 : i32
        %dma_wait3A_1111 = tpu.memref_slice %arg7[%dma_wait3A_1110] : memref<3584xf32, #tpu.memory_space<vmem>> -> memref<224xf32, #tpu.memory_space<vmem>>
        %dma_wait3A_1112 = arith.constant 0 : i32
        %dma_wait3A_1113 = tpu.memref_slice %arg3[%dma_wait3A_1112] : memref<2408448xf32, #tpu.memory_space<hbm>> -> memref<224xf32, #tpu.memory_space<hbm>>
        tpu.wait_dma2 semaphore(%arg11 : memref<!tpu.dma_semaphore, #tpu.memory_space<semaphore_mem>>) src(%dma_wait3A_1113 : memref<224xf32, #tpu.memory_space<hbm>>) dst(%dma_wait3A_1111 : memref<224xf32, #tpu.memory_space<vmem>>)
        %dma_wait3A_1114 = arith.constant 1792 : i32
        %dma_wait3A_1115 = tpu.memref_slice %arg7[%dma_wait3A_1114] : memref<3584xf32, #tpu.memory_space<vmem>> -> memref<224xf32, #tpu.memory_space<vmem>>
        %dma_wait3A_1116 = arith.constant 0 : i32
        %dma_wait3A_1117 = tpu.memref_slice %arg3[%dma_wait3A_1116] : memref<2408448xf32, #tpu.memory_space<hbm>> -> memref<224xf32, #tpu.memory_space<hbm>>
        %dma_wait3A_1118 = arith.constant 1792 : i32
        %dma_wait3A_1119 = tpu.memref_slice %arg7[%dma_wait3A_1118] : memref<3584xf32, #tpu.memory_space<vmem>> -> memref<224xf32, #tpu.memory_space<vmem>>
        %dma_wait3A_1120 = arith.constant 0 : i32
        %dma_wait3A_1121 = tpu.memref_slice %arg3[%dma_wait3A_1120] : memref<2408448xf32, #tpu.memory_space<hbm>> -> memref<224xf32, #tpu.memory_space<hbm>>
        tpu.wait_dma2 semaphore(%arg11 : memref<!tpu.dma_semaphore, #tpu.memory_space<semaphore_mem>>) src(%dma_wait3A_1121 : memref<224xf32, #tpu.memory_space<hbm>>) dst(%dma_wait3A_1119 : memref<224xf32, #tpu.memory_space<vmem>>)
        %dma_wait3A_1122 = arith.constant 2016 : i32
        %dma_wait3A_1123 = tpu.memref_slice %arg7[%dma_wait3A_1122] : memref<3584xf32, #tpu.memory_space<vmem>> -> memref<224xf32, #tpu.memory_space<vmem>>
        %dma_wait3A_1124 = arith.constant 0 : i32
        %dma_wait3A_1125 = tpu.memref_slice %arg3[%dma_wait3A_1124] : memref<2408448xf32, #tpu.memory_space<hbm>> -> memref<224xf32, #tpu.memory_space<hbm>>
        %dma_wait3A_1126 = arith.constant 2016 : i32
        %dma_wait3A_1127 = tpu.memref_slice %arg7[%dma_wait3A_1126] : memref<3584xf32, #tpu.memory_space<vmem>> -> memref<224xf32, #tpu.memory_space<vmem>>
        %dma_wait3A_1128 = arith.constant 0 : i32
        %dma_wait3A_1129 = tpu.memref_slice %arg3[%dma_wait3A_1128] : memref<2408448xf32, #tpu.memory_space<hbm>> -> memref<224xf32, #tpu.memory_space<hbm>>
        tpu.wait_dma2 semaphore(%arg11 : memref<!tpu.dma_semaphore, #tpu.memory_space<semaphore_mem>>) src(%dma_wait3A_1129 : memref<224xf32, #tpu.memory_space<hbm>>) dst(%dma_wait3A_1127 : memref<224xf32, #tpu.memory_space<vmem>>)
        %dma_wait3A_1130 = arith.constant 2240 : i32
        %dma_wait3A_1131 = tpu.memref_slice %arg7[%dma_wait3A_1130] : memref<3584xf32, #tpu.memory_space<vmem>> -> memref<224xf32, #tpu.memory_space<vmem>>
        %dma_wait3A_1132 = arith.constant 0 : i32
        %dma_wait3A_1133 = tpu.memref_slice %arg3[%dma_wait3A_1132] : memref<2408448xf32, #tpu.memory_space<hbm>> -> memref<224xf32, #tpu.memory_space<hbm>>
        %dma_wait3A_1134 = arith.constant 2240 : i32
        %dma_wait3A_1135 = tpu.memref_slice %arg7[%dma_wait3A_1134] : memref<3584xf32, #tpu.memory_space<vmem>> -> memref<224xf32, #tpu.memory_space<vmem>>
        %dma_wait3A_1136 = arith.constant 0 : i32
        %dma_wait3A_1137 = tpu.memref_slice %arg3[%dma_wait3A_1136] : memref<2408448xf32, #tpu.memory_space<hbm>> -> memref<224xf32, #tpu.memory_space<hbm>>
        tpu.wait_dma2 semaphore(%arg11 : memref<!tpu.dma_semaphore, #tpu.memory_space<semaphore_mem>>) src(%dma_wait3A_1137 : memref<224xf32, #tpu.memory_space<hbm>>) dst(%dma_wait3A_1135 : memref<224xf32, #tpu.memory_space<vmem>>)
        %dma_wait3A_1138 = arith.constant 2464 : i32
        %dma_wait3A_1139 = tpu.memref_slice %arg7[%dma_wait3A_1138] : memref<3584xf32, #tpu.memory_space<vmem>> -> memref<224xf32, #tpu.memory_space<vmem>>
        %dma_wait3A_1140 = arith.constant 0 : i32
        %dma_wait3A_1141 = tpu.memref_slice %arg3[%dma_wait3A_1140] : memref<2408448xf32, #tpu.memory_space<hbm>> -> memref<224xf32, #tpu.memory_space<hbm>>
        %dma_wait3A_1142 = arith.constant 2464 : i32
        %dma_wait3A_1143 = tpu.memref_slice %arg7[%dma_wait3A_1142] : memref<3584xf32, #tpu.memory_space<vmem>> -> memref<224xf32, #tpu.memory_space<vmem>>
        %dma_wait3A_1144 = arith.constant 0 : i32
        %dma_wait3A_1145 = tpu.memref_slice %arg3[%dma_wait3A_1144] : memref<2408448xf32, #tpu.memory_space<hbm>> -> memref<224xf32, #tpu.memory_space<hbm>>
        tpu.wait_dma2 semaphore(%arg11 : memref<!tpu.dma_semaphore, #tpu.memory_space<semaphore_mem>>) src(%dma_wait3A_1145 : memref<224xf32, #tpu.memory_space<hbm>>) dst(%dma_wait3A_1143 : memref<224xf32, #tpu.memory_space<vmem>>)
        %dma_wait3A_1146 = arith.constant 2688 : i32
        %dma_wait3A_1147 = tpu.memref_slice %arg7[%dma_wait3A_1146] : memref<3584xf32, #tpu.memory_space<vmem>> -> memref<224xf32, #tpu.memory_space<vmem>>
        %dma_wait3A_1148 = arith.constant 0 : i32
        %dma_wait3A_1149 = tpu.memref_slice %arg3[%dma_wait3A_1148] : memref<2408448xf32, #tpu.memory_space<hbm>> -> memref<224xf32, #tpu.memory_space<hbm>>
        %dma_wait3A_1150 = arith.constant 2688 : i32
        %dma_wait3A_1151 = tpu.memref_slice %arg7[%dma_wait3A_1150] : memref<3584xf32, #tpu.memory_space<vmem>> -> memref<224xf32, #tpu.memory_space<vmem>>
        %dma_wait3A_1152 = arith.constant 0 : i32
        %dma_wait3A_1153 = tpu.memref_slice %arg3[%dma_wait3A_1152] : memref<2408448xf32, #tpu.memory_space<hbm>> -> memref<224xf32, #tpu.memory_space<hbm>>
        tpu.wait_dma2 semaphore(%arg11 : memref<!tpu.dma_semaphore, #tpu.memory_space<semaphore_mem>>) src(%dma_wait3A_1153 : memref<224xf32, #tpu.memory_space<hbm>>) dst(%dma_wait3A_1151 : memref<224xf32, #tpu.memory_space<vmem>>)
        %dma_wait3A_1154 = arith.constant 2912 : i32
        %dma_wait3A_1155 = tpu.memref_slice %arg7[%dma_wait3A_1154] : memref<3584xf32, #tpu.memory_space<vmem>> -> memref<224xf32, #tpu.memory_space<vmem>>
        %dma_wait3A_1156 = arith.constant 0 : i32
        %dma_wait3A_1157 = tpu.memref_slice %arg3[%dma_wait3A_1156] : memref<2408448xf32, #tpu.memory_space<hbm>> -> memref<224xf32, #tpu.memory_space<hbm>>
        %dma_wait3A_1158 = arith.constant 2912 : i32
        %dma_wait3A_1159 = tpu.memref_slice %arg7[%dma_wait3A_1158] : memref<3584xf32, #tpu.memory_space<vmem>> -> memref<224xf32, #tpu.memory_space<vmem>>
        %dma_wait3A_1160 = arith.constant 0 : i32
        %dma_wait3A_1161 = tpu.memref_slice %arg3[%dma_wait3A_1160] : memref<2408448xf32, #tpu.memory_space<hbm>> -> memref<224xf32, #tpu.memory_space<hbm>>
        tpu.wait_dma2 semaphore(%arg11 : memref<!tpu.dma_semaphore, #tpu.memory_space<semaphore_mem>>) src(%dma_wait3A_1161 : memref<224xf32, #tpu.memory_space<hbm>>) dst(%dma_wait3A_1159 : memref<224xf32, #tpu.memory_space<vmem>>)
        %dma_wait3A_1162 = arith.constant 3136 : i32
        %dma_wait3A_1163 = tpu.memref_slice %arg7[%dma_wait3A_1162] : memref<3584xf32, #tpu.memory_space<vmem>> -> memref<224xf32, #tpu.memory_space<vmem>>
        %dma_wait3A_1164 = arith.constant 0 : i32
        %dma_wait3A_1165 = tpu.memref_slice %arg3[%dma_wait3A_1164] : memref<2408448xf32, #tpu.memory_space<hbm>> -> memref<224xf32, #tpu.memory_space<hbm>>
        %dma_wait3A_1166 = arith.constant 3136 : i32
        %dma_wait3A_1167 = tpu.memref_slice %arg7[%dma_wait3A_1166] : memref<3584xf32, #tpu.memory_space<vmem>> -> memref<224xf32, #tpu.memory_space<vmem>>
        %dma_wait3A_1168 = arith.constant 0 : i32
        %dma_wait3A_1169 = tpu.memref_slice %arg3[%dma_wait3A_1168] : memref<2408448xf32, #tpu.memory_space<hbm>> -> memref<224xf32, #tpu.memory_space<hbm>>
        tpu.wait_dma2 semaphore(%arg11 : memref<!tpu.dma_semaphore, #tpu.memory_space<semaphore_mem>>) src(%dma_wait3A_1169 : memref<224xf32, #tpu.memory_space<hbm>>) dst(%dma_wait3A_1167 : memref<224xf32, #tpu.memory_space<vmem>>)
        %dma_wait3A_1170 = arith.constant 3360 : i32
        %dma_wait3A_1171 = tpu.memref_slice %arg7[%dma_wait3A_1170] : memref<3584xf32, #tpu.memory_space<vmem>> -> memref<224xf32, #tpu.memory_space<vmem>>
        %dma_wait3A_1172 = arith.constant 0 : i32
        %dma_wait3A_1173 = tpu.memref_slice %arg3[%dma_wait3A_1172] : memref<2408448xf32, #tpu.memory_space<hbm>> -> memref<224xf32, #tpu.memory_space<hbm>>
        %dma_wait3A_1174 = arith.constant 3360 : i32
        %dma_wait3A_1175 = tpu.memref_slice %arg7[%dma_wait3A_1174] : memref<3584xf32, #tpu.memory_space<vmem>> -> memref<224xf32, #tpu.memory_space<vmem>>
        %dma_wait3A_1176 = arith.constant 0 : i32
        %dma_wait3A_1177 = tpu.memref_slice %arg3[%dma_wait3A_1176] : memref<2408448xf32, #tpu.memory_space<hbm>> -> memref<224xf32, #tpu.memory_space<hbm>>
        tpu.wait_dma2 semaphore(%arg11 : memref<!tpu.dma_semaphore, #tpu.memory_space<semaphore_mem>>) src(%dma_wait3A_1177 : memref<224xf32, #tpu.memory_space<hbm>>) dst(%dma_wait3A_1175 : memref<224xf32, #tpu.memory_space<vmem>>)
      } else {
      }
      %iota3A_877 = tpu.iota {dimensions = array<i32: 0>} : vector<16xi32>
      %scan3A_878 = arith.constant 0 : i32
      %scan3A_879 = arith.constant 0 : i32
      %scan3A_880 = arith.constant 16 : i32
      %scan3A_881 = arith.addi %scan3A_879, %scan3A_880 : i32
      %scan3A_882 = arith.constant 1 : i32
      scf.for %scan3A_1050 = %scan3A_879 to %scan3A_881 step %scan3A_882  : i32 {
        %add3A_1051 = vector.broadcast %scan3A_1050 : i32 to vector<16xi32>
        %add3A_1052 = arith.addi %add3A_1051, %iota3A_877 : vector<16xi32>
        %and3A_1053 = arith.constant 15 : i32
        %and3A_1054 = vector.broadcast %and3A_1053 : i32 to vector<16xi32>
        %and3A_1055 = arith.andi %add3A_1052, %and3A_1054 : vector<16xi32>
        %mul3A_1056 = arith.constant 4 : i32
        %mul3A_1057 = vector.broadcast %mul3A_1056 : i32 to vector<16xi32>
        %mul3A_1058 = arith.muli %mul3A_1057, %and3A_1055 : vector<16xi32>
        %add3A_1059 = arith.constant 33 : i32
        %add3A_1060 = vector.broadcast %add3A_1059 : i32 to vector<16xi32>
        %add3A_1061 = arith.addi %add3A_1060, %mul3A_1058 : vector<16xi32>
        %mul3A_1062 = arith.constant 224 : i32
        %mul3A_1063 = vector.broadcast %mul3A_1062 : i32 to vector<16xi32>
        %mul3A_1064 = arith.muli %and3A_1055, %mul3A_1063 : vector<16xi32>
        %add3A_1065 = arith.constant 0 : i32
        %add3A_1066 = vector.broadcast %add3A_1065 : i32 to vector<16xi32>
        %add3A_1067 = arith.addi %add3A_1066, %iota3A_877 : vector<16xi32>
        %gather3A = tpu.vector_load_idx %arg5[%add3A_1067, %add3A_1061] : memref<224x128xf32, #tpu.memory_space<vmem>>[vector<16xi32>, vector<16xi32>], vector<16xf32>,
        %add3A_1068 = arith.addi %mul3A_1064, %add3A_1067 : vector<16xi32>
        tpu.vector_store_idx %arg7[%add3A_1068], %gather3A : memref<3584xf32, #tpu.memory_space<vmem>>[vector<16xi32>], vector<16xf32>,
        %add3A_1069 = arith.constant 16 : i32
        %add3A_1070 = vector.broadcast %add3A_1069 : i32 to vector<16xi32>
        %add3A_1071 = arith.addi %add3A_1070, %iota3A_877 : vector<16xi32>
        %gather3A_1072 = tpu.vector_load_idx %arg5[%add3A_1071, %add3A_1061] : memref<224x128xf32, #tpu.memory_space<vmem>>[vector<16xi32>, vector<16xi32>], vector<16xf32>,
        %add3A_1073 = arith.addi %mul3A_1064, %add3A_1071 : vector<16xi32>
        tpu.vector_store_idx %arg7[%add3A_1073], %gather3A_1072 : memref<3584xf32, #tpu.memory_space<vmem>>[vector<16xi32>], vector<16xf32>,
        %add3A_1074 = arith.constant 32 : i32
        %add3A_1075 = vector.broadcast %add3A_1074 : i32 to vector<16xi32>
        %add3A_1076 = arith.addi %add3A_1075, %iota3A_877 : vector<16xi32>
        %gather3A_1077 = tpu.vector_load_idx %arg5[%add3A_1076, %add3A_1061] : memref<224x128xf32, #tpu.memory_space<vmem>>[vector<16xi32>, vector<16xi32>], vector<16xf32>,
        %add3A_1078 = arith.addi %mul3A_1064, %add3A_1076 : vector<16xi32>
        tpu.vector_store_idx %arg7[%add3A_1078], %gather3A_1077 : memref<3584xf32, #tpu.memory_space<vmem>>[vector<16xi32>], vector<16xf32>,
        %add3A_1079 = arith.constant 48 : i32
        %add3A_1080 = vector.broadcast %add3A_1079 : i32 to vector<16xi32>
        %add3A_1081 = arith.addi %add3A_1080, %iota3A_877 : vector<16xi32>
        %gather3A_1082 = tpu.vector_load_idx %arg5[%add3A_1081, %add3A_1061] : memref<224x128xf32, #tpu.memory_space<vmem>>[vector<16xi32>, vector<16xi32>], vector<16xf32>,
        %add3A_1083 = arith.addi %mul3A_1064, %add3A_1081 : vector<16xi32>
        tpu.vector_store_idx %arg7[%add3A_1083], %gather3A_1082 : memref<3584xf32, #tpu.memory_space<vmem>>[vector<16xi32>], vector<16xf32>,
        %add3A_1084 = arith.constant 64 : i32
        %add3A_1085 = vector.broadcast %add3A_1084 : i32 to vector<16xi32>
        %add3A_1086 = arith.addi %add3A_1085, %iota3A_877 : vector<16xi32>
        %gather3A_1087 = tpu.vector_load_idx %arg5[%add3A_1086, %add3A_1061] : memref<224x128xf32, #tpu.memory_space<vmem>>[vector<16xi32>, vector<16xi32>], vector<16xf32>,
        %add3A_1088 = arith.addi %mul3A_1064, %add3A_1086 : vector<16xi32>
        tpu.vector_store_idx %arg7[%add3A_1088], %gather3A_1087 : memref<3584xf32, #tpu.memory_space<vmem>>[vector<16xi32>], vector<16xf32>,
        %add3A_1089 = arith.constant 80 : i32
        %add3A_1090 = vector.broadcast %add3A_1089 : i32 to vector<16xi32>
        %add3A_1091 = arith.addi %add3A_1090, %iota3A_877 : vector<16xi32>
        %gather3A_1092 = tpu.vector_load_idx %arg5[%add3A_1091, %add3A_1061] : memref<224x128xf32, #tpu.memory_space<vmem>>[vector<16xi32>, vector<16xi32>], vector<16xf32>,
        %add3A_1093 = arith.addi %mul3A_1064, %add3A_1091 : vector<16xi32>
        tpu.vector_store_idx %arg7[%add3A_1093], %gather3A_1092 : memref<3584xf32, #tpu.memory_space<vmem>>[vector<16xi32>], vector<16xf32>,
        %add3A_1094 = arith.constant 96 : i32
        %add3A_1095 = vector.broadcast %add3A_1094 : i32 to vector<16xi32>
        %add3A_1096 = arith.addi %add3A_1095, %iota3A_877 : vector<16xi32>
        %gather3A_1097 = tpu.vector_load_idx %arg5[%add3A_1096, %add3A_1061] : memref<224x128xf32, #tpu.memory_space<vmem>>[vector<16xi32>, vector<16xi32>], vector<16xf32>,
        %add3A_1098 = arith.addi %mul3A_1064, %add3A_1096 : vector<16xi32>
        tpu.vector_store_idx %arg7[%add3A_1098], %gather3A_1097 : memref<3584xf32, #tpu.memory_space<vmem>>[vector<16xi32>], vector<16xf32>,
        %add3A_1099 = arith.constant 112 : i32
        %add3A_1100 = vector.broadcast %add3A_1099 : i32 to vector<16xi32>
        %add3A_1101 = arith.addi %add3A_1100, %iota3A_877 : vector<16xi32>
        %gather3A_1102 = tpu.vector_load_idx %arg5[%add3A_1101, %add3A_1061] : memref<224x128xf32, #tpu.memory_space<vmem>>[vector<16xi32>, vector<16xi32>], vector<16xf32>,
        %add3A_1103 = arith.addi %mul3A_1064, %add3A_1101 : vector<16xi32>
        tpu.vector_store_idx %arg7[%add3A_1103], %gather3A_1102 : memref<3584xf32, #tpu.memory_space<vmem>>[vector<16xi32>], vector<16xf32>,
        %add3A_1104 = arith.constant 128 : i32
        %add3A_1105 = vector.broadcast %add3A_1104 : i32 to vector<16xi32>
        %add3A_1106 = arith.addi %add3A_1105, %iota3A_877 : vector<16xi32>
        %gather3A_1107 = tpu.vector_load_idx %arg5[%add3A_1106, %add3A_1061] : memref<224x128xf32, #tpu.memory_space<vmem>>[vector<16xi32>, vector<16xi32>], vector<16xf32>,
        %add3A_1108 = arith.addi %mul3A_1064, %add3A_1106 : vector<16xi32>
        tpu.vector_store_idx %arg7[%add3A_1108], %gather3A_1107 : memref<3584xf32, #tpu.memory_space<vmem>>[vector<16xi32>], vector<16xf32>,
        %add3A_1109 = arith.constant 144 : i32
        %add3A_1110 = vector.broadcast %add3A_1109 : i32 to vector<16xi32>
        %add3A_1111 = arith.addi %add3A_1110, %iota3A_877 : vector<16xi32>
        %gather3A_1112 = tpu.vector_load_idx %arg5[%add3A_1111, %add3A_1061] : memref<224x128xf32, #tpu.memory_space<vmem>>[vector<16xi32>, vector<16xi32>], vector<16xf32>,
        %add3A_1113 = arith.addi %mul3A_1064, %add3A_1111 : vector<16xi32>
        tpu.vector_store_idx %arg7[%add3A_1113], %gather3A_1112 : memref<3584xf32, #tpu.memory_space<vmem>>[vector<16xi32>], vector<16xf32>,
        %add3A_1114 = arith.constant 160 : i32
        %add3A_1115 = vector.broadcast %add3A_1114 : i32 to vector<16xi32>
        %add3A_1116 = arith.addi %add3A_1115, %iota3A_877 : vector<16xi32>
        %gather3A_1117 = tpu.vector_load_idx %arg5[%add3A_1116, %add3A_1061] : memref<224x128xf32, #tpu.memory_space<vmem>>[vector<16xi32>, vector<16xi32>], vector<16xf32>,
        %add3A_1118 = arith.addi %mul3A_1064, %add3A_1116 : vector<16xi32>
        tpu.vector_store_idx %arg7[%add3A_1118], %gather3A_1117 : memref<3584xf32, #tpu.memory_space<vmem>>[vector<16xi32>], vector<16xf32>,
        %add3A_1119 = arith.constant 176 : i32
        %add3A_1120 = vector.broadcast %add3A_1119 : i32 to vector<16xi32>
        %add3A_1121 = arith.addi %add3A_1120, %iota3A_877 : vector<16xi32>
        %gather3A_1122 = tpu.vector_load_idx %arg5[%add3A_1121, %add3A_1061] : memref<224x128xf32, #tpu.memory_space<vmem>>[vector<16xi32>, vector<16xi32>], vector<16xf32>,
        %add3A_1123 = arith.addi %mul3A_1064, %add3A_1121 : vector<16xi32>
        tpu.vector_store_idx %arg7[%add3A_1123], %gather3A_1122 : memref<3584xf32, #tpu.memory_space<vmem>>[vector<16xi32>], vector<16xf32>,
        %add3A_1124 = arith.constant 192 : i32
        %add3A_1125 = vector.broadcast %add3A_1124 : i32 to vector<16xi32>
        %add3A_1126 = arith.addi %add3A_1125, %iota3A_877 : vector<16xi32>
        %gather3A_1127 = tpu.vector_load_idx %arg5[%add3A_1126, %add3A_1061] : memref<224x128xf32, #tpu.memory_space<vmem>>[vector<16xi32>, vector<16xi32>], vector<16xf32>,
        %add3A_1128 = arith.addi %mul3A_1064, %add3A_1126 : vector<16xi32>
        tpu.vector_store_idx %arg7[%add3A_1128], %gather3A_1127 : memref<3584xf32, #tpu.memory_space<vmem>>[vector<16xi32>], vector<16xf32>,
        %add3A_1129 = arith.constant 208 : i32
        %add3A_1130 = vector.broadcast %add3A_1129 : i32 to vector<16xi32>
        %add3A_1131 = arith.addi %add3A_1130, %iota3A_877 : vector<16xi32>
        %gather3A_1132 = tpu.vector_load_idx %arg5[%add3A_1131, %add3A_1061] : memref<224x128xf32, #tpu.memory_space<vmem>>[vector<16xi32>, vector<16xi32>], vector<16xf32>,
        %add3A_1133 = arith.addi %mul3A_1064, %add3A_1131 : vector<16xi32>
        tpu.vector_store_idx %arg7[%add3A_1133], %gather3A_1132 : memref<3584xf32, #tpu.memory_space<vmem>>[vector<16xi32>], vector<16xf32>,
      }
      %scan3A_883 = arith.constant 16 : i32
      %add3A_884 = arith.constant 1 : i32
      %add3A_885 = arith.addi %add3A_604, %add3A_884 : i32
      %jit3A_886 = arith.constant 224 : i32
      %div3A_887 = arith.divsi %add3A_885, %jit3A_886 : i32
      %sign3A_888 = arith.constant 0 : i32
      %sign3A_889 = arith.cmpi sgt, %add3A_885, %sign3A_888 : i32
      %sign3A_890 = arith.extui %sign3A_889 : i1 to i32
      %sign3A_891 = arith.constant 0 : i32
      %sign3A_892 = arith.cmpi slt, %add3A_885, %sign3A_891 : i32
      %sign3A_893 = arith.extui %sign3A_892 : i1 to i32
      %sign3A_894 = arith.subi %sign3A_890, %sign3A_893 : i32
      %sign3A_895 = arith.constant 0 : i32
      %sign3A_896 = arith.cmpi sgt, %jit3A_886, %sign3A_895 : i32
      %sign3A_897 = arith.extui %sign3A_896 : i1 to i32
      %sign3A_898 = arith.constant 0 : i32
      %sign3A_899 = arith.cmpi slt, %jit3A_886, %sign3A_898 : i32
      %sign3A_900 = arith.extui %sign3A_899 : i1 to i32
      %sign3A_901 = arith.subi %sign3A_897, %sign3A_900 : i32
      %ne3A_902 = arith.cmpi ne, %sign3A_894, %sign3A_901 : i32
      %rem3A_903 = arith.remsi %add3A_885, %jit3A_886 : i32
      %ne3A_904 = arith.constant 0 : i32
      %ne3A_905 = arith.cmpi ne, %rem3A_903, %ne3A_904 : i32
      %and3A_906 = arith.andi %ne3A_902, %ne3A_905 : i1
      %sub3A_907 = arith.constant 1 : i32
      %sub3A_908 = arith.subi %div3A_887, %sub3A_907 : i32
      %select_n3A_909 = arith.select %and3A_906, %sub3A_908, %div3A_887 : i32
      %mul3A_910 = arith.constant 224 : i32
      %mul3A_911 = arith.muli %select_n3A_909, %mul3A_910 : i32
      %sub3A_912 = arith.subi %add3A_885, %mul3A_911 : i32
      %mul3A_913 = arith.constant 16 : i32
      %mul3A_914 = arith.muli %select_n3A_909, %mul3A_913 : i32
      %mul3A_915 = arith.constant 224 : i32
      %mul3A_916 = arith.muli %mul3A_914, %mul3A_915 : i32
      %mul3A_917 = arith.constant 224 : i32
      %mul3A_918 = arith.muli %mul3A_916, %mul3A_917 : i32
      %mul3A_919 = arith.constant 224 : i32
      %mul3A_920 = arith.muli %sub3A_912, %mul3A_919 : i32
      %add3A_921 = arith.addi %mul3A_918, %mul3A_920 : i32
      %add3A_922 = arith.constant 0 : i32
      %add3A_923 = arith.addi %add3A_921, %add3A_922 : i32
      %dma_start3A_924 = arith.constant 0 : i32
      %dma_start3A_925 = tpu.memref_slice %arg7[%dma_start3A_924] : memref<3584xf32, #tpu.memory_space<vmem>> -> memref<224xf32, #tpu.memory_space<vmem>>
      %dma_start3A_926 = tpu.memref_slice %arg3[%add3A_923] : memref<2408448xf32, #tpu.memory_space<hbm>> -> memref<224xf32, #tpu.memory_space<hbm>>
      %dma_start3A_927 = tpu.memref_slice %arg3[%add3A_923] : memref<2408448xf32, #tpu.memory_space<hbm>> -> memref<224xf32, #tpu.memory_space<hbm>>
      %dma_start3A_928 = arith.constant 0 : i32
      %dma_start3A_929 = tpu.memref_slice %arg7[%dma_start3A_928] : memref<3584xf32, #tpu.memory_space<vmem>> -> memref<224xf32, #tpu.memory_space<vmem>>
      tpu.enqueue_dma source(%dma_start3A_929 : memref<224xf32, #tpu.memory_space<vmem>>) target(%dma_start3A_927 : memref<224xf32, #tpu.memory_space<hbm>>) target_semaphore(%arg11 : memref<!tpu.dma_semaphore, #tpu.memory_space<semaphore_mem>>)
      %add3A_930 = arith.constant 50176 : i32
      %add3A_931 = arith.addi %add3A_921, %add3A_930 : i32
      %dma_start3A_932 = arith.constant 224 : i32
      %dma_start3A_933 = tpu.memref_slice %arg7[%dma_start3A_932] : memref<3584xf32, #tpu.memory_space<vmem>> -> memref<224xf32, #tpu.memory_space<vmem>>
      %dma_start3A_934 = tpu.memref_slice %arg3[%add3A_931] : memref<2408448xf32, #tpu.memory_space<hbm>> -> memref<224xf32, #tpu.memory_space<hbm>>
      %dma_start3A_935 = tpu.memref_slice %arg3[%add3A_931] : memref<2408448xf32, #tpu.memory_space<hbm>> -> memref<224xf32, #tpu.memory_space<hbm>>
      %dma_start3A_936 = arith.constant 224 : i32
      %dma_start3A_937 = tpu.memref_slice %arg7[%dma_start3A_936] : memref<3584xf32, #tpu.memory_space<vmem>> -> memref<224xf32, #tpu.memory_space<vmem>>
      tpu.enqueue_dma source(%dma_start3A_937 : memref<224xf32, #tpu.memory_space<vmem>>) target(%dma_start3A_935 : memref<224xf32, #tpu.memory_space<hbm>>) target_semaphore(%arg11 : memref<!tpu.dma_semaphore, #tpu.memory_space<semaphore_mem>>)
      %add3A_938 = arith.constant 100352 : i32
      %add3A_939 = arith.addi %add3A_921, %add3A_938 : i32
      %dma_start3A_940 = arith.constant 448 : i32
      %dma_start3A_941 = tpu.memref_slice %arg7[%dma_start3A_940] : memref<3584xf32, #tpu.memory_space<vmem>> -> memref<224xf32, #tpu.memory_space<vmem>>
      %dma_start3A_942 = tpu.memref_slice %arg3[%add3A_939] : memref<2408448xf32, #tpu.memory_space<hbm>> -> memref<224xf32, #tpu.memory_space<hbm>>
      %dma_start3A_943 = tpu.memref_slice %arg3[%add3A_939] : memref<2408448xf32, #tpu.memory_space<hbm>> -> memref<224xf32, #tpu.memory_space<hbm>>
      %dma_start3A_944 = arith.constant 448 : i32
      %dma_start3A_945 = tpu.memref_slice %arg7[%dma_start3A_944] : memref<3584xf32, #tpu.memory_space<vmem>> -> memref<224xf32, #tpu.memory_space<vmem>>
      tpu.enqueue_dma source(%dma_start3A_945 : memref<224xf32, #tpu.memory_space<vmem>>) target(%dma_start3A_943 : memref<224xf32, #tpu.memory_space<hbm>>) target_semaphore(%arg11 : memref<!tpu.dma_semaphore, #tpu.memory_space<semaphore_mem>>)
      %add3A_946 = arith.constant 150528 : i32
      %add3A_947 = arith.addi %add3A_921, %add3A_946 : i32
      %dma_start3A_948 = arith.constant 672 : i32
      %dma_start3A_949 = tpu.memref_slice %arg7[%dma_start3A_948] : memref<3584xf32, #tpu.memory_space<vmem>> -> memref<224xf32, #tpu.memory_space<vmem>>
      %dma_start3A_950 = tpu.memref_slice %arg3[%add3A_947] : memref<2408448xf32, #tpu.memory_space<hbm>> -> memref<224xf32, #tpu.memory_space<hbm>>
      %dma_start3A_951 = tpu.memref_slice %arg3[%add3A_947] : memref<2408448xf32, #tpu.memory_space<hbm>> -> memref<224xf32, #tpu.memory_space<hbm>>
      %dma_start3A_952 = arith.constant 672 : i32
      %dma_start3A_953 = tpu.memref_slice %arg7[%dma_start3A_952] : memref<3584xf32, #tpu.memory_space<vmem>> -> memref<224xf32, #tpu.memory_space<vmem>>
      tpu.enqueue_dma source(%dma_start3A_953 : memref<224xf32, #tpu.memory_space<vmem>>) target(%dma_start3A_951 : memref<224xf32, #tpu.memory_space<hbm>>) target_semaphore(%arg11 : memref<!tpu.dma_semaphore, #tpu.memory_space<semaphore_mem>>)
      %add3A_954 = arith.constant 200704 : i32
      %add3A_955 = arith.addi %add3A_921, %add3A_954 : i32
      %dma_start3A_956 = arith.constant 896 : i32
      %dma_start3A_957 = tpu.memref_slice %arg7[%dma_start3A_956] : memref<3584xf32, #tpu.memory_space<vmem>> -> memref<224xf32, #tpu.memory_space<vmem>>
      %dma_start3A_958 = tpu.memref_slice %arg3[%add3A_955] : memref<2408448xf32, #tpu.memory_space<hbm>> -> memref<224xf32, #tpu.memory_space<hbm>>
      %dma_start3A_959 = tpu.memref_slice %arg3[%add3A_955] : memref<2408448xf32, #tpu.memory_space<hbm>> -> memref<224xf32, #tpu.memory_space<hbm>>
      %dma_start3A_960 = arith.constant 896 : i32
      %dma_start3A_961 = tpu.memref_slice %arg7[%dma_start3A_960] : memref<3584xf32, #tpu.memory_space<vmem>> -> memref<224xf32, #tpu.memory_space<vmem>>
      tpu.enqueue_dma source(%dma_start3A_961 : memref<224xf32, #tpu.memory_space<vmem>>) target(%dma_start3A_959 : memref<224xf32, #tpu.memory_space<hbm>>) target_semaphore(%arg11 : memref<!tpu.dma_semaphore, #tpu.memory_space<semaphore_mem>>)
      %add3A_962 = arith.constant 250880 : i32
      %add3A_963 = arith.addi %add3A_921, %add3A_962 : i32
      %dma_start3A_964 = arith.constant 1120 : i32
      %dma_start3A_965 = tpu.memref_slice %arg7[%dma_start3A_964] : memref<3584xf32, #tpu.memory_space<vmem>> -> memref<224xf32, #tpu.memory_space<vmem>>
      %dma_start3A_966 = tpu.memref_slice %arg3[%add3A_963] : memref<2408448xf32, #tpu.memory_space<hbm>> -> memref<224xf32, #tpu.memory_space<hbm>>
      %dma_start3A_967 = tpu.memref_slice %arg3[%add3A_963] : memref<2408448xf32, #tpu.memory_space<hbm>> -> memref<224xf32, #tpu.memory_space<hbm>>
      %dma_start3A_968 = arith.constant 1120 : i32
      %dma_start3A_969 = tpu.memref_slice %arg7[%dma_start3A_968] : memref<3584xf32, #tpu.memory_space<vmem>> -> memref<224xf32, #tpu.memory_space<vmem>>
      tpu.enqueue_dma source(%dma_start3A_969 : memref<224xf32, #tpu.memory_space<vmem>>) target(%dma_start3A_967 : memref<224xf32, #tpu.memory_space<hbm>>) target_semaphore(%arg11 : memref<!tpu.dma_semaphore, #tpu.memory_space<semaphore_mem>>)
      %add3A_970 = arith.constant 301056 : i32
      %add3A_971 = arith.addi %add3A_921, %add3A_970 : i32
      %dma_start3A_972 = arith.constant 1344 : i32
      %dma_start3A_973 = tpu.memref_slice %arg7[%dma_start3A_972] : memref<3584xf32, #tpu.memory_space<vmem>> -> memref<224xf32, #tpu.memory_space<vmem>>
      %dma_start3A_974 = tpu.memref_slice %arg3[%add3A_971] : memref<2408448xf32, #tpu.memory_space<hbm>> -> memref<224xf32, #tpu.memory_space<hbm>>
      %dma_start3A_975 = tpu.memref_slice %arg3[%add3A_971] : memref<2408448xf32, #tpu.memory_space<hbm>> -> memref<224xf32, #tpu.memory_space<hbm>>
      %dma_start3A_976 = arith.constant 1344 : i32
      %dma_start3A_977 = tpu.memref_slice %arg7[%dma_start3A_976] : memref<3584xf32, #tpu.memory_space<vmem>> -> memref<224xf32, #tpu.memory_space<vmem>>
      tpu.enqueue_dma source(%dma_start3A_977 : memref<224xf32, #tpu.memory_space<vmem>>) target(%dma_start3A_975 : memref<224xf32, #tpu.memory_space<hbm>>) target_semaphore(%arg11 : memref<!tpu.dma_semaphore, #tpu.memory_space<semaphore_mem>>)
      %add3A_978 = arith.constant 351232 : i32
      %add3A_979 = arith.addi %add3A_921, %add3A_978 : i32
      %dma_start3A_980 = arith.constant 1568 : i32
      %dma_start3A_981 = tpu.memref_slice %arg7[%dma_start3A_980] : memref<3584xf32, #tpu.memory_space<vmem>> -> memref<224xf32, #tpu.memory_space<vmem>>
      %dma_start3A_982 = tpu.memref_slice %arg3[%add3A_979] : memref<2408448xf32, #tpu.memory_space<hbm>> -> memref<224xf32, #tpu.memory_space<hbm>>
      %dma_start3A_983 = tpu.memref_slice %arg3[%add3A_979] : memref<2408448xf32, #tpu.memory_space<hbm>> -> memref<224xf32, #tpu.memory_space<hbm>>
      %dma_start3A_984 = arith.constant 1568 : i32
      %dma_start3A_985 = tpu.memref_slice %arg7[%dma_start3A_984] : memref<3584xf32, #tpu.memory_space<vmem>> -> memref<224xf32, #tpu.memory_space<vmem>>
      tpu.enqueue_dma source(%dma_start3A_985 : memref<224xf32, #tpu.memory_space<vmem>>) target(%dma_start3A_983 : memref<224xf32, #tpu.memory_space<hbm>>) target_semaphore(%arg11 : memref<!tpu.dma_semaphore, #tpu.memory_space<semaphore_mem>>)
      %add3A_986 = arith.constant 401408 : i32
      %add3A_987 = arith.addi %add3A_921, %add3A_986 : i32
      %dma_start3A_988 = arith.constant 1792 : i32
      %dma_start3A_989 = tpu.memref_slice %arg7[%dma_start3A_988] : memref<3584xf32, #tpu.memory_space<vmem>> -> memref<224xf32, #tpu.memory_space<vmem>>
      %dma_start3A_990 = tpu.memref_slice %arg3[%add3A_987] : memref<2408448xf32, #tpu.memory_space<hbm>> -> memref<224xf32, #tpu.memory_space<hbm>>
      %dma_start3A_991 = tpu.memref_slice %arg3[%add3A_987] : memref<2408448xf32, #tpu.memory_space<hbm>> -> memref<224xf32, #tpu.memory_space<hbm>>
      %dma_start3A_992 = arith.constant 1792 : i32
      %dma_start3A_993 = tpu.memref_slice %arg7[%dma_start3A_992] : memref<3584xf32, #tpu.memory_space<vmem>> -> memref<224xf32, #tpu.memory_space<vmem>>
      tpu.enqueue_dma source(%dma_start3A_993 : memref<224xf32, #tpu.memory_space<vmem>>) target(%dma_start3A_991 : memref<224xf32, #tpu.memory_space<hbm>>) target_semaphore(%arg11 : memref<!tpu.dma_semaphore, #tpu.memory_space<semaphore_mem>>)
      %add3A_994 = arith.constant 451584 : i32
      %add3A_995 = arith.addi %add3A_921, %add3A_994 : i32
      %dma_start3A_996 = arith.constant 2016 : i32
      %dma_start3A_997 = tpu.memref_slice %arg7[%dma_start3A_996] : memref<3584xf32, #tpu.memory_space<vmem>> -> memref<224xf32, #tpu.memory_space<vmem>>
      %dma_start3A_998 = tpu.memref_slice %arg3[%add3A_995] : memref<2408448xf32, #tpu.memory_space<hbm>> -> memref<224xf32, #tpu.memory_space<hbm>>
      %dma_start3A_999 = tpu.memref_slice %arg3[%add3A_995] : memref<2408448xf32, #tpu.memory_space<hbm>> -> memref<224xf32, #tpu.memory_space<hbm>>
      %dma_start3A_1000 = arith.constant 2016 : i32
      %dma_start3A_1001 = tpu.memref_slice %arg7[%dma_start3A_1000] : memref<3584xf32, #tpu.memory_space<vmem>> -> memref<224xf32, #tpu.memory_space<vmem>>
      tpu.enqueue_dma source(%dma_start3A_1001 : memref<224xf32, #tpu.memory_space<vmem>>) target(%dma_start3A_999 : memref<224xf32, #tpu.memory_space<hbm>>) target_semaphore(%arg11 : memref<!tpu.dma_semaphore, #tpu.memory_space<semaphore_mem>>)
      %add3A_1002 = arith.constant 501760 : i32
      %add3A_1003 = arith.addi %add3A_921, %add3A_1002 : i32
      %dma_start3A_1004 = arith.constant 2240 : i32
      %dma_start3A_1005 = tpu.memref_slice %arg7[%dma_start3A_1004] : memref<3584xf32, #tpu.memory_space<vmem>> -> memref<224xf32, #tpu.memory_space<vmem>>
      %dma_start3A_1006 = tpu.memref_slice %arg3[%add3A_1003] : memref<2408448xf32, #tpu.memory_space<hbm>> -> memref<224xf32, #tpu.memory_space<hbm>>
      %dma_start3A_1007 = tpu.memref_slice %arg3[%add3A_1003] : memref<2408448xf32, #tpu.memory_space<hbm>> -> memref<224xf32, #tpu.memory_space<hbm>>
      %dma_start3A_1008 = arith.constant 2240 : i32
      %dma_start3A_1009 = tpu.memref_slice %arg7[%dma_start3A_1008] : memref<3584xf32, #tpu.memory_space<vmem>> -> memref<224xf32, #tpu.memory_space<vmem>>
      tpu.enqueue_dma source(%dma_start3A_1009 : memref<224xf32, #tpu.memory_space<vmem>>) target(%dma_start3A_1007 : memref<224xf32, #tpu.memory_space<hbm>>) target_semaphore(%arg11 : memref<!tpu.dma_semaphore, #tpu.memory_space<semaphore_mem>>)
      %add3A_1010 = arith.constant 551936 : i32
      %add3A_1011 = arith.addi %add3A_921, %add3A_1010 : i32
      %dma_start3A_1012 = arith.constant 2464 : i32
      %dma_start3A_1013 = tpu.memref_slice %arg7[%dma_start3A_1012] : memref<3584xf32, #tpu.memory_space<vmem>> -> memref<224xf32, #tpu.memory_space<vmem>>
      %dma_start3A_1014 = tpu.memref_slice %arg3[%add3A_1011] : memref<2408448xf32, #tpu.memory_space<hbm>> -> memref<224xf32, #tpu.memory_space<hbm>>
      %dma_start3A_1015 = tpu.memref_slice %arg3[%add3A_1011] : memref<2408448xf32, #tpu.memory_space<hbm>> -> memref<224xf32, #tpu.memory_space<hbm>>
      %dma_start3A_1016 = arith.constant 2464 : i32
      %dma_start3A_1017 = tpu.memref_slice %arg7[%dma_start3A_1016] : memref<3584xf32, #tpu.memory_space<vmem>> -> memref<224xf32, #tpu.memory_space<vmem>>
      tpu.enqueue_dma source(%dma_start3A_1017 : memref<224xf32, #tpu.memory_space<vmem>>) target(%dma_start3A_1015 : memref<224xf32, #tpu.memory_space<hbm>>) target_semaphore(%arg11 : memref<!tpu.dma_semaphore, #tpu.memory_space<semaphore_mem>>)
      %add3A_1018 = arith.constant 602112 : i32
      %add3A_1019 = arith.addi %add3A_921, %add3A_1018 : i32
      %dma_start3A_1020 = arith.constant 2688 : i32
      %dma_start3A_1021 = tpu.memref_slice %arg7[%dma_start3A_1020] : memref<3584xf32, #tpu.memory_space<vmem>> -> memref<224xf32, #tpu.memory_space<vmem>>
      %dma_start3A_1022 = tpu.memref_slice %arg3[%add3A_1019] : memref<2408448xf32, #tpu.memory_space<hbm>> -> memref<224xf32, #tpu.memory_space<hbm>>
      %dma_start3A_1023 = tpu.memref_slice %arg3[%add3A_1019] : memref<2408448xf32, #tpu.memory_space<hbm>> -> memref<224xf32, #tpu.memory_space<hbm>>
      %dma_start3A_1024 = arith.constant 2688 : i32
      %dma_start3A_1025 = tpu.memref_slice %arg7[%dma_start3A_1024] : memref<3584xf32, #tpu.memory_space<vmem>> -> memref<224xf32, #tpu.memory_space<vmem>>
      tpu.enqueue_dma source(%dma_start3A_1025 : memref<224xf32, #tpu.memory_space<vmem>>) target(%dma_start3A_1023 : memref<224xf32, #tpu.memory_space<hbm>>) target_semaphore(%arg11 : memref<!tpu.dma_semaphore, #tpu.memory_space<semaphore_mem>>)
      %add3A_1026 = arith.constant 652288 : i32
      %add3A_1027 = arith.addi %add3A_921, %add3A_1026 : i32
      %dma_start3A_1028 = arith.constant 2912 : i32
      %dma_start3A_1029 = tpu.memref_slice %arg7[%dma_start3A_1028] : memref<3584xf32, #tpu.memory_space<vmem>> -> memref<224xf32, #tpu.memory_space<vmem>>
      %dma_start3A_1030 = tpu.memref_slice %arg3[%add3A_1027] : memref<2408448xf32, #tpu.memory_space<hbm>> -> memref<224xf32, #tpu.memory_space<hbm>>
      %dma_start3A_1031 = tpu.memref_slice %arg3[%add3A_1027] : memref<2408448xf32, #tpu.memory_space<hbm>> -> memref<224xf32, #tpu.memory_space<hbm>>
      %dma_start3A_1032 = arith.constant 2912 : i32
      %dma_start3A_1033 = tpu.memref_slice %arg7[%dma_start3A_1032] : memref<3584xf32, #tpu.memory_space<vmem>> -> memref<224xf32, #tpu.memory_space<vmem>>
      tpu.enqueue_dma source(%dma_start3A_1033 : memref<224xf32, #tpu.memory_space<vmem>>) target(%dma_start3A_1031 : memref<224xf32, #tpu.memory_space<hbm>>) target_semaphore(%arg11 : memref<!tpu.dma_semaphore, #tpu.memory_space<semaphore_mem>>)
      %add3A_1034 = arith.constant 702464 : i32
      %add3A_1035 = arith.addi %add3A_921, %add3A_1034 : i32
      %dma_start3A_1036 = arith.constant 3136 : i32
      %dma_start3A_1037 = tpu.memref_slice %arg7[%dma_start3A_1036] : memref<3584xf32, #tpu.memory_space<vmem>> -> memref<224xf32, #tpu.memory_space<vmem>>
      %dma_start3A_1038 = tpu.memref_slice %arg3[%add3A_1035] : memref<2408448xf32, #tpu.memory_space<hbm>> -> memref<224xf32, #tpu.memory_space<hbm>>
      %dma_start3A_1039 = tpu.memref_slice %arg3[%add3A_1035] : memref<2408448xf32, #tpu.memory_space<hbm>> -> memref<224xf32, #tpu.memory_space<hbm>>
      %dma_start3A_1040 = arith.constant 3136 : i32
      %dma_start3A_1041 = tpu.memref_slice %arg7[%dma_start3A_1040] : memref<3584xf32, #tpu.memory_space<vmem>> -> memref<224xf32, #tpu.memory_space<vmem>>
      tpu.enqueue_dma source(%dma_start3A_1041 : memref<224xf32, #tpu.memory_space<vmem>>) target(%dma_start3A_1039 : memref<224xf32, #tpu.memory_space<hbm>>) target_semaphore(%arg11 : memref<!tpu.dma_semaphore, #tpu.memory_space<semaphore_mem>>)
      %add3A_1042 = arith.constant 752640 : i32
      %add3A_1043 = arith.addi %add3A_921, %add3A_1042 : i32
      %dma_start3A_1044 = arith.constant 3360 : i32
      %dma_start3A_1045 = tpu.memref_slice %arg7[%dma_start3A_1044] : memref<3584xf32, #tpu.memory_space<vmem>> -> memref<224xf32, #tpu.memory_space<vmem>>
      %dma_start3A_1046 = tpu.memref_slice %arg3[%add3A_1043] : memref<2408448xf32, #tpu.memory_space<hbm>> -> memref<224xf32, #tpu.memory_space<hbm>>
      %dma_start3A_1047 = tpu.memref_slice %arg3[%add3A_1043] : memref<2408448xf32, #tpu.memory_space<hbm>> -> memref<224xf32, #tpu.memory_space<hbm>>
      %dma_start3A_1048 = arith.constant 3360 : i32
      %dma_start3A_1049 = tpu.memref_slice %arg7[%dma_start3A_1048] : memref<3584xf32, #tpu.memory_space<vmem>> -> memref<224xf32, #tpu.memory_space<vmem>>
      tpu.enqueue_dma source(%dma_start3A_1049 : memref<224xf32, #tpu.memory_space<vmem>>) target(%dma_start3A_1047 : memref<224xf32, #tpu.memory_space<hbm>>) target_semaphore(%arg11 : memref<!tpu.dma_semaphore, #tpu.memory_space<semaphore_mem>>)
    }
    %scan3A_33 = arith.constant 10 : i32
    %dma_wait3A = arith.constant 0 : i32
    %dma_wait3A_34 = arith.constant 0 : i32
    %dma_wait3A_35 = arith.constant 0 : i32
    %dma_wait3A_36 = arith.constant 0 : i32
    %dma_wait3A_37 = tpu.memref_slice %arg2[%dma_wait3A, %dma_wait3A_34, %dma_wait3A_35, %dma_wait3A_36] : memref<3x224x224x128xf32, #tpu.memory_space<hbm>> -> memref<1x1x224x128xf32, #tpu.memory_space<hbm>>
    %dma_wait3A_38 = tpu.memref_squeeze %dma_wait3A_37 : memref<1x1x224x128xf32, #tpu.memory_space<hbm>> -> memref<224x128xf32, #tpu.memory_space<hbm>>
    %dma_wait3A_39 = arith.constant 0 : i32
    %dma_wait3A_40 = arith.constant 0 : i32
    %dma_wait3A_41 = tpu.memref_slice %arg2[%dma_wait3A, %dma_wait3A_34, %dma_wait3A_39, %dma_wait3A_40] : memref<3x224x224x128xf32, #tpu.memory_space<hbm>> -> memref<1x1x224x128xf32, #tpu.memory_space<hbm>>
    %dma_wait3A_42 = tpu.memref_squeeze %dma_wait3A_41 : memref<1x1x224x128xf32, #tpu.memory_space<hbm>> -> memref<224x128xf32, #tpu.memory_space<hbm>>
    tpu.wait_dma2 semaphore(%arg8 : memref<!tpu.dma_semaphore, #tpu.memory_space<semaphore_mem>>) src(%dma_wait3A_42 : memref<224x128xf32, #tpu.memory_space<hbm>>) dst(%arg4 : memref<224x128xf32, #tpu.memory_space<vmem>>)
    %dma_wait3A_43 = arith.constant 0 : i32
    %dma_wait3A_44 = tpu.memref_slice %arg6[%dma_wait3A_43] : memref<3584xf32, #tpu.memory_space<vmem>> -> memref<224xf32, #tpu.memory_space<vmem>>
    %dma_wait3A_45 = arith.constant 0 : i32
    %dma_wait3A_46 = tpu.memref_slice %arg3[%dma_wait3A_45] : memref<2408448xf32, #tpu.memory_space<hbm>> -> memref<224xf32, #tpu.memory_space<hbm>>
    %dma_wait3A_47 = arith.constant 0 : i32
    %dma_wait3A_48 = tpu.memref_slice %arg6[%dma_wait3A_47] : memref<3584xf32, #tpu.memory_space<vmem>> -> memref<224xf32, #tpu.memory_space<vmem>>
    %dma_wait3A_49 = arith.constant 0 : i32
    %dma_wait3A_50 = tpu.memref_slice %arg3[%dma_wait3A_49] : memref<2408448xf32, #tpu.memory_space<hbm>> -> memref<224xf32, #tpu.memory_space<hbm>>
    tpu.wait_dma2 semaphore(%arg10 : memref<!tpu.dma_semaphore, #tpu.memory_space<semaphore_mem>>) src(%dma_wait3A_50 : memref<224xf32, #tpu.memory_space<hbm>>) dst(%dma_wait3A_48 : memref<224xf32, #tpu.memory_space<vmem>>)
    %dma_wait3A_51 = arith.constant 224 : i32
    %dma_wait3A_52 = tpu.memref_slice %arg6[%dma_wait3A_51] : memref<3584xf32, #tpu.memory_space<vmem>> -> memref<224xf32, #tpu.memory_space<vmem>>
    %dma_wait3A_53 = arith.constant 0 : i32
    %dma_wait3A_54 = tpu.memref_slice %arg3[%dma_wait3A_53] : memref<2408448xf32, #tpu.memory_space<hbm>> -> memref<224xf32, #tpu.memory_space<hbm>>
    %dma_wait3A_55 = arith.constant 224 : i32
    %dma_wait3A_56 = tpu.memref_slice %arg6[%dma_wait3A_55] : memref<3584xf32, #tpu.memory_space<vmem>> -> memref<224xf32, #tpu.memory_space<vmem>>
    %dma_wait3A_57 = arith.constant 0 : i32
    %dma_wait3A_58 = tpu.memref_slice %arg3[%dma_wait3A_57] : memref<2408448xf32, #tpu.memory_space<hbm>> -> memref<224xf32, #tpu.memory_space<hbm>>
    tpu.wait_dma2 semaphore(%arg10 : memref<!tpu.dma_semaphore, #tpu.memory_space<semaphore_mem>>) src(%dma_wait3A_58 : memref<224xf32, #tpu.memory_space<hbm>>) dst(%dma_wait3A_56 : memref<224xf32, #tpu.memory_space<vmem>>)
    %dma_wait3A_59 = arith.constant 448 : i32
    %dma_wait3A_60 = tpu.memref_slice %arg6[%dma_wait3A_59] : memref<3584xf32, #tpu.memory_space<vmem>> -> memref<224xf32, #tpu.memory_space<vmem>>
    %dma_wait3A_61 = arith.constant 0 : i32
    %dma_wait3A_62 = tpu.memref_slice %arg3[%dma_wait3A_61] : memref<2408448xf32, #tpu.memory_space<hbm>> -> memref<224xf32, #tpu.memory_space<hbm>>
    %dma_wait3A_63 = arith.constant 448 : i32
    %dma_wait3A_64 = tpu.memref_slice %arg6[%dma_wait3A_63] : memref<3584xf32, #tpu.memory_space<vmem>> -> memref<224xf32, #tpu.memory_space<vmem>>
    %dma_wait3A_65 = arith.constant 0 : i32
    %dma_wait3A_66 = tpu.memref_slice %arg3[%dma_wait3A_65] : memref<2408448xf32, #tpu.memory_space<hbm>> -> memref<224xf32, #tpu.memory_space<hbm>>
    tpu.wait_dma2 semaphore(%arg10 : memref<!tpu.dma_semaphore, #tpu.memory_space<semaphore_mem>>) src(%dma_wait3A_66 : memref<224xf32, #tpu.memory_space<hbm>>) dst(%dma_wait3A_64 : memref<224xf32, #tpu.memory_space<vmem>>)
    %dma_wait3A_67 = arith.constant 672 : i32
    %dma_wait3A_68 = tpu.memref_slice %arg6[%dma_wait3A_67] : memref<3584xf32, #tpu.memory_space<vmem>> -> memref<224xf32, #tpu.memory_space<vmem>>
    %dma_wait3A_69 = arith.constant 0 : i32
    %dma_wait3A_70 = tpu.memref_slice %arg3[%dma_wait3A_69] : memref<2408448xf32, #tpu.memory_space<hbm>> -> memref<224xf32, #tpu.memory_space<hbm>>
    %dma_wait3A_71 = arith.constant 672 : i32
    %dma_wait3A_72 = tpu.memref_slice %arg6[%dma_wait3A_71] : memref<3584xf32, #tpu.memory_space<vmem>> -> memref<224xf32, #tpu.memory_space<vmem>>
    %dma_wait3A_73 = arith.constant 0 : i32
    %dma_wait3A_74 = tpu.memref_slice %arg3[%dma_wait3A_73] : memref<2408448xf32, #tpu.memory_space<hbm>> -> memref<224xf32, #tpu.memory_space<hbm>>
    tpu.wait_dma2 semaphore(%arg10 : memref<!tpu.dma_semaphore, #tpu.memory_space<semaphore_mem>>) src(%dma_wait3A_74 : memref<224xf32, #tpu.memory_space<hbm>>) dst(%dma_wait3A_72 : memref<224xf32, #tpu.memory_space<vmem>>)
    %dma_wait3A_75 = arith.constant 896 : i32
    %dma_wait3A_76 = tpu.memref_slice %arg6[%dma_wait3A_75] : memref<3584xf32, #tpu.memory_space<vmem>> -> memref<224xf32, #tpu.memory_space<vmem>>
    %dma_wait3A_77 = arith.constant 0 : i32
    %dma_wait3A_78 = tpu.memref_slice %arg3[%dma_wait3A_77] : memref<2408448xf32, #tpu.memory_space<hbm>> -> memref<224xf32, #tpu.memory_space<hbm>>
    %dma_wait3A_79 = arith.constant 896 : i32
    %dma_wait3A_80 = tpu.memref_slice %arg6[%dma_wait3A_79] : memref<3584xf32, #tpu.memory_space<vmem>> -> memref<224xf32, #tpu.memory_space<vmem>>
    %dma_wait3A_81 = arith.constant 0 : i32
    %dma_wait3A_82 = tpu.memref_slice %arg3[%dma_wait3A_81] : memref<2408448xf32, #tpu.memory_space<hbm>> -> memref<224xf32, #tpu.memory_space<hbm>>
    tpu.wait_dma2 semaphore(%arg10 : memref<!tpu.dma_semaphore, #tpu.memory_space<semaphore_mem>>) src(%dma_wait3A_82 : memref<224xf32, #tpu.memory_space<hbm>>) dst(%dma_wait3A_80 : memref<224xf32, #tpu.memory_space<vmem>>)
    %dma_wait3A_83 = arith.constant 1120 : i32
    %dma_wait3A_84 = tpu.memref_slice %arg6[%dma_wait3A_83] : memref<3584xf32, #tpu.memory_space<vmem>> -> memref<224xf32, #tpu.memory_space<vmem>>
    %dma_wait3A_85 = arith.constant 0 : i32
    %dma_wait3A_86 = tpu.memref_slice %arg3[%dma_wait3A_85] : memref<2408448xf32, #tpu.memory_space<hbm>> -> memref<224xf32, #tpu.memory_space<hbm>>
    %dma_wait3A_87 = arith.constant 1120 : i32
    %dma_wait3A_88 = tpu.memref_slice %arg6[%dma_wait3A_87] : memref<3584xf32, #tpu.memory_space<vmem>> -> memref<224xf32, #tpu.memory_space<vmem>>
    %dma_wait3A_89 = arith.constant 0 : i32
    %dma_wait3A_90 = tpu.memref_slice %arg3[%dma_wait3A_89] : memref<2408448xf32, #tpu.memory_space<hbm>> -> memref<224xf32, #tpu.memory_space<hbm>>
    tpu.wait_dma2 semaphore(%arg10 : memref<!tpu.dma_semaphore, #tpu.memory_space<semaphore_mem>>) src(%dma_wait3A_90 : memref<224xf32, #tpu.memory_space<hbm>>) dst(%dma_wait3A_88 : memref<224xf32, #tpu.memory_space<vmem>>)
    %dma_wait3A_91 = arith.constant 1344 : i32
    %dma_wait3A_92 = tpu.memref_slice %arg6[%dma_wait3A_91] : memref<3584xf32, #tpu.memory_space<vmem>> -> memref<224xf32, #tpu.memory_space<vmem>>
    %dma_wait3A_93 = arith.constant 0 : i32
    %dma_wait3A_94 = tpu.memref_slice %arg3[%dma_wait3A_93] : memref<2408448xf32, #tpu.memory_space<hbm>> -> memref<224xf32, #tpu.memory_space<hbm>>
    %dma_wait3A_95 = arith.constant 1344 : i32
    %dma_wait3A_96 = tpu.memref_slice %arg6[%dma_wait3A_95] : memref<3584xf32, #tpu.memory_space<vmem>> -> memref<224xf32, #tpu.memory_space<vmem>>
    %dma_wait3A_97 = arith.constant 0 : i32
    %dma_wait3A_98 = tpu.memref_slice %arg3[%dma_wait3A_97] : memref<2408448xf32, #tpu.memory_space<hbm>> -> memref<224xf32, #tpu.memory_space<hbm>>
    tpu.wait_dma2 semaphore(%arg10 : memref<!tpu.dma_semaphore, #tpu.memory_space<semaphore_mem>>) src(%dma_wait3A_98 : memref<224xf32, #tpu.memory_space<hbm>>) dst(%dma_wait3A_96 : memref<224xf32, #tpu.memory_space<vmem>>)
    %dma_wait3A_99 = arith.constant 1568 : i32
    %dma_wait3A_100 = tpu.memref_slice %arg6[%dma_wait3A_99] : memref<3584xf32, #tpu.memory_space<vmem>> -> memref<224xf32, #tpu.memory_space<vmem>>
    %dma_wait3A_101 = arith.constant 0 : i32
    %dma_wait3A_102 = tpu.memref_slice %arg3[%dma_wait3A_101] : memref<2408448xf32, #tpu.memory_space<hbm>> -> memref<224xf32, #tpu.memory_space<hbm>>
    %dma_wait3A_103 = arith.constant 1568 : i32
    %dma_wait3A_104 = tpu.memref_slice %arg6[%dma_wait3A_103] : memref<3584xf32, #tpu.memory_space<vmem>> -> memref<224xf32, #tpu.memory_space<vmem>>
    %dma_wait3A_105 = arith.constant 0 : i32
    %dma_wait3A_106 = tpu.memref_slice %arg3[%dma_wait3A_105] : memref<2408448xf32, #tpu.memory_space<hbm>> -> memref<224xf32, #tpu.memory_space<hbm>>
    tpu.wait_dma2 semaphore(%arg10 : memref<!tpu.dma_semaphore, #tpu.memory_space<semaphore_mem>>) src(%dma_wait3A_106 : memref<224xf32, #tpu.memory_space<hbm>>) dst(%dma_wait3A_104 : memref<224xf32, #tpu.memory_space<vmem>>)
    %dma_wait3A_107 = arith.constant 1792 : i32
    %dma_wait3A_108 = tpu.memref_slice %arg6[%dma_wait3A_107] : memref<3584xf32, #tpu.memory_space<vmem>> -> memref<224xf32, #tpu.memory_space<vmem>>
    %dma_wait3A_109 = arith.constant 0 : i32
    %dma_wait3A_110 = tpu.memref_slice %arg3[%dma_wait3A_109] : memref<2408448xf32, #tpu.memory_space<hbm>> -> memref<224xf32, #tpu.memory_space<hbm>>
    %dma_wait3A_111 = arith.constant 1792 : i32
    %dma_wait3A_112 = tpu.memref_slice %arg6[%dma_wait3A_111] : memref<3584xf32, #tpu.memory_space<vmem>> -> memref<224xf32, #tpu.memory_space<vmem>>
    %dma_wait3A_113 = arith.constant 0 : i32
    %dma_wait3A_114 = tpu.memref_slice %arg3[%dma_wait3A_113] : memref<2408448xf32, #tpu.memory_space<hbm>> -> memref<224xf32, #tpu.memory_space<hbm>>
    tpu.wait_dma2 semaphore(%arg10 : memref<!tpu.dma_semaphore, #tpu.memory_space<semaphore_mem>>) src(%dma_wait3A_114 : memref<224xf32, #tpu.memory_space<hbm>>) dst(%dma_wait3A_112 : memref<224xf32, #tpu.memory_space<vmem>>)
    %dma_wait3A_115 = arith.constant 2016 : i32
    %dma_wait3A_116 = tpu.memref_slice %arg6[%dma_wait3A_115] : memref<3584xf32, #tpu.memory_space<vmem>> -> memref<224xf32, #tpu.memory_space<vmem>>
    %dma_wait3A_117 = arith.constant 0 : i32
    %dma_wait3A_118 = tpu.memref_slice %arg3[%dma_wait3A_117] : memref<2408448xf32, #tpu.memory_space<hbm>> -> memref<224xf32, #tpu.memory_space<hbm>>
    %dma_wait3A_119 = arith.constant 2016 : i32
    %dma_wait3A_120 = tpu.memref_slice %arg6[%dma_wait3A_119] : memref<3584xf32, #tpu.memory_space<vmem>> -> memref<224xf32, #tpu.memory_space<vmem>>
    %dma_wait3A_121 = arith.constant 0 : i32
    %dma_wait3A_122 = tpu.memref_slice %arg3[%dma_wait3A_121] : memref<2408448xf32, #tpu.memory_space<hbm>> -> memref<224xf32, #tpu.memory_space<hbm>>
    tpu.wait_dma2 semaphore(%arg10 : memref<!tpu.dma_semaphore, #tpu.memory_space<semaphore_mem>>) src(%dma_wait3A_122 : memref<224xf32, #tpu.memory_space<hbm>>) dst(%dma_wait3A_120 : memref<224xf32, #tpu.memory_space<vmem>>)
    %dma_wait3A_123 = arith.constant 2240 : i32
    %dma_wait3A_124 = tpu.memref_slice %arg6[%dma_wait3A_123] : memref<3584xf32, #tpu.memory_space<vmem>> -> memref<224xf32, #tpu.memory_space<vmem>>
    %dma_wait3A_125 = arith.constant 0 : i32
    %dma_wait3A_126 = tpu.memref_slice %arg3[%dma_wait3A_125] : memref<2408448xf32, #tpu.memory_space<hbm>> -> memref<224xf32, #tpu.memory_space<hbm>>
    %dma_wait3A_127 = arith.constant 2240 : i32
    %dma_wait3A_128 = tpu.memref_slice %arg6[%dma_wait3A_127] : memref<3584xf32, #tpu.memory_space<vmem>> -> memref<224xf32, #tpu.memory_space<vmem>>
    %dma_wait3A_129 = arith.constant 0 : i32
    %dma_wait3A_130 = tpu.memref_slice %arg3[%dma_wait3A_129] : memref<2408448xf32, #tpu.memory_space<hbm>> -> memref<224xf32, #tpu.memory_space<hbm>>
    tpu.wait_dma2 semaphore(%arg10 : memref<!tpu.dma_semaphore, #tpu.memory_space<semaphore_mem>>) src(%dma_wait3A_130 : memref<224xf32, #tpu.memory_space<hbm>>) dst(%dma_wait3A_128 : memref<224xf32, #tpu.memory_space<vmem>>)
    %dma_wait3A_131 = arith.constant 2464 : i32
    %dma_wait3A_132 = tpu.memref_slice %arg6[%dma_wait3A_131] : memref<3584xf32, #tpu.memory_space<vmem>> -> memref<224xf32, #tpu.memory_space<vmem>>
    %dma_wait3A_133 = arith.constant 0 : i32
    %dma_wait3A_134 = tpu.memref_slice %arg3[%dma_wait3A_133] : memref<2408448xf32, #tpu.memory_space<hbm>> -> memref<224xf32, #tpu.memory_space<hbm>>
    %dma_wait3A_135 = arith.constant 2464 : i32
    %dma_wait3A_136 = tpu.memref_slice %arg6[%dma_wait3A_135] : memref<3584xf32, #tpu.memory_space<vmem>> -> memref<224xf32, #tpu.memory_space<vmem>>
    %dma_wait3A_137 = arith.constant 0 : i32
    %dma_wait3A_138 = tpu.memref_slice %arg3[%dma_wait3A_137] : memref<2408448xf32, #tpu.memory_space<hbm>> -> memref<224xf32, #tpu.memory_space<hbm>>
    tpu.wait_dma2 semaphore(%arg10 : memref<!tpu.dma_semaphore, #tpu.memory_space<semaphore_mem>>) src(%dma_wait3A_138 : memref<224xf32, #tpu.memory_space<hbm>>) dst(%dma_wait3A_136 : memref<224xf32, #tpu.memory_space<vmem>>)
    %dma_wait3A_139 = arith.constant 2688 : i32
    %dma_wait3A_140 = tpu.memref_slice %arg6[%dma_wait3A_139] : memref<3584xf32, #tpu.memory_space<vmem>> -> memref<224xf32, #tpu.memory_space<vmem>>
    %dma_wait3A_141 = arith.constant 0 : i32
    %dma_wait3A_142 = tpu.memref_slice %arg3[%dma_wait3A_141] : memref<2408448xf32, #tpu.memory_space<hbm>> -> memref<224xf32, #tpu.memory_space<hbm>>
    %dma_wait3A_143 = arith.constant 2688 : i32
    %dma_wait3A_144 = tpu.memref_slice %arg6[%dma_wait3A_143] : memref<3584xf32, #tpu.memory_space<vmem>> -> memref<224xf32, #tpu.memory_space<vmem>>
    %dma_wait3A_145 = arith.constant 0 : i32
    %dma_wait3A_146 = tpu.memref_slice %arg3[%dma_wait3A_145] : memref<2408448xf32, #tpu.memory_space<hbm>> -> memref<224xf32, #tpu.memory_space<hbm>>
    tpu.wait_dma2 semaphore(%arg10 : memref<!tpu.dma_semaphore, #tpu.memory_space<semaphore_mem>>) src(%dma_wait3A_146 : memref<224xf32, #tpu.memory_space<hbm>>) dst(%dma_wait3A_144 : memref<224xf32, #tpu.memory_space<vmem>>)
    %dma_wait3A_147 = arith.constant 2912 : i32
    %dma_wait3A_148 = tpu.memref_slice %arg6[%dma_wait3A_147] : memref<3584xf32, #tpu.memory_space<vmem>> -> memref<224xf32, #tpu.memory_space<vmem>>
    %dma_wait3A_149 = arith.constant 0 : i32
    %dma_wait3A_150 = tpu.memref_slice %arg3[%dma_wait3A_149] : memref<2408448xf32, #tpu.memory_space<hbm>> -> memref<224xf32, #tpu.memory_space<hbm>>
    %dma_wait3A_151 = arith.constant 2912 : i32
    %dma_wait3A_152 = tpu.memref_slice %arg6[%dma_wait3A_151] : memref<3584xf32, #tpu.memory_space<vmem>> -> memref<224xf32, #tpu.memory_space<vmem>>
    %dma_wait3A_153 = arith.constant 0 : i32
    %dma_wait3A_154 = tpu.memref_slice %arg3[%dma_wait3A_153] : memref<2408448xf32, #tpu.memory_space<hbm>> -> memref<224xf32, #tpu.memory_space<hbm>>
    tpu.wait_dma2 semaphore(%arg10 : memref<!tpu.dma_semaphore, #tpu.memory_space<semaphore_mem>>) src(%dma_wait3A_154 : memref<224xf32, #tpu.memory_space<hbm>>) dst(%dma_wait3A_152 : memref<224xf32, #tpu.memory_space<vmem>>)
    %dma_wait3A_155 = arith.constant 3136 : i32
    %dma_wait3A_156 = tpu.memref_slice %arg6[%dma_wait3A_155] : memref<3584xf32, #tpu.memory_space<vmem>> -> memref<224xf32, #tpu.memory_space<vmem>>
    %dma_wait3A_157 = arith.constant 0 : i32
    %dma_wait3A_158 = tpu.memref_slice %arg3[%dma_wait3A_157] : memref<2408448xf32, #tpu.memory_space<hbm>> -> memref<224xf32, #tpu.memory_space<hbm>>
    %dma_wait3A_159 = arith.constant 3136 : i32
    %dma_wait3A_160 = tpu.memref_slice %arg6[%dma_wait3A_159] : memref<3584xf32, #tpu.memory_space<vmem>> -> memref<224xf32, #tpu.memory_space<vmem>>
    %dma_wait3A_161 = arith.constant 0 : i32
    %dma_wait3A_162 = tpu.memref_slice %arg3[%dma_wait3A_161] : memref<2408448xf32, #tpu.memory_space<hbm>> -> memref<224xf32, #tpu.memory_space<hbm>>
    tpu.wait_dma2 semaphore(%arg10 : memref<!tpu.dma_semaphore, #tpu.memory_space<semaphore_mem>>) src(%dma_wait3A_162 : memref<224xf32, #tpu.memory_space<hbm>>) dst(%dma_wait3A_160 : memref<224xf32, #tpu.memory_space<vmem>>)
    %dma_wait3A_163 = arith.constant 3360 : i32
    %dma_wait3A_164 = tpu.memref_slice %arg6[%dma_wait3A_163] : memref<3584xf32, #tpu.memory_space<vmem>> -> memref<224xf32, #tpu.memory_space<vmem>>
    %dma_wait3A_165 = arith.constant 0 : i32
    %dma_wait3A_166 = tpu.memref_slice %arg3[%dma_wait3A_165] : memref<2408448xf32, #tpu.memory_space<hbm>> -> memref<224xf32, #tpu.memory_space<hbm>>
    %dma_wait3A_167 = arith.constant 3360 : i32
    %dma_wait3A_168 = tpu.memref_slice %arg6[%dma_wait3A_167] : memref<3584xf32, #tpu.memory_space<vmem>> -> memref<224xf32, #tpu.memory_space<vmem>>
    %dma_wait3A_169 = arith.constant 0 : i32
    %dma_wait3A_170 = tpu.memref_slice %arg3[%dma_wait3A_169] : memref<2408448xf32, #tpu.memory_space<hbm>> -> memref<224xf32, #tpu.memory_space<hbm>>
    tpu.wait_dma2 semaphore(%arg10 : memref<!tpu.dma_semaphore, #tpu.memory_space<semaphore_mem>>) src(%dma_wait3A_170 : memref<224xf32, #tpu.memory_space<hbm>>) dst(%dma_wait3A_168 : memref<224xf32, #tpu.memory_space<vmem>>)
    %iota3A = tpu.iota {dimensions = array<i32: 0>} : vector<16xi32>
    %scan3A_171 = arith.constant 0 : i32
    %scan3A_172 = arith.constant 0 : i32
    %scan3A_173 = arith.constant 16 : i32
    %scan3A_174 = arith.addi %scan3A_172, %scan3A_173 : i32
    %scan3A_175 = arith.constant 1 : i32
    scf.for %scan3A_601 = %scan3A_172 to %scan3A_174 step %scan3A_175  : i32 {
      %add3A_602 = vector.broadcast %scan3A_601 : i32 to vector<16xi32>
      %add3A_603 = arith.addi %add3A_602, %iota3A : vector<16xi32>
      %and3A_604 = arith.constant 15 : i32
      %and3A_605 = vector.broadcast %and3A_604 : i32 to vector<16xi32>
      %and3A_606 = arith.andi %add3A_603, %and3A_605 : vector<16xi32>
      %mul3A_607 = arith.constant 4 : i32
      %mul3A_608 = vector.broadcast %mul3A_607 : i32 to vector<16xi32>
      %mul3A_609 = arith.muli %mul3A_608, %and3A_606 : vector<16xi32>
      %add3A_610 = arith.constant 33 : i32
      %add3A_611 = vector.broadcast %add3A_610 : i32 to vector<16xi32>
      %add3A_612 = arith.addi %add3A_611, %mul3A_609 : vector<16xi32>
      %mul3A_613 = arith.constant 224 : i32
      %mul3A_614 = vector.broadcast %mul3A_613 : i32 to vector<16xi32>
      %mul3A_615 = arith.muli %and3A_606, %mul3A_614 : vector<16xi32>
      %add3A_616 = arith.constant 0 : i32
      %add3A_617 = vector.broadcast %add3A_616 : i32 to vector<16xi32>
      %add3A_618 = arith.addi %add3A_617, %iota3A : vector<16xi32>
      %gather3A = tpu.vector_load_idx %arg4[%add3A_618, %add3A_612] : memref<224x128xf32, #tpu.memory_space<vmem>>[vector<16xi32>, vector<16xi32>], vector<16xf32>,
      %add3A_619 = arith.addi %mul3A_615, %add3A_618 : vector<16xi32>
      tpu.vector_store_idx %arg6[%add3A_619], %gather3A : memref<3584xf32, #tpu.memory_space<vmem>>[vector<16xi32>], vector<16xf32>,
      %add3A_620 = arith.constant 16 : i32
      %add3A_621 = vector.broadcast %add3A_620 : i32 to vector<16xi32>
      %add3A_622 = arith.addi %add3A_621, %iota3A : vector<16xi32>
      %gather3A_623 = tpu.vector_load_idx %arg4[%add3A_622, %add3A_612] : memref<224x128xf32, #tpu.memory_space<vmem>>[vector<16xi32>, vector<16xi32>], vector<16xf32>,
      %add3A_624 = arith.addi %mul3A_615, %add3A_622 : vector<16xi32>
      tpu.vector_store_idx %arg6[%add3A_624], %gather3A_623 : memref<3584xf32, #tpu.memory_space<vmem>>[vector<16xi32>], vector<16xf32>,
      %add3A_625 = arith.constant 32 : i32
      %add3A_626 = vector.broadcast %add3A_625 : i32 to vector<16xi32>
      %add3A_627 = arith.addi %add3A_626, %iota3A : vector<16xi32>
      %gather3A_628 = tpu.vector_load_idx %arg4[%add3A_627, %add3A_612] : memref<224x128xf32, #tpu.memory_space<vmem>>[vector<16xi32>, vector<16xi32>], vector<16xf32>,
      %add3A_629 = arith.addi %mul3A_615, %add3A_627 : vector<16xi32>
      tpu.vector_store_idx %arg6[%add3A_629], %gather3A_628 : memref<3584xf32, #tpu.memory_space<vmem>>[vector<16xi32>], vector<16xf32>,
      %add3A_630 = arith.constant 48 : i32
      %add3A_631 = vector.broadcast %add3A_630 : i32 to vector<16xi32>
      %add3A_632 = arith.addi %add3A_631, %iota3A : vector<16xi32>
      %gather3A_633 = tpu.vector_load_idx %arg4[%add3A_632, %add3A_612] : memref<224x128xf32, #tpu.memory_space<vmem>>[vector<16xi32>, vector<16xi32>], vector<16xf32>,
      %add3A_634 = arith.addi %mul3A_615, %add3A_632 : vector<16xi32>
      tpu.vector_store_idx %arg6[%add3A_634], %gather3A_633 : memref<3584xf32, #tpu.memory_space<vmem>>[vector<16xi32>], vector<16xf32>,
      %add3A_635 = arith.constant 64 : i32
      %add3A_636 = vector.broadcast %add3A_635 : i32 to vector<16xi32>
      %add3A_637 = arith.addi %add3A_636, %iota3A : vector<16xi32>
      %gather3A_638 = tpu.vector_load_idx %arg4[%add3A_637, %add3A_612] : memref<224x128xf32, #tpu.memory_space<vmem>>[vector<16xi32>, vector<16xi32>], vector<16xf32>,
      %add3A_639 = arith.addi %mul3A_615, %add3A_637 : vector<16xi32>
      tpu.vector_store_idx %arg6[%add3A_639], %gather3A_638 : memref<3584xf32, #tpu.memory_space<vmem>>[vector<16xi32>], vector<16xf32>,
      %add3A_640 = arith.constant 80 : i32
      %add3A_641 = vector.broadcast %add3A_640 : i32 to vector<16xi32>
      %add3A_642 = arith.addi %add3A_641, %iota3A : vector<16xi32>
      %gather3A_643 = tpu.vector_load_idx %arg4[%add3A_642, %add3A_612] : memref<224x128xf32, #tpu.memory_space<vmem>>[vector<16xi32>, vector<16xi32>], vector<16xf32>,
      %add3A_644 = arith.addi %mul3A_615, %add3A_642 : vector<16xi32>
      tpu.vector_store_idx %arg6[%add3A_644], %gather3A_643 : memref<3584xf32, #tpu.memory_space<vmem>>[vector<16xi32>], vector<16xf32>,
      %add3A_645 = arith.constant 96 : i32
      %add3A_646 = vector.broadcast %add3A_645 : i32 to vector<16xi32>
      %add3A_647 = arith.addi %add3A_646, %iota3A : vector<16xi32>
      %gather3A_648 = tpu.vector_load_idx %arg4[%add3A_647, %add3A_612] : memref<224x128xf32, #tpu.memory_space<vmem>>[vector<16xi32>, vector<16xi32>], vector<16xf32>,
      %add3A_649 = arith.addi %mul3A_615, %add3A_647 : vector<16xi32>
      tpu.vector_store_idx %arg6[%add3A_649], %gather3A_648 : memref<3584xf32, #tpu.memory_space<vmem>>[vector<16xi32>], vector<16xf32>,
      %add3A_650 = arith.constant 112 : i32
      %add3A_651 = vector.broadcast %add3A_650 : i32 to vector<16xi32>
      %add3A_652 = arith.addi %add3A_651, %iota3A : vector<16xi32>
      %gather3A_653 = tpu.vector_load_idx %arg4[%add3A_652, %add3A_612] : memref<224x128xf32, #tpu.memory_space<vmem>>[vector<16xi32>, vector<16xi32>], vector<16xf32>,
      %add3A_654 = arith.addi %mul3A_615, %add3A_652 : vector<16xi32>
      tpu.vector_store_idx %arg6[%add3A_654], %gather3A_653 : memref<3584xf32, #tpu.memory_space<vmem>>[vector<16xi32>], vector<16xf32>,
      %add3A_655 = arith.constant 128 : i32
      %add3A_656 = vector.broadcast %add3A_655 : i32 to vector<16xi32>
      %add3A_657 = arith.addi %add3A_656, %iota3A : vector<16xi32>
      %gather3A_658 = tpu.vector_load_idx %arg4[%add3A_657, %add3A_612] : memref<224x128xf32, #tpu.memory_space<vmem>>[vector<16xi32>, vector<16xi32>], vector<16xf32>,
      %add3A_659 = arith.addi %mul3A_615, %add3A_657 : vector<16xi32>
      tpu.vector_store_idx %arg6[%add3A_659], %gather3A_658 : memref<3584xf32, #tpu.memory_space<vmem>>[vector<16xi32>], vector<16xf32>,
      %add3A_660 = arith.constant 144 : i32
      %add3A_661 = vector.broadcast %add3A_660 : i32 to vector<16xi32>
      %add3A_662 = arith.addi %add3A_661, %iota3A : vector<16xi32>
      %gather3A_663 = tpu.vector_load_idx %arg4[%add3A_662, %add3A_612] : memref<224x128xf32, #tpu.memory_space<vmem>>[vector<16xi32>, vector<16xi32>], vector<16xf32>,
      %add3A_664 = arith.addi %mul3A_615, %add3A_662 : vector<16xi32>
      tpu.vector_store_idx %arg6[%add3A_664], %gather3A_663 : memref<3584xf32, #tpu.memory_space<vmem>>[vector<16xi32>], vector<16xf32>,
      %add3A_665 = arith.constant 160 : i32
      %add3A_666 = vector.broadcast %add3A_665 : i32 to vector<16xi32>
      %add3A_667 = arith.addi %add3A_666, %iota3A : vector<16xi32>
      %gather3A_668 = tpu.vector_load_idx %arg4[%add3A_667, %add3A_612] : memref<224x128xf32, #tpu.memory_space<vmem>>[vector<16xi32>, vector<16xi32>], vector<16xf32>,
      %add3A_669 = arith.addi %mul3A_615, %add3A_667 : vector<16xi32>
      tpu.vector_store_idx %arg6[%add3A_669], %gather3A_668 : memref<3584xf32, #tpu.memory_space<vmem>>[vector<16xi32>], vector<16xf32>,
      %add3A_670 = arith.constant 176 : i32
      %add3A_671 = vector.broadcast %add3A_670 : i32 to vector<16xi32>
      %add3A_672 = arith.addi %add3A_671, %iota3A : vector<16xi32>
      %gather3A_673 = tpu.vector_load_idx %arg4[%add3A_672, %add3A_612] : memref<224x128xf32, #tpu.memory_space<vmem>>[vector<16xi32>, vector<16xi32>], vector<16xf32>,
      %add3A_674 = arith.addi %mul3A_615, %add3A_672 : vector<16xi32>
      tpu.vector_store_idx %arg6[%add3A_674], %gather3A_673 : memref<3584xf32, #tpu.memory_space<vmem>>[vector<16xi32>], vector<16xf32>,
      %add3A_675 = arith.constant 192 : i32
      %add3A_676 = vector.broadcast %add3A_675 : i32 to vector<16xi32>
      %add3A_677 = arith.addi %add3A_676, %iota3A : vector<16xi32>
      %gather3A_678 = tpu.vector_load_idx %arg4[%add3A_677, %add3A_612] : memref<224x128xf32, #tpu.memory_space<vmem>>[vector<16xi32>, vector<16xi32>], vector<16xf32>,
      %add3A_679 = arith.addi %mul3A_615, %add3A_677 : vector<16xi32>
      tpu.vector_store_idx %arg6[%add3A_679], %gather3A_678 : memref<3584xf32, #tpu.memory_space<vmem>>[vector<16xi32>], vector<16xf32>,
      %add3A_680 = arith.constant 208 : i32
      %add3A_681 = vector.broadcast %add3A_680 : i32 to vector<16xi32>
      %add3A_682 = arith.addi %add3A_681, %iota3A : vector<16xi32>
      %gather3A_683 = tpu.vector_load_idx %arg4[%add3A_682, %add3A_612] : memref<224x128xf32, #tpu.memory_space<vmem>>[vector<16xi32>, vector<16xi32>], vector<16xf32>,
      %add3A_684 = arith.addi %mul3A_615, %add3A_682 : vector<16xi32>
      tpu.vector_store_idx %arg6[%add3A_684], %gather3A_683 : memref<3584xf32, #tpu.memory_space<vmem>>[vector<16xi32>], vector<16xf32>,
    }
    %scan3A_176 = arith.constant 16 : i32
    %add3A_177 = arith.constant 21 : i32
    %add3A_178 = arith.addi %mul3A_2, %add3A_177 : i32
    %sub3A_179 = arith.constant 1 : i32
    %sub3A_180 = arith.subi %add3A_178, %sub3A_179 : i32
    %jit3A_181 = arith.constant 224 : i32
    %div3A_182 = arith.divsi %sub3A_180, %jit3A_181 : i32
    %sign3A_183 = arith.constant 0 : i32
    %sign3A_184 = arith.cmpi sgt, %sub3A_180, %sign3A_183 : i32
    %sign3A_185 = arith.extui %sign3A_184 : i1 to i32
    %sign3A_186 = arith.constant 0 : i32
    %sign3A_187 = arith.cmpi slt, %sub3A_180, %sign3A_186 : i32
    %sign3A_188 = arith.extui %sign3A_187 : i1 to i32
    %sign3A_189 = arith.subi %sign3A_185, %sign3A_188 : i32
    %sign3A_190 = arith.constant 0 : i32
    %sign3A_191 = arith.cmpi sgt, %jit3A_181, %sign3A_190 : i32
    %sign3A_192 = arith.extui %sign3A_191 : i1 to i32
    %sign3A_193 = arith.constant 0 : i32
    %sign3A_194 = arith.cmpi slt, %jit3A_181, %sign3A_193 : i32
    %sign3A_195 = arith.extui %sign3A_194 : i1 to i32
    %sign3A_196 = arith.subi %sign3A_192, %sign3A_195 : i32
    %ne3A_197 = arith.cmpi ne, %sign3A_189, %sign3A_196 : i32
    %rem3A_198 = arith.remsi %sub3A_180, %jit3A_181 : i32
    %ne3A_199 = arith.constant 0 : i32
    %ne3A_200 = arith.cmpi ne, %rem3A_198, %ne3A_199 : i32
    %and3A_201 = arith.andi %ne3A_197, %ne3A_200 : i1
    %sub3A_202 = arith.constant 1 : i32
    %sub3A_203 = arith.subi %div3A_182, %sub3A_202 : i32
    %select_n3A_204 = arith.select %and3A_201, %sub3A_203, %div3A_182 : i32
    %mul3A_205 = arith.constant 224 : i32
    %mul3A_206 = arith.muli %select_n3A_204, %mul3A_205 : i32
    %sub3A_207 = arith.subi %sub3A_180, %mul3A_206 : i32
    %mul3A_208 = arith.constant 16 : i32
    %mul3A_209 = arith.muli %select_n3A_204, %mul3A_208 : i32
    %mul3A_210 = arith.constant 224 : i32
    %mul3A_211 = arith.muli %mul3A_209, %mul3A_210 : i32
    %mul3A_212 = arith.constant 224 : i32
    %mul3A_213 = arith.muli %mul3A_211, %mul3A_212 : i32
    %mul3A_214 = arith.constant 224 : i32
    %mul3A_215 = arith.muli %sub3A_207, %mul3A_214 : i32
    %add3A_216 = arith.addi %mul3A_213, %mul3A_215 : i32
    %add3A_217 = arith.constant 0 : i32
    %add3A_218 = arith.addi %add3A_216, %add3A_217 : i32
    %dma_start3A_219 = arith.constant 0 : i32
    %dma_start3A_220 = tpu.memref_slice %arg6[%dma_start3A_219] : memref<3584xf32, #tpu.memory_space<vmem>> -> memref<224xf32, #tpu.memory_space<vmem>>
    %dma_start3A_221 = tpu.memref_slice %arg3[%add3A_218] : memref<2408448xf32, #tpu.memory_space<hbm>> -> memref<224xf32, #tpu.memory_space<hbm>>
    %dma_start3A_222 = tpu.memref_slice %arg3[%add3A_218] : memref<2408448xf32, #tpu.memory_space<hbm>> -> memref<224xf32, #tpu.memory_space<hbm>>
    %dma_start3A_223 = arith.constant 0 : i32
    %dma_start3A_224 = tpu.memref_slice %arg6[%dma_start3A_223] : memref<3584xf32, #tpu.memory_space<vmem>> -> memref<224xf32, #tpu.memory_space<vmem>>
    tpu.enqueue_dma source(%dma_start3A_224 : memref<224xf32, #tpu.memory_space<vmem>>) target(%dma_start3A_222 : memref<224xf32, #tpu.memory_space<hbm>>) target_semaphore(%arg10 : memref<!tpu.dma_semaphore, #tpu.memory_space<semaphore_mem>>)
    %add3A_225 = arith.constant 50176 : i32
    %add3A_226 = arith.addi %add3A_216, %add3A_225 : i32
    %dma_start3A_227 = arith.constant 224 : i32
    %dma_start3A_228 = tpu.memref_slice %arg6[%dma_start3A_227] : memref<3584xf32, #tpu.memory_space<vmem>> -> memref<224xf32, #tpu.memory_space<vmem>>
    %dma_start3A_229 = tpu.memref_slice %arg3[%add3A_226] : memref<2408448xf32, #tpu.memory_space<hbm>> -> memref<224xf32, #tpu.memory_space<hbm>>
    %dma_start3A_230 = tpu.memref_slice %arg3[%add3A_226] : memref<2408448xf32, #tpu.memory_space<hbm>> -> memref<224xf32, #tpu.memory_space<hbm>>
    %dma_start3A_231 = arith.constant 224 : i32
    %dma_start3A_232 = tpu.memref_slice %arg6[%dma_start3A_231] : memref<3584xf32, #tpu.memory_space<vmem>> -> memref<224xf32, #tpu.memory_space<vmem>>
    tpu.enqueue_dma source(%dma_start3A_232 : memref<224xf32, #tpu.memory_space<vmem>>) target(%dma_start3A_230 : memref<224xf32, #tpu.memory_space<hbm>>) target_semaphore(%arg10 : memref<!tpu.dma_semaphore, #tpu.memory_space<semaphore_mem>>)
    %add3A_233 = arith.constant 100352 : i32
    %add3A_234 = arith.addi %add3A_216, %add3A_233 : i32
    %dma_start3A_235 = arith.constant 448 : i32
    %dma_start3A_236 = tpu.memref_slice %arg6[%dma_start3A_235] : memref<3584xf32, #tpu.memory_space<vmem>> -> memref<224xf32, #tpu.memory_space<vmem>>
    %dma_start3A_237 = tpu.memref_slice %arg3[%add3A_234] : memref<2408448xf32, #tpu.memory_space<hbm>> -> memref<224xf32, #tpu.memory_space<hbm>>
    %dma_start3A_238 = tpu.memref_slice %arg3[%add3A_234] : memref<2408448xf32, #tpu.memory_space<hbm>> -> memref<224xf32, #tpu.memory_space<hbm>>
    %dma_start3A_239 = arith.constant 448 : i32
    %dma_start3A_240 = tpu.memref_slice %arg6[%dma_start3A_239] : memref<3584xf32, #tpu.memory_space<vmem>> -> memref<224xf32, #tpu.memory_space<vmem>>
    tpu.enqueue_dma source(%dma_start3A_240 : memref<224xf32, #tpu.memory_space<vmem>>) target(%dma_start3A_238 : memref<224xf32, #tpu.memory_space<hbm>>) target_semaphore(%arg10 : memref<!tpu.dma_semaphore, #tpu.memory_space<semaphore_mem>>)
    %add3A_241 = arith.constant 150528 : i32
    %add3A_242 = arith.addi %add3A_216, %add3A_241 : i32
    %dma_start3A_243 = arith.constant 672 : i32
    %dma_start3A_244 = tpu.memref_slice %arg6[%dma_start3A_243] : memref<3584xf32, #tpu.memory_space<vmem>> -> memref<224xf32, #tpu.memory_space<vmem>>
    %dma_start3A_245 = tpu.memref_slice %arg3[%add3A_242] : memref<2408448xf32, #tpu.memory_space<hbm>> -> memref<224xf32, #tpu.memory_space<hbm>>
    %dma_start3A_246 = tpu.memref_slice %arg3[%add3A_242] : memref<2408448xf32, #tpu.memory_space<hbm>> -> memref<224xf32, #tpu.memory_space<hbm>>
    %dma_start3A_247 = arith.constant 672 : i32
    %dma_start3A_248 = tpu.memref_slice %arg6[%dma_start3A_247] : memref<3584xf32, #tpu.memory_space<vmem>> -> memref<224xf32, #tpu.memory_space<vmem>>
    tpu.enqueue_dma source(%dma_start3A_248 : memref<224xf32, #tpu.memory_space<vmem>>) target(%dma_start3A_246 : memref<224xf32, #tpu.memory_space<hbm>>) target_semaphore(%arg10 : memref<!tpu.dma_semaphore, #tpu.memory_space<semaphore_mem>>)
    %add3A_249 = arith.constant 200704 : i32
    %add3A_250 = arith.addi %add3A_216, %add3A_249 : i32
    %dma_start3A_251 = arith.constant 896 : i32
    %dma_start3A_252 = tpu.memref_slice %arg6[%dma_start3A_251] : memref<3584xf32, #tpu.memory_space<vmem>> -> memref<224xf32, #tpu.memory_space<vmem>>
    %dma_start3A_253 = tpu.memref_slice %arg3[%add3A_250] : memref<2408448xf32, #tpu.memory_space<hbm>> -> memref<224xf32, #tpu.memory_space<hbm>>
    %dma_start3A_254 = tpu.memref_slice %arg3[%add3A_250] : memref<2408448xf32, #tpu.memory_space<hbm>> -> memref<224xf32, #tpu.memory_space<hbm>>
    %dma_start3A_255 = arith.constant 896 : i32
    %dma_start3A_256 = tpu.memref_slice %arg6[%dma_start3A_255] : memref<3584xf32, #tpu.memory_space<vmem>> -> memref<224xf32, #tpu.memory_space<vmem>>
    tpu.enqueue_dma source(%dma_start3A_256 : memref<224xf32, #tpu.memory_space<vmem>>) target(%dma_start3A_254 : memref<224xf32, #tpu.memory_space<hbm>>) target_semaphore(%arg10 : memref<!tpu.dma_semaphore, #tpu.memory_space<semaphore_mem>>)
    %add3A_257 = arith.constant 250880 : i32
    %add3A_258 = arith.addi %add3A_216, %add3A_257 : i32
    %dma_start3A_259 = arith.constant 1120 : i32
    %dma_start3A_260 = tpu.memref_slice %arg6[%dma_start3A_259] : memref<3584xf32, #tpu.memory_space<vmem>> -> memref<224xf32, #tpu.memory_space<vmem>>
    %dma_start3A_261 = tpu.memref_slice %arg3[%add3A_258] : memref<2408448xf32, #tpu.memory_space<hbm>> -> memref<224xf32, #tpu.memory_space<hbm>>
    %dma_start3A_262 = tpu.memref_slice %arg3[%add3A_258] : memref<2408448xf32, #tpu.memory_space<hbm>> -> memref<224xf32, #tpu.memory_space<hbm>>
    %dma_start3A_263 = arith.constant 1120 : i32
    %dma_start3A_264 = tpu.memref_slice %arg6[%dma_start3A_263] : memref<3584xf32, #tpu.memory_space<vmem>> -> memref<224xf32, #tpu.memory_space<vmem>>
    tpu.enqueue_dma source(%dma_start3A_264 : memref<224xf32, #tpu.memory_space<vmem>>) target(%dma_start3A_262 : memref<224xf32, #tpu.memory_space<hbm>>) target_semaphore(%arg10 : memref<!tpu.dma_semaphore, #tpu.memory_space<semaphore_mem>>)
    %add3A_265 = arith.constant 301056 : i32
    %add3A_266 = arith.addi %add3A_216, %add3A_265 : i32
    %dma_start3A_267 = arith.constant 1344 : i32
    %dma_start3A_268 = tpu.memref_slice %arg6[%dma_start3A_267] : memref<3584xf32, #tpu.memory_space<vmem>> -> memref<224xf32, #tpu.memory_space<vmem>>
    %dma_start3A_269 = tpu.memref_slice %arg3[%add3A_266] : memref<2408448xf32, #tpu.memory_space<hbm>> -> memref<224xf32, #tpu.memory_space<hbm>>
    %dma_start3A_270 = tpu.memref_slice %arg3[%add3A_266] : memref<2408448xf32, #tpu.memory_space<hbm>> -> memref<224xf32, #tpu.memory_space<hbm>>
    %dma_start3A_271 = arith.constant 1344 : i32
    %dma_start3A_272 = tpu.memref_slice %arg6[%dma_start3A_271] : memref<3584xf32, #tpu.memory_space<vmem>> -> memref<224xf32, #tpu.memory_space<vmem>>
    tpu.enqueue_dma source(%dma_start3A_272 : memref<224xf32, #tpu.memory_space<vmem>>) target(%dma_start3A_270 : memref<224xf32, #tpu.memory_space<hbm>>) target_semaphore(%arg10 : memref<!tpu.dma_semaphore, #tpu.memory_space<semaphore_mem>>)
    %add3A_273 = arith.constant 351232 : i32
    %add3A_274 = arith.addi %add3A_216, %add3A_273 : i32
    %dma_start3A_275 = arith.constant 1568 : i32
    %dma_start3A_276 = tpu.memref_slice %arg6[%dma_start3A_275] : memref<3584xf32, #tpu.memory_space<vmem>> -> memref<224xf32, #tpu.memory_space<vmem>>
    %dma_start3A_277 = tpu.memref_slice %arg3[%add3A_274] : memref<2408448xf32, #tpu.memory_space<hbm>> -> memref<224xf32, #tpu.memory_space<hbm>>
    %dma_start3A_278 = tpu.memref_slice %arg3[%add3A_274] : memref<2408448xf32, #tpu.memory_space<hbm>> -> memref<224xf32, #tpu.memory_space<hbm>>
    %dma_start3A_279 = arith.constant 1568 : i32
    %dma_start3A_280 = tpu.memref_slice %arg6[%dma_start3A_279] : memref<3584xf32, #tpu.memory_space<vmem>> -> memref<224xf32, #tpu.memory_space<vmem>>
    tpu.enqueue_dma source(%dma_start3A_280 : memref<224xf32, #tpu.memory_space<vmem>>) target(%dma_start3A_278 : memref<224xf32, #tpu.memory_space<hbm>>) target_semaphore(%arg10 : memref<!tpu.dma_semaphore, #tpu.memory_space<semaphore_mem>>)
    %add3A_281 = arith.constant 401408 : i32
    %add3A_282 = arith.addi %add3A_216, %add3A_281 : i32
    %dma_start3A_283 = arith.constant 1792 : i32
    %dma_start3A_284 = tpu.memref_slice %arg6[%dma_start3A_283] : memref<3584xf32, #tpu.memory_space<vmem>> -> memref<224xf32, #tpu.memory_space<vmem>>
    %dma_start3A_285 = tpu.memref_slice %arg3[%add3A_282] : memref<2408448xf32, #tpu.memory_space<hbm>> -> memref<224xf32, #tpu.memory_space<hbm>>
    %dma_start3A_286 = tpu.memref_slice %arg3[%add3A_282] : memref<2408448xf32, #tpu.memory_space<hbm>> -> memref<224xf32, #tpu.memory_space<hbm>>
    %dma_start3A_287 = arith.constant 1792 : i32
    %dma_start3A_288 = tpu.memref_slice %arg6[%dma_start3A_287] : memref<3584xf32, #tpu.memory_space<vmem>> -> memref<224xf32, #tpu.memory_space<vmem>>
    tpu.enqueue_dma source(%dma_start3A_288 : memref<224xf32, #tpu.memory_space<vmem>>) target(%dma_start3A_286 : memref<224xf32, #tpu.memory_space<hbm>>) target_semaphore(%arg10 : memref<!tpu.dma_semaphore, #tpu.memory_space<semaphore_mem>>)
    %add3A_289 = arith.constant 451584 : i32
    %add3A_290 = arith.addi %add3A_216, %add3A_289 : i32
    %dma_start3A_291 = arith.constant 2016 : i32
    %dma_start3A_292 = tpu.memref_slice %arg6[%dma_start3A_291] : memref<3584xf32, #tpu.memory_space<vmem>> -> memref<224xf32, #tpu.memory_space<vmem>>
    %dma_start3A_293 = tpu.memref_slice %arg3[%add3A_290] : memref<2408448xf32, #tpu.memory_space<hbm>> -> memref<224xf32, #tpu.memory_space<hbm>>
    %dma_start3A_294 = tpu.memref_slice %arg3[%add3A_290] : memref<2408448xf32, #tpu.memory_space<hbm>> -> memref<224xf32, #tpu.memory_space<hbm>>
    %dma_start3A_295 = arith.constant 2016 : i32
    %dma_start3A_296 = tpu.memref_slice %arg6[%dma_start3A_295] : memref<3584xf32, #tpu.memory_space<vmem>> -> memref<224xf32, #tpu.memory_space<vmem>>
    tpu.enqueue_dma source(%dma_start3A_296 : memref<224xf32, #tpu.memory_space<vmem>>) target(%dma_start3A_294 : memref<224xf32, #tpu.memory_space<hbm>>) target_semaphore(%arg10 : memref<!tpu.dma_semaphore, #tpu.memory_space<semaphore_mem>>)
    %add3A_297 = arith.constant 501760 : i32
    %add3A_298 = arith.addi %add3A_216, %add3A_297 : i32
    %dma_start3A_299 = arith.constant 2240 : i32
    %dma_start3A_300 = tpu.memref_slice %arg6[%dma_start3A_299] : memref<3584xf32, #tpu.memory_space<vmem>> -> memref<224xf32, #tpu.memory_space<vmem>>
    %dma_start3A_301 = tpu.memref_slice %arg3[%add3A_298] : memref<2408448xf32, #tpu.memory_space<hbm>> -> memref<224xf32, #tpu.memory_space<hbm>>
    %dma_start3A_302 = tpu.memref_slice %arg3[%add3A_298] : memref<2408448xf32, #tpu.memory_space<hbm>> -> memref<224xf32, #tpu.memory_space<hbm>>
    %dma_start3A_303 = arith.constant 2240 : i32
    %dma_start3A_304 = tpu.memref_slice %arg6[%dma_start3A_303] : memref<3584xf32, #tpu.memory_space<vmem>> -> memref<224xf32, #tpu.memory_space<vmem>>
    tpu.enqueue_dma source(%dma_start3A_304 : memref<224xf32, #tpu.memory_space<vmem>>) target(%dma_start3A_302 : memref<224xf32, #tpu.memory_space<hbm>>) target_semaphore(%arg10 : memref<!tpu.dma_semaphore, #tpu.memory_space<semaphore_mem>>)
    %add3A_305 = arith.constant 551936 : i32
    %add3A_306 = arith.addi %add3A_216, %add3A_305 : i32
    %dma_start3A_307 = arith.constant 2464 : i32
    %dma_start3A_308 = tpu.memref_slice %arg6[%dma_start3A_307] : memref<3584xf32, #tpu.memory_space<vmem>> -> memref<224xf32, #tpu.memory_space<vmem>>
    %dma_start3A_309 = tpu.memref_slice %arg3[%add3A_306] : memref<2408448xf32, #tpu.memory_space<hbm>> -> memref<224xf32, #tpu.memory_space<hbm>>
    %dma_start3A_310 = tpu.memref_slice %arg3[%add3A_306] : memref<2408448xf32, #tpu.memory_space<hbm>> -> memref<224xf32, #tpu.memory_space<hbm>>
    %dma_start3A_311 = arith.constant 2464 : i32
    %dma_start3A_312 = tpu.memref_slice %arg6[%dma_start3A_311] : memref<3584xf32, #tpu.memory_space<vmem>> -> memref<224xf32, #tpu.memory_space<vmem>>
    tpu.enqueue_dma source(%dma_start3A_312 : memref<224xf32, #tpu.memory_space<vmem>>) target(%dma_start3A_310 : memref<224xf32, #tpu.memory_space<hbm>>) target_semaphore(%arg10 : memref<!tpu.dma_semaphore, #tpu.memory_space<semaphore_mem>>)
    %add3A_313 = arith.constant 602112 : i32
    %add3A_314 = arith.addi %add3A_216, %add3A_313 : i32
    %dma_start3A_315 = arith.constant 2688 : i32
    %dma_start3A_316 = tpu.memref_slice %arg6[%dma_start3A_315] : memref<3584xf32, #tpu.memory_space<vmem>> -> memref<224xf32, #tpu.memory_space<vmem>>
    %dma_start3A_317 = tpu.memref_slice %arg3[%add3A_314] : memref<2408448xf32, #tpu.memory_space<hbm>> -> memref<224xf32, #tpu.memory_space<hbm>>
    %dma_start3A_318 = tpu.memref_slice %arg3[%add3A_314] : memref<2408448xf32, #tpu.memory_space<hbm>> -> memref<224xf32, #tpu.memory_space<hbm>>
    %dma_start3A_319 = arith.constant 2688 : i32
    %dma_start3A_320 = tpu.memref_slice %arg6[%dma_start3A_319] : memref<3584xf32, #tpu.memory_space<vmem>> -> memref<224xf32, #tpu.memory_space<vmem>>
    tpu.enqueue_dma source(%dma_start3A_320 : memref<224xf32, #tpu.memory_space<vmem>>) target(%dma_start3A_318 : memref<224xf32, #tpu.memory_space<hbm>>) target_semaphore(%arg10 : memref<!tpu.dma_semaphore, #tpu.memory_space<semaphore_mem>>)
    %add3A_321 = arith.constant 652288 : i32
    %add3A_322 = arith.addi %add3A_216, %add3A_321 : i32
    %dma_start3A_323 = arith.constant 2912 : i32
    %dma_start3A_324 = tpu.memref_slice %arg6[%dma_start3A_323] : memref<3584xf32, #tpu.memory_space<vmem>> -> memref<224xf32, #tpu.memory_space<vmem>>
    %dma_start3A_325 = tpu.memref_slice %arg3[%add3A_322] : memref<2408448xf32, #tpu.memory_space<hbm>> -> memref<224xf32, #tpu.memory_space<hbm>>
    %dma_start3A_326 = tpu.memref_slice %arg3[%add3A_322] : memref<2408448xf32, #tpu.memory_space<hbm>> -> memref<224xf32, #tpu.memory_space<hbm>>
    %dma_start3A_327 = arith.constant 2912 : i32
    %dma_start3A_328 = tpu.memref_slice %arg6[%dma_start3A_327] : memref<3584xf32, #tpu.memory_space<vmem>> -> memref<224xf32, #tpu.memory_space<vmem>>
    tpu.enqueue_dma source(%dma_start3A_328 : memref<224xf32, #tpu.memory_space<vmem>>) target(%dma_start3A_326 : memref<224xf32, #tpu.memory_space<hbm>>) target_semaphore(%arg10 : memref<!tpu.dma_semaphore, #tpu.memory_space<semaphore_mem>>)
    %add3A_329 = arith.constant 702464 : i32
    %add3A_330 = arith.addi %add3A_216, %add3A_329 : i32
    %dma_start3A_331 = arith.constant 3136 : i32
    %dma_start3A_332 = tpu.memref_slice %arg6[%dma_start3A_331] : memref<3584xf32, #tpu.memory_space<vmem>> -> memref<224xf32, #tpu.memory_space<vmem>>
    %dma_start3A_333 = tpu.memref_slice %arg3[%add3A_330] : memref<2408448xf32, #tpu.memory_space<hbm>> -> memref<224xf32, #tpu.memory_space<hbm>>
    %dma_start3A_334 = tpu.memref_slice %arg3[%add3A_330] : memref<2408448xf32, #tpu.memory_space<hbm>> -> memref<224xf32, #tpu.memory_space<hbm>>
    %dma_start3A_335 = arith.constant 3136 : i32
    %dma_start3A_336 = tpu.memref_slice %arg6[%dma_start3A_335] : memref<3584xf32, #tpu.memory_space<vmem>> -> memref<224xf32, #tpu.memory_space<vmem>>
    tpu.enqueue_dma source(%dma_start3A_336 : memref<224xf32, #tpu.memory_space<vmem>>) target(%dma_start3A_334 : memref<224xf32, #tpu.memory_space<hbm>>) target_semaphore(%arg10 : memref<!tpu.dma_semaphore, #tpu.memory_space<semaphore_mem>>)
    %add3A_337 = arith.constant 752640 : i32
    %add3A_338 = arith.addi %add3A_216, %add3A_337 : i32
    %dma_start3A_339 = arith.constant 3360 : i32
    %dma_start3A_340 = tpu.memref_slice %arg6[%dma_start3A_339] : memref<3584xf32, #tpu.memory_space<vmem>> -> memref<224xf32, #tpu.memory_space<vmem>>
    %dma_start3A_341 = tpu.memref_slice %arg3[%add3A_338] : memref<2408448xf32, #tpu.memory_space<hbm>> -> memref<224xf32, #tpu.memory_space<hbm>>
    %dma_start3A_342 = tpu.memref_slice %arg3[%add3A_338] : memref<2408448xf32, #tpu.memory_space<hbm>> -> memref<224xf32, #tpu.memory_space<hbm>>
    %dma_start3A_343 = arith.constant 3360 : i32
    %dma_start3A_344 = tpu.memref_slice %arg6[%dma_start3A_343] : memref<3584xf32, #tpu.memory_space<vmem>> -> memref<224xf32, #tpu.memory_space<vmem>>
    tpu.enqueue_dma source(%dma_start3A_344 : memref<224xf32, #tpu.memory_space<vmem>>) target(%dma_start3A_342 : memref<224xf32, #tpu.memory_space<hbm>>) target_semaphore(%arg10 : memref<!tpu.dma_semaphore, #tpu.memory_space<semaphore_mem>>)
    %dma_wait3A_345 = arith.constant 0 : i32
    %dma_wait3A_346 = tpu.memref_slice %arg7[%dma_wait3A_345] : memref<3584xf32, #tpu.memory_space<vmem>> -> memref<224xf32, #tpu.memory_space<vmem>>
    %dma_wait3A_347 = arith.constant 0 : i32
    %dma_wait3A_348 = tpu.memref_slice %arg3[%dma_wait3A_347] : memref<2408448xf32, #tpu.memory_space<hbm>> -> memref<224xf32, #tpu.memory_space<hbm>>
    %dma_wait3A_349 = arith.constant 0 : i32
    %dma_wait3A_350 = tpu.memref_slice %arg7[%dma_wait3A_349] : memref<3584xf32, #tpu.memory_space<vmem>> -> memref<224xf32, #tpu.memory_space<vmem>>
    %dma_wait3A_351 = arith.constant 0 : i32
    %dma_wait3A_352 = tpu.memref_slice %arg3[%dma_wait3A_351] : memref<2408448xf32, #tpu.memory_space<hbm>> -> memref<224xf32, #tpu.memory_space<hbm>>
    tpu.wait_dma2 semaphore(%arg11 : memref<!tpu.dma_semaphore, #tpu.memory_space<semaphore_mem>>) src(%dma_wait3A_352 : memref<224xf32, #tpu.memory_space<hbm>>) dst(%dma_wait3A_350 : memref<224xf32, #tpu.memory_space<vmem>>)
    %dma_wait3A_353 = arith.constant 224 : i32
    %dma_wait3A_354 = tpu.memref_slice %arg7[%dma_wait3A_353] : memref<3584xf32, #tpu.memory_space<vmem>> -> memref<224xf32, #tpu.memory_space<vmem>>
    %dma_wait3A_355 = arith.constant 0 : i32
    %dma_wait3A_356 = tpu.memref_slice %arg3[%dma_wait3A_355] : memref<2408448xf32, #tpu.memory_space<hbm>> -> memref<224xf32, #tpu.memory_space<hbm>>
    %dma_wait3A_357 = arith.constant 224 : i32
    %dma_wait3A_358 = tpu.memref_slice %arg7[%dma_wait3A_357] : memref<3584xf32, #tpu.memory_space<vmem>> -> memref<224xf32, #tpu.memory_space<vmem>>
    %dma_wait3A_359 = arith.constant 0 : i32
    %dma_wait3A_360 = tpu.memref_slice %arg3[%dma_wait3A_359] : memref<2408448xf32, #tpu.memory_space<hbm>> -> memref<224xf32, #tpu.memory_space<hbm>>
    tpu.wait_dma2 semaphore(%arg11 : memref<!tpu.dma_semaphore, #tpu.memory_space<semaphore_mem>>) src(%dma_wait3A_360 : memref<224xf32, #tpu.memory_space<hbm>>) dst(%dma_wait3A_358 : memref<224xf32, #tpu.memory_space<vmem>>)
    %dma_wait3A_361 = arith.constant 448 : i32
    %dma_wait3A_362 = tpu.memref_slice %arg7[%dma_wait3A_361] : memref<3584xf32, #tpu.memory_space<vmem>> -> memref<224xf32, #tpu.memory_space<vmem>>
    %dma_wait3A_363 = arith.constant 0 : i32
    %dma_wait3A_364 = tpu.memref_slice %arg3[%dma_wait3A_363] : memref<2408448xf32, #tpu.memory_space<hbm>> -> memref<224xf32, #tpu.memory_space<hbm>>
    %dma_wait3A_365 = arith.constant 448 : i32
    %dma_wait3A_366 = tpu.memref_slice %arg7[%dma_wait3A_365] : memref<3584xf32, #tpu.memory_space<vmem>> -> memref<224xf32, #tpu.memory_space<vmem>>
    %dma_wait3A_367 = arith.constant 0 : i32
    %dma_wait3A_368 = tpu.memref_slice %arg3[%dma_wait3A_367] : memref<2408448xf32, #tpu.memory_space<hbm>> -> memref<224xf32, #tpu.memory_space<hbm>>
    tpu.wait_dma2 semaphore(%arg11 : memref<!tpu.dma_semaphore, #tpu.memory_space<semaphore_mem>>) src(%dma_wait3A_368 : memref<224xf32, #tpu.memory_space<hbm>>) dst(%dma_wait3A_366 : memref<224xf32, #tpu.memory_space<vmem>>)
    %dma_wait3A_369 = arith.constant 672 : i32
    %dma_wait3A_370 = tpu.memref_slice %arg7[%dma_wait3A_369] : memref<3584xf32, #tpu.memory_space<vmem>> -> memref<224xf32, #tpu.memory_space<vmem>>
    %dma_wait3A_371 = arith.constant 0 : i32
    %dma_wait3A_372 = tpu.memref_slice %arg3[%dma_wait3A_371] : memref<2408448xf32, #tpu.memory_space<hbm>> -> memref<224xf32, #tpu.memory_space<hbm>>
    %dma_wait3A_373 = arith.constant 672 : i32
    %dma_wait3A_374 = tpu.memref_slice %arg7[%dma_wait3A_373] : memref<3584xf32, #tpu.memory_space<vmem>> -> memref<224xf32, #tpu.memory_space<vmem>>
    %dma_wait3A_375 = arith.constant 0 : i32
    %dma_wait3A_376 = tpu.memref_slice %arg3[%dma_wait3A_375] : memref<2408448xf32, #tpu.memory_space<hbm>> -> memref<224xf32, #tpu.memory_space<hbm>>
    tpu.wait_dma2 semaphore(%arg11 : memref<!tpu.dma_semaphore, #tpu.memory_space<semaphore_mem>>) src(%dma_wait3A_376 : memref<224xf32, #tpu.memory_space<hbm>>) dst(%dma_wait3A_374 : memref<224xf32, #tpu.memory_space<vmem>>)
    %dma_wait3A_377 = arith.constant 896 : i32
    %dma_wait3A_378 = tpu.memref_slice %arg7[%dma_wait3A_377] : memref<3584xf32, #tpu.memory_space<vmem>> -> memref<224xf32, #tpu.memory_space<vmem>>
    %dma_wait3A_379 = arith.constant 0 : i32
    %dma_wait3A_380 = tpu.memref_slice %arg3[%dma_wait3A_379] : memref<2408448xf32, #tpu.memory_space<hbm>> -> memref<224xf32, #tpu.memory_space<hbm>>
    %dma_wait3A_381 = arith.constant 896 : i32
    %dma_wait3A_382 = tpu.memref_slice %arg7[%dma_wait3A_381] : memref<3584xf32, #tpu.memory_space<vmem>> -> memref<224xf32, #tpu.memory_space<vmem>>
    %dma_wait3A_383 = arith.constant 0 : i32
    %dma_wait3A_384 = tpu.memref_slice %arg3[%dma_wait3A_383] : memref<2408448xf32, #tpu.memory_space<hbm>> -> memref<224xf32, #tpu.memory_space<hbm>>
    tpu.wait_dma2 semaphore(%arg11 : memref<!tpu.dma_semaphore, #tpu.memory_space<semaphore_mem>>) src(%dma_wait3A_384 : memref<224xf32, #tpu.memory_space<hbm>>) dst(%dma_wait3A_382 : memref<224xf32, #tpu.memory_space<vmem>>)
    %dma_wait3A_385 = arith.constant 1120 : i32
    %dma_wait3A_386 = tpu.memref_slice %arg7[%dma_wait3A_385] : memref<3584xf32, #tpu.memory_space<vmem>> -> memref<224xf32, #tpu.memory_space<vmem>>
    %dma_wait3A_387 = arith.constant 0 : i32
    %dma_wait3A_388 = tpu.memref_slice %arg3[%dma_wait3A_387] : memref<2408448xf32, #tpu.memory_space<hbm>> -> memref<224xf32, #tpu.memory_space<hbm>>
    %dma_wait3A_389 = arith.constant 1120 : i32
    %dma_wait3A_390 = tpu.memref_slice %arg7[%dma_wait3A_389] : memref<3584xf32, #tpu.memory_space<vmem>> -> memref<224xf32, #tpu.memory_space<vmem>>
    %dma_wait3A_391 = arith.constant 0 : i32
    %dma_wait3A_392 = tpu.memref_slice %arg3[%dma_wait3A_391] : memref<2408448xf32, #tpu.memory_space<hbm>> -> memref<224xf32, #tpu.memory_space<hbm>>
    tpu.wait_dma2 semaphore(%arg11 : memref<!tpu.dma_semaphore, #tpu.memory_space<semaphore_mem>>) src(%dma_wait3A_392 : memref<224xf32, #tpu.memory_space<hbm>>) dst(%dma_wait3A_390 : memref<224xf32, #tpu.memory_space<vmem>>)
    %dma_wait3A_393 = arith.constant 1344 : i32
    %dma_wait3A_394 = tpu.memref_slice %arg7[%dma_wait3A_393] : memref<3584xf32, #tpu.memory_space<vmem>> -> memref<224xf32, #tpu.memory_space<vmem>>
    %dma_wait3A_395 = arith.constant 0 : i32
    %dma_wait3A_396 = tpu.memref_slice %arg3[%dma_wait3A_395] : memref<2408448xf32, #tpu.memory_space<hbm>> -> memref<224xf32, #tpu.memory_space<hbm>>
    %dma_wait3A_397 = arith.constant 1344 : i32
    %dma_wait3A_398 = tpu.memref_slice %arg7[%dma_wait3A_397] : memref<3584xf32, #tpu.memory_space<vmem>> -> memref<224xf32, #tpu.memory_space<vmem>>
    %dma_wait3A_399 = arith.constant 0 : i32
    %dma_wait3A_400 = tpu.memref_slice %arg3[%dma_wait3A_399] : memref<2408448xf32, #tpu.memory_space<hbm>> -> memref<224xf32, #tpu.memory_space<hbm>>
    tpu.wait_dma2 semaphore(%arg11 : memref<!tpu.dma_semaphore, #tpu.memory_space<semaphore_mem>>) src(%dma_wait3A_400 : memref<224xf32, #tpu.memory_space<hbm>>) dst(%dma_wait3A_398 : memref<224xf32, #tpu.memory_space<vmem>>)
    %dma_wait3A_401 = arith.constant 1568 : i32
    %dma_wait3A_402 = tpu.memref_slice %arg7[%dma_wait3A_401] : memref<3584xf32, #tpu.memory_space<vmem>> -> memref<224xf32, #tpu.memory_space<vmem>>
    %dma_wait3A_403 = arith.constant 0 : i32
    %dma_wait3A_404 = tpu.memref_slice %arg3[%dma_wait3A_403] : memref<2408448xf32, #tpu.memory_space<hbm>> -> memref<224xf32, #tpu.memory_space<hbm>>
    %dma_wait3A_405 = arith.constant 1568 : i32
    %dma_wait3A_406 = tpu.memref_slice %arg7[%dma_wait3A_405] : memref<3584xf32, #tpu.memory_space<vmem>> -> memref<224xf32, #tpu.memory_space<vmem>>
    %dma_wait3A_407 = arith.constant 0 : i32
    %dma_wait3A_408 = tpu.memref_slice %arg3[%dma_wait3A_407] : memref<2408448xf32, #tpu.memory_space<hbm>> -> memref<224xf32, #tpu.memory_space<hbm>>
    tpu.wait_dma2 semaphore(%arg11 : memref<!tpu.dma_semaphore, #tpu.memory_space<semaphore_mem>>) src(%dma_wait3A_408 : memref<224xf32, #tpu.memory_space<hbm>>) dst(%dma_wait3A_406 : memref<224xf32, #tpu.memory_space<vmem>>)
    %dma_wait3A_409 = arith.constant 1792 : i32
    %dma_wait3A_410 = tpu.memref_slice %arg7[%dma_wait3A_409] : memref<3584xf32, #tpu.memory_space<vmem>> -> memref<224xf32, #tpu.memory_space<vmem>>
    %dma_wait3A_411 = arith.constant 0 : i32
    %dma_wait3A_412 = tpu.memref_slice %arg3[%dma_wait3A_411] : memref<2408448xf32, #tpu.memory_space<hbm>> -> memref<224xf32, #tpu.memory_space<hbm>>
    %dma_wait3A_413 = arith.constant 1792 : i32
    %dma_wait3A_414 = tpu.memref_slice %arg7[%dma_wait3A_413] : memref<3584xf32, #tpu.memory_space<vmem>> -> memref<224xf32, #tpu.memory_space<vmem>>
    %dma_wait3A_415 = arith.constant 0 : i32
    %dma_wait3A_416 = tpu.memref_slice %arg3[%dma_wait3A_415] : memref<2408448xf32, #tpu.memory_space<hbm>> -> memref<224xf32, #tpu.memory_space<hbm>>
    tpu.wait_dma2 semaphore(%arg11 : memref<!tpu.dma_semaphore, #tpu.memory_space<semaphore_mem>>) src(%dma_wait3A_416 : memref<224xf32, #tpu.memory_space<hbm>>) dst(%dma_wait3A_414 : memref<224xf32, #tpu.memory_space<vmem>>)
    %dma_wait3A_417 = arith.constant 2016 : i32
    %dma_wait3A_418 = tpu.memref_slice %arg7[%dma_wait3A_417] : memref<3584xf32, #tpu.memory_space<vmem>> -> memref<224xf32, #tpu.memory_space<vmem>>
    %dma_wait3A_419 = arith.constant 0 : i32
    %dma_wait3A_420 = tpu.memref_slice %arg3[%dma_wait3A_419] : memref<2408448xf32, #tpu.memory_space<hbm>> -> memref<224xf32, #tpu.memory_space<hbm>>
    %dma_wait3A_421 = arith.constant 2016 : i32
    %dma_wait3A_422 = tpu.memref_slice %arg7[%dma_wait3A_421] : memref<3584xf32, #tpu.memory_space<vmem>> -> memref<224xf32, #tpu.memory_space<vmem>>
    %dma_wait3A_423 = arith.constant 0 : i32
    %dma_wait3A_424 = tpu.memref_slice %arg3[%dma_wait3A_423] : memref<2408448xf32, #tpu.memory_space<hbm>> -> memref<224xf32, #tpu.memory_space<hbm>>
    tpu.wait_dma2 semaphore(%arg11 : memref<!tpu.dma_semaphore, #tpu.memory_space<semaphore_mem>>) src(%dma_wait3A_424 : memref<224xf32, #tpu.memory_space<hbm>>) dst(%dma_wait3A_422 : memref<224xf32, #tpu.memory_space<vmem>>)
    %dma_wait3A_425 = arith.constant 2240 : i32
    %dma_wait3A_426 = tpu.memref_slice %arg7[%dma_wait3A_425] : memref<3584xf32, #tpu.memory_space<vmem>> -> memref<224xf32, #tpu.memory_space<vmem>>
    %dma_wait3A_427 = arith.constant 0 : i32
    %dma_wait3A_428 = tpu.memref_slice %arg3[%dma_wait3A_427] : memref<2408448xf32, #tpu.memory_space<hbm>> -> memref<224xf32, #tpu.memory_space<hbm>>
    %dma_wait3A_429 = arith.constant 2240 : i32
    %dma_wait3A_430 = tpu.memref_slice %arg7[%dma_wait3A_429] : memref<3584xf32, #tpu.memory_space<vmem>> -> memref<224xf32, #tpu.memory_space<vmem>>
    %dma_wait3A_431 = arith.constant 0 : i32
    %dma_wait3A_432 = tpu.memref_slice %arg3[%dma_wait3A_431] : memref<2408448xf32, #tpu.memory_space<hbm>> -> memref<224xf32, #tpu.memory_space<hbm>>
    tpu.wait_dma2 semaphore(%arg11 : memref<!tpu.dma_semaphore, #tpu.memory_space<semaphore_mem>>) src(%dma_wait3A_432 : memref<224xf32, #tpu.memory_space<hbm>>) dst(%dma_wait3A_430 : memref<224xf32, #tpu.memory_space<vmem>>)
    %dma_wait3A_433 = arith.constant 2464 : i32
    %dma_wait3A_434 = tpu.memref_slice %arg7[%dma_wait3A_433] : memref<3584xf32, #tpu.memory_space<vmem>> -> memref<224xf32, #tpu.memory_space<vmem>>
    %dma_wait3A_435 = arith.constant 0 : i32
    %dma_wait3A_436 = tpu.memref_slice %arg3[%dma_wait3A_435] : memref<2408448xf32, #tpu.memory_space<hbm>> -> memref<224xf32, #tpu.memory_space<hbm>>
    %dma_wait3A_437 = arith.constant 2464 : i32
    %dma_wait3A_438 = tpu.memref_slice %arg7[%dma_wait3A_437] : memref<3584xf32, #tpu.memory_space<vmem>> -> memref<224xf32, #tpu.memory_space<vmem>>
    %dma_wait3A_439 = arith.constant 0 : i32
    %dma_wait3A_440 = tpu.memref_slice %arg3[%dma_wait3A_439] : memref<2408448xf32, #tpu.memory_space<hbm>> -> memref<224xf32, #tpu.memory_space<hbm>>
    tpu.wait_dma2 semaphore(%arg11 : memref<!tpu.dma_semaphore, #tpu.memory_space<semaphore_mem>>) src(%dma_wait3A_440 : memref<224xf32, #tpu.memory_space<hbm>>) dst(%dma_wait3A_438 : memref<224xf32, #tpu.memory_space<vmem>>)
    %dma_wait3A_441 = arith.constant 2688 : i32
    %dma_wait3A_442 = tpu.memref_slice %arg7[%dma_wait3A_441] : memref<3584xf32, #tpu.memory_space<vmem>> -> memref<224xf32, #tpu.memory_space<vmem>>
    %dma_wait3A_443 = arith.constant 0 : i32
    %dma_wait3A_444 = tpu.memref_slice %arg3[%dma_wait3A_443] : memref<2408448xf32, #tpu.memory_space<hbm>> -> memref<224xf32, #tpu.memory_space<hbm>>
    %dma_wait3A_445 = arith.constant 2688 : i32
    %dma_wait3A_446 = tpu.memref_slice %arg7[%dma_wait3A_445] : memref<3584xf32, #tpu.memory_space<vmem>> -> memref<224xf32, #tpu.memory_space<vmem>>
    %dma_wait3A_447 = arith.constant 0 : i32
    %dma_wait3A_448 = tpu.memref_slice %arg3[%dma_wait3A_447] : memref<2408448xf32, #tpu.memory_space<hbm>> -> memref<224xf32, #tpu.memory_space<hbm>>
    tpu.wait_dma2 semaphore(%arg11 : memref<!tpu.dma_semaphore, #tpu.memory_space<semaphore_mem>>) src(%dma_wait3A_448 : memref<224xf32, #tpu.memory_space<hbm>>) dst(%dma_wait3A_446 : memref<224xf32, #tpu.memory_space<vmem>>)
    %dma_wait3A_449 = arith.constant 2912 : i32
    %dma_wait3A_450 = tpu.memref_slice %arg7[%dma_wait3A_449] : memref<3584xf32, #tpu.memory_space<vmem>> -> memref<224xf32, #tpu.memory_space<vmem>>
    %dma_wait3A_451 = arith.constant 0 : i32
    %dma_wait3A_452 = tpu.memref_slice %arg3[%dma_wait3A_451] : memref<2408448xf32, #tpu.memory_space<hbm>> -> memref<224xf32, #tpu.memory_space<hbm>>
    %dma_wait3A_453 = arith.constant 2912 : i32
    %dma_wait3A_454 = tpu.memref_slice %arg7[%dma_wait3A_453] : memref<3584xf32, #tpu.memory_space<vmem>> -> memref<224xf32, #tpu.memory_space<vmem>>
    %dma_wait3A_455 = arith.constant 0 : i32
    %dma_wait3A_456 = tpu.memref_slice %arg3[%dma_wait3A_455] : memref<2408448xf32, #tpu.memory_space<hbm>> -> memref<224xf32, #tpu.memory_space<hbm>>
    tpu.wait_dma2 semaphore(%arg11 : memref<!tpu.dma_semaphore, #tpu.memory_space<semaphore_mem>>) src(%dma_wait3A_456 : memref<224xf32, #tpu.memory_space<hbm>>) dst(%dma_wait3A_454 : memref<224xf32, #tpu.memory_space<vmem>>)
    %dma_wait3A_457 = arith.constant 3136 : i32
    %dma_wait3A_458 = tpu.memref_slice %arg7[%dma_wait3A_457] : memref<3584xf32, #tpu.memory_space<vmem>> -> memref<224xf32, #tpu.memory_space<vmem>>
    %dma_wait3A_459 = arith.constant 0 : i32
    %dma_wait3A_460 = tpu.memref_slice %arg3[%dma_wait3A_459] : memref<2408448xf32, #tpu.memory_space<hbm>> -> memref<224xf32, #tpu.memory_space<hbm>>
    %dma_wait3A_461 = arith.constant 3136 : i32
    %dma_wait3A_462 = tpu.memref_slice %arg7[%dma_wait3A_461] : memref<3584xf32, #tpu.memory_space<vmem>> -> memref<224xf32, #tpu.memory_space<vmem>>
    %dma_wait3A_463 = arith.constant 0 : i32
    %dma_wait3A_464 = tpu.memref_slice %arg3[%dma_wait3A_463] : memref<2408448xf32, #tpu.memory_space<hbm>> -> memref<224xf32, #tpu.memory_space<hbm>>
    tpu.wait_dma2 semaphore(%arg11 : memref<!tpu.dma_semaphore, #tpu.memory_space<semaphore_mem>>) src(%dma_wait3A_464 : memref<224xf32, #tpu.memory_space<hbm>>) dst(%dma_wait3A_462 : memref<224xf32, #tpu.memory_space<vmem>>)
    %dma_wait3A_465 = arith.constant 3360 : i32
    %dma_wait3A_466 = tpu.memref_slice %arg7[%dma_wait3A_465] : memref<3584xf32, #tpu.memory_space<vmem>> -> memref<224xf32, #tpu.memory_space<vmem>>
    %dma_wait3A_467 = arith.constant 0 : i32
    %dma_wait3A_468 = tpu.memref_slice %arg3[%dma_wait3A_467] : memref<2408448xf32, #tpu.memory_space<hbm>> -> memref<224xf32, #tpu.memory_space<hbm>>
    %dma_wait3A_469 = arith.constant 3360 : i32
    %dma_wait3A_470 = tpu.memref_slice %arg7[%dma_wait3A_469] : memref<3584xf32, #tpu.memory_space<vmem>> -> memref<224xf32, #tpu.memory_space<vmem>>
    %dma_wait3A_471 = arith.constant 0 : i32
    %dma_wait3A_472 = tpu.memref_slice %arg3[%dma_wait3A_471] : memref<2408448xf32, #tpu.memory_space<hbm>> -> memref<224xf32, #tpu.memory_space<hbm>>
    tpu.wait_dma2 semaphore(%arg11 : memref<!tpu.dma_semaphore, #tpu.memory_space<semaphore_mem>>) src(%dma_wait3A_472 : memref<224xf32, #tpu.memory_space<hbm>>) dst(%dma_wait3A_470 : memref<224xf32, #tpu.memory_space<vmem>>)
    %dma_wait3A_473 = arith.constant 0 : i32
    %dma_wait3A_474 = tpu.memref_slice %arg6[%dma_wait3A_473] : memref<3584xf32, #tpu.memory_space<vmem>> -> memref<224xf32, #tpu.memory_space<vmem>>
    %dma_wait3A_475 = arith.constant 0 : i32
    %dma_wait3A_476 = tpu.memref_slice %arg3[%dma_wait3A_475] : memref<2408448xf32, #tpu.memory_space<hbm>> -> memref<224xf32, #tpu.memory_space<hbm>>
    %dma_wait3A_477 = arith.constant 0 : i32
    %dma_wait3A_478 = tpu.memref_slice %arg6[%dma_wait3A_477] : memref<3584xf32, #tpu.memory_space<vmem>> -> memref<224xf32, #tpu.memory_space<vmem>>
    %dma_wait3A_479 = arith.constant 0 : i32
    %dma_wait3A_480 = tpu.memref_slice %arg3[%dma_wait3A_479] : memref<2408448xf32, #tpu.memory_space<hbm>> -> memref<224xf32, #tpu.memory_space<hbm>>
    tpu.wait_dma2 semaphore(%arg10 : memref<!tpu.dma_semaphore, #tpu.memory_space<semaphore_mem>>) src(%dma_wait3A_480 : memref<224xf32, #tpu.memory_space<hbm>>) dst(%dma_wait3A_478 : memref<224xf32, #tpu.memory_space<vmem>>)
    %dma_wait3A_481 = arith.constant 224 : i32
    %dma_wait3A_482 = tpu.memref_slice %arg6[%dma_wait3A_481] : memref<3584xf32, #tpu.memory_space<vmem>> -> memref<224xf32, #tpu.memory_space<vmem>>
    %dma_wait3A_483 = arith.constant 0 : i32
    %dma_wait3A_484 = tpu.memref_slice %arg3[%dma_wait3A_483] : memref<2408448xf32, #tpu.memory_space<hbm>> -> memref<224xf32, #tpu.memory_space<hbm>>
    %dma_wait3A_485 = arith.constant 224 : i32
    %dma_wait3A_486 = tpu.memref_slice %arg6[%dma_wait3A_485] : memref<3584xf32, #tpu.memory_space<vmem>> -> memref<224xf32, #tpu.memory_space<vmem>>
    %dma_wait3A_487 = arith.constant 0 : i32
    %dma_wait3A_488 = tpu.memref_slice %arg3[%dma_wait3A_487] : memref<2408448xf32, #tpu.memory_space<hbm>> -> memref<224xf32, #tpu.memory_space<hbm>>
    tpu.wait_dma2 semaphore(%arg10 : memref<!tpu.dma_semaphore, #tpu.memory_space<semaphore_mem>>) src(%dma_wait3A_488 : memref<224xf32, #tpu.memory_space<hbm>>) dst(%dma_wait3A_486 : memref<224xf32, #tpu.memory_space<vmem>>)
    %dma_wait3A_489 = arith.constant 448 : i32
    %dma_wait3A_490 = tpu.memref_slice %arg6[%dma_wait3A_489] : memref<3584xf32, #tpu.memory_space<vmem>> -> memref<224xf32, #tpu.memory_space<vmem>>
    %dma_wait3A_491 = arith.constant 0 : i32
    %dma_wait3A_492 = tpu.memref_slice %arg3[%dma_wait3A_491] : memref<2408448xf32, #tpu.memory_space<hbm>> -> memref<224xf32, #tpu.memory_space<hbm>>
    %dma_wait3A_493 = arith.constant 448 : i32
    %dma_wait3A_494 = tpu.memref_slice %arg6[%dma_wait3A_493] : memref<3584xf32, #tpu.memory_space<vmem>> -> memref<224xf32, #tpu.memory_space<vmem>>
    %dma_wait3A_495 = arith.constant 0 : i32
    %dma_wait3A_496 = tpu.memref_slice %arg3[%dma_wait3A_495] : memref<2408448xf32, #tpu.memory_space<hbm>> -> memref<224xf32, #tpu.memory_space<hbm>>
    tpu.wait_dma2 semaphore(%arg10 : memref<!tpu.dma_semaphore, #tpu.memory_space<semaphore_mem>>) src(%dma_wait3A_496 : memref<224xf32, #tpu.memory_space<hbm>>) dst(%dma_wait3A_494 : memref<224xf32, #tpu.memory_space<vmem>>)
    %dma_wait3A_497 = arith.constant 672 : i32
    %dma_wait3A_498 = tpu.memref_slice %arg6[%dma_wait3A_497] : memref<3584xf32, #tpu.memory_space<vmem>> -> memref<224xf32, #tpu.memory_space<vmem>>
    %dma_wait3A_499 = arith.constant 0 : i32
    %dma_wait3A_500 = tpu.memref_slice %arg3[%dma_wait3A_499] : memref<2408448xf32, #tpu.memory_space<hbm>> -> memref<224xf32, #tpu.memory_space<hbm>>
    %dma_wait3A_501 = arith.constant 672 : i32
    %dma_wait3A_502 = tpu.memref_slice %arg6[%dma_wait3A_501] : memref<3584xf32, #tpu.memory_space<vmem>> -> memref<224xf32, #tpu.memory_space<vmem>>
    %dma_wait3A_503 = arith.constant 0 : i32
    %dma_wait3A_504 = tpu.memref_slice %arg3[%dma_wait3A_503] : memref<2408448xf32, #tpu.memory_space<hbm>> -> memref<224xf32, #tpu.memory_space<hbm>>
    tpu.wait_dma2 semaphore(%arg10 : memref<!tpu.dma_semaphore, #tpu.memory_space<semaphore_mem>>) src(%dma_wait3A_504 : memref<224xf32, #tpu.memory_space<hbm>>) dst(%dma_wait3A_502 : memref<224xf32, #tpu.memory_space<vmem>>)
    %dma_wait3A_505 = arith.constant 896 : i32
    %dma_wait3A_506 = tpu.memref_slice %arg6[%dma_wait3A_505] : memref<3584xf32, #tpu.memory_space<vmem>> -> memref<224xf32, #tpu.memory_space<vmem>>
    %dma_wait3A_507 = arith.constant 0 : i32
    %dma_wait3A_508 = tpu.memref_slice %arg3[%dma_wait3A_507] : memref<2408448xf32, #tpu.memory_space<hbm>> -> memref<224xf32, #tpu.memory_space<hbm>>
    %dma_wait3A_509 = arith.constant 896 : i32
    %dma_wait3A_510 = tpu.memref_slice %arg6[%dma_wait3A_509] : memref<3584xf32, #tpu.memory_space<vmem>> -> memref<224xf32, #tpu.memory_space<vmem>>
    %dma_wait3A_511 = arith.constant 0 : i32
    %dma_wait3A_512 = tpu.memref_slice %arg3[%dma_wait3A_511] : memref<2408448xf32, #tpu.memory_space<hbm>> -> memref<224xf32, #tpu.memory_space<hbm>>
    tpu.wait_dma2 semaphore(%arg10 : memref<!tpu.dma_semaphore, #tpu.memory_space<semaphore_mem>>) src(%dma_wait3A_512 : memref<224xf32, #tpu.memory_space<hbm>>) dst(%dma_wait3A_510 : memref<224xf32, #tpu.memory_space<vmem>>)
    %dma_wait3A_513 = arith.constant 1120 : i32
    %dma_wait3A_514 = tpu.memref_slice %arg6[%dma_wait3A_513] : memref<3584xf32, #tpu.memory_space<vmem>> -> memref<224xf32, #tpu.memory_space<vmem>>
    %dma_wait3A_515 = arith.constant 0 : i32
    %dma_wait3A_516 = tpu.memref_slice %arg3[%dma_wait3A_515] : memref<2408448xf32, #tpu.memory_space<hbm>> -> memref<224xf32, #tpu.memory_space<hbm>>
    %dma_wait3A_517 = arith.constant 1120 : i32
    %dma_wait3A_518 = tpu.memref_slice %arg6[%dma_wait3A_517] : memref<3584xf32, #tpu.memory_space<vmem>> -> memref<224xf32, #tpu.memory_space<vmem>>
    %dma_wait3A_519 = arith.constant 0 : i32
    %dma_wait3A_520 = tpu.memref_slice %arg3[%dma_wait3A_519] : memref<2408448xf32, #tpu.memory_space<hbm>> -> memref<224xf32, #tpu.memory_space<hbm>>
    tpu.wait_dma2 semaphore(%arg10 : memref<!tpu.dma_semaphore, #tpu.memory_space<semaphore_mem>>) src(%dma_wait3A_520 : memref<224xf32, #tpu.memory_space<hbm>>) dst(%dma_wait3A_518 : memref<224xf32, #tpu.memory_space<vmem>>)
    %dma_wait3A_521 = arith.constant 1344 : i32
    %dma_wait3A_522 = tpu.memref_slice %arg6[%dma_wait3A_521] : memref<3584xf32, #tpu.memory_space<vmem>> -> memref<224xf32, #tpu.memory_space<vmem>>
    %dma_wait3A_523 = arith.constant 0 : i32
    %dma_wait3A_524 = tpu.memref_slice %arg3[%dma_wait3A_523] : memref<2408448xf32, #tpu.memory_space<hbm>> -> memref<224xf32, #tpu.memory_space<hbm>>
    %dma_wait3A_525 = arith.constant 1344 : i32
    %dma_wait3A_526 = tpu.memref_slice %arg6[%dma_wait3A_525] : memref<3584xf32, #tpu.memory_space<vmem>> -> memref<224xf32, #tpu.memory_space<vmem>>
    %dma_wait3A_527 = arith.constant 0 : i32
    %dma_wait3A_528 = tpu.memref_slice %arg3[%dma_wait3A_527] : memref<2408448xf32, #tpu.memory_space<hbm>> -> memref<224xf32, #tpu.memory_space<hbm>>
    tpu.wait_dma2 semaphore(%arg10 : memref<!tpu.dma_semaphore, #tpu.memory_space<semaphore_mem>>) src(%dma_wait3A_528 : memref<224xf32, #tpu.memory_space<hbm>>) dst(%dma_wait3A_526 : memref<224xf32, #tpu.memory_space<vmem>>)
    %dma_wait3A_529 = arith.constant 1568 : i32
    %dma_wait3A_530 = tpu.memref_slice %arg6[%dma_wait3A_529] : memref<3584xf32, #tpu.memory_space<vmem>> -> memref<224xf32, #tpu.memory_space<vmem>>
    %dma_wait3A_531 = arith.constant 0 : i32
    %dma_wait3A_532 = tpu.memref_slice %arg3[%dma_wait3A_531] : memref<2408448xf32, #tpu.memory_space<hbm>> -> memref<224xf32, #tpu.memory_space<hbm>>
    %dma_wait3A_533 = arith.constant 1568 : i32
    %dma_wait3A_534 = tpu.memref_slice %arg6[%dma_wait3A_533] : memref<3584xf32, #tpu.memory_space<vmem>> -> memref<224xf32, #tpu.memory_space<vmem>>
    %dma_wait3A_535 = arith.constant 0 : i32
    %dma_wait3A_536 = tpu.memref_slice %arg3[%dma_wait3A_535] : memref<2408448xf32, #tpu.memory_space<hbm>> -> memref<224xf32, #tpu.memory_space<hbm>>
    tpu.wait_dma2 semaphore(%arg10 : memref<!tpu.dma_semaphore, #tpu.memory_space<semaphore_mem>>) src(%dma_wait3A_536 : memref<224xf32, #tpu.memory_space<hbm>>) dst(%dma_wait3A_534 : memref<224xf32, #tpu.memory_space<vmem>>)
    %dma_wait3A_537 = arith.constant 1792 : i32
    %dma_wait3A_538 = tpu.memref_slice %arg6[%dma_wait3A_537] : memref<3584xf32, #tpu.memory_space<vmem>> -> memref<224xf32, #tpu.memory_space<vmem>>
    %dma_wait3A_539 = arith.constant 0 : i32
    %dma_wait3A_540 = tpu.memref_slice %arg3[%dma_wait3A_539] : memref<2408448xf32, #tpu.memory_space<hbm>> -> memref<224xf32, #tpu.memory_space<hbm>>
    %dma_wait3A_541 = arith.constant 1792 : i32
    %dma_wait3A_542 = tpu.memref_slice %arg6[%dma_wait3A_541] : memref<3584xf32, #tpu.memory_space<vmem>> -> memref<224xf32, #tpu.memory_space<vmem>>
    %dma_wait3A_543 = arith.constant 0 : i32
    %dma_wait3A_544 = tpu.memref_slice %arg3[%dma_wait3A_543] : memref<2408448xf32, #tpu.memory_space<hbm>> -> memref<224xf32, #tpu.memory_space<hbm>>
    tpu.wait_dma2 semaphore(%arg10 : memref<!tpu.dma_semaphore, #tpu.memory_space<semaphore_mem>>) src(%dma_wait3A_544 : memref<224xf32, #tpu.memory_space<hbm>>) dst(%dma_wait3A_542 : memref<224xf32, #tpu.memory_space<vmem>>)
    %dma_wait3A_545 = arith.constant 2016 : i32
    %dma_wait3A_546 = tpu.memref_slice %arg6[%dma_wait3A_545] : memref<3584xf32, #tpu.memory_space<vmem>> -> memref<224xf32, #tpu.memory_space<vmem>>
    %dma_wait3A_547 = arith.constant 0 : i32
    %dma_wait3A_548 = tpu.memref_slice %arg3[%dma_wait3A_547] : memref<2408448xf32, #tpu.memory_space<hbm>> -> memref<224xf32, #tpu.memory_space<hbm>>
    %dma_wait3A_549 = arith.constant 2016 : i32
    %dma_wait3A_550 = tpu.memref_slice %arg6[%dma_wait3A_549] : memref<3584xf32, #tpu.memory_space<vmem>> -> memref<224xf32, #tpu.memory_space<vmem>>
    %dma_wait3A_551 = arith.constant 0 : i32
    %dma_wait3A_552 = tpu.memref_slice %arg3[%dma_wait3A_551] : memref<2408448xf32, #tpu.memory_space<hbm>> -> memref<224xf32, #tpu.memory_space<hbm>>
    tpu.wait_dma2 semaphore(%arg10 : memref<!tpu.dma_semaphore, #tpu.memory_space<semaphore_mem>>) src(%dma_wait3A_552 : memref<224xf32, #tpu.memory_space<hbm>>) dst(%dma_wait3A_550 : memref<224xf32, #tpu.memory_space<vmem>>)
    %dma_wait3A_553 = arith.constant 2240 : i32
    %dma_wait3A_554 = tpu.memref_slice %arg6[%dma_wait3A_553] : memref<3584xf32, #tpu.memory_space<vmem>> -> memref<224xf32, #tpu.memory_space<vmem>>
    %dma_wait3A_555 = arith.constant 0 : i32
    %dma_wait3A_556 = tpu.memref_slice %arg3[%dma_wait3A_555] : memref<2408448xf32, #tpu.memory_space<hbm>> -> memref<224xf32, #tpu.memory_space<hbm>>
    %dma_wait3A_557 = arith.constant 2240 : i32
    %dma_wait3A_558 = tpu.memref_slice %arg6[%dma_wait3A_557] : memref<3584xf32, #tpu.memory_space<vmem>> -> memref<224xf32, #tpu.memory_space<vmem>>
    %dma_wait3A_559 = arith.constant 0 : i32
    %dma_wait3A_560 = tpu.memref_slice %arg3[%dma_wait3A_559] : memref<2408448xf32, #tpu.memory_space<hbm>> -> memref<224xf32, #tpu.memory_space<hbm>>
    tpu.wait_dma2 semaphore(%arg10 : memref<!tpu.dma_semaphore, #tpu.memory_space<semaphore_mem>>) src(%dma_wait3A_560 : memref<224xf32, #tpu.memory_space<hbm>>) dst(%dma_wait3A_558 : memref<224xf32, #tpu.memory_space<vmem>>)
    %dma_wait3A_561 = arith.constant 2464 : i32
    %dma_wait3A_562 = tpu.memref_slice %arg6[%dma_wait3A_561] : memref<3584xf32, #tpu.memory_space<vmem>> -> memref<224xf32, #tpu.memory_space<vmem>>
    %dma_wait3A_563 = arith.constant 0 : i32
    %dma_wait3A_564 = tpu.memref_slice %arg3[%dma_wait3A_563] : memref<2408448xf32, #tpu.memory_space<hbm>> -> memref<224xf32, #tpu.memory_space<hbm>>
    %dma_wait3A_565 = arith.constant 2464 : i32
    %dma_wait3A_566 = tpu.memref_slice %arg6[%dma_wait3A_565] : memref<3584xf32, #tpu.memory_space<vmem>> -> memref<224xf32, #tpu.memory_space<vmem>>
    %dma_wait3A_567 = arith.constant 0 : i32
    %dma_wait3A_568 = tpu.memref_slice %arg3[%dma_wait3A_567] : memref<2408448xf32, #tpu.memory_space<hbm>> -> memref<224xf32, #tpu.memory_space<hbm>>
    tpu.wait_dma2 semaphore(%arg10 : memref<!tpu.dma_semaphore, #tpu.memory_space<semaphore_mem>>) src(%dma_wait3A_568 : memref<224xf32, #tpu.memory_space<hbm>>) dst(%dma_wait3A_566 : memref<224xf32, #tpu.memory_space<vmem>>)
    %dma_wait3A_569 = arith.constant 2688 : i32
    %dma_wait3A_570 = tpu.memref_slice %arg6[%dma_wait3A_569] : memref<3584xf32, #tpu.memory_space<vmem>> -> memref<224xf32, #tpu.memory_space<vmem>>
    %dma_wait3A_571 = arith.constant 0 : i32
    %dma_wait3A_572 = tpu.memref_slice %arg3[%dma_wait3A_571] : memref<2408448xf32, #tpu.memory_space<hbm>> -> memref<224xf32, #tpu.memory_space<hbm>>
    %dma_wait3A_573 = arith.constant 2688 : i32
    %dma_wait3A_574 = tpu.memref_slice %arg6[%dma_wait3A_573] : memref<3584xf32, #tpu.memory_space<vmem>> -> memref<224xf32, #tpu.memory_space<vmem>>
    %dma_wait3A_575 = arith.constant 0 : i32
    %dma_wait3A_576 = tpu.memref_slice %arg3[%dma_wait3A_575] : memref<2408448xf32, #tpu.memory_space<hbm>> -> memref<224xf32, #tpu.memory_space<hbm>>
    tpu.wait_dma2 semaphore(%arg10 : memref<!tpu.dma_semaphore, #tpu.memory_space<semaphore_mem>>) src(%dma_wait3A_576 : memref<224xf32, #tpu.memory_space<hbm>>) dst(%dma_wait3A_574 : memref<224xf32, #tpu.memory_space<vmem>>)
    %dma_wait3A_577 = arith.constant 2912 : i32
    %dma_wait3A_578 = tpu.memref_slice %arg6[%dma_wait3A_577] : memref<3584xf32, #tpu.memory_space<vmem>> -> memref<224xf32, #tpu.memory_space<vmem>>
    %dma_wait3A_579 = arith.constant 0 : i32
    %dma_wait3A_580 = tpu.memref_slice %arg3[%dma_wait3A_579] : memref<2408448xf32, #tpu.memory_space<hbm>> -> memref<224xf32, #tpu.memory_space<hbm>>
    %dma_wait3A_581 = arith.constant 2912 : i32
    %dma_wait3A_582 = tpu.memref_slice %arg6[%dma_wait3A_581] : memref<3584xf32, #tpu.memory_space<vmem>> -> memref<224xf32, #tpu.memory_space<vmem>>
    %dma_wait3A_583 = arith.constant 0 : i32
    %dma_wait3A_584 = tpu.memref_slice %arg3[%dma_wait3A_583] : memref<2408448xf32, #tpu.memory_space<hbm>> -> memref<224xf32, #tpu.memory_space<hbm>>
    tpu.wait_dma2 semaphore(%arg10 : memref<!tpu.dma_semaphore, #tpu.memory_space<semaphore_mem>>) src(%dma_wait3A_584 : memref<224xf32, #tpu.memory_space<hbm>>) dst(%dma_wait3A_582 : memref<224xf32, #tpu.memory_space<vmem>>)
    %dma_wait3A_585 = arith.constant 3136 : i32
    %dma_wait3A_586 = tpu.memref_slice %arg6[%dma_wait3A_585] : memref<3584xf32, #tpu.memory_space<vmem>> -> memref<224xf32, #tpu.memory_space<vmem>>
    %dma_wait3A_587 = arith.constant 0 : i32
    %dma_wait3A_588 = tpu.memref_slice %arg3[%dma_wait3A_587] : memref<2408448xf32, #tpu.memory_space<hbm>> -> memref<224xf32, #tpu.memory_space<hbm>>
    %dma_wait3A_589 = arith.constant 3136 : i32
    %dma_wait3A_590 = tpu.memref_slice %arg6[%dma_wait3A_589] : memref<3584xf32, #tpu.memory_space<vmem>> -> memref<224xf32, #tpu.memory_space<vmem>>
    %dma_wait3A_591 = arith.constant 0 : i32
    %dma_wait3A_592 = tpu.memref_slice %arg3[%dma_wait3A_591] : memref<2408448xf32, #tpu.memory_space<hbm>> -> memref<224xf32, #tpu.memory_space<hbm>>
    tpu.wait_dma2 semaphore(%arg10 : memref<!tpu.dma_semaphore, #tpu.memory_space<semaphore_mem>>) src(%dma_wait3A_592 : memref<224xf32, #tpu.memory_space<hbm>>) dst(%dma_wait3A_590 : memref<224xf32, #tpu.memory_space<vmem>>)
    %dma_wait3A_593 = arith.constant 3360 : i32
    %dma_wait3A_594 = tpu.memref_slice %arg6[%dma_wait3A_593] : memref<3584xf32, #tpu.memory_space<vmem>> -> memref<224xf32, #tpu.memory_space<vmem>>
    %dma_wait3A_595 = arith.constant 0 : i32
    %dma_wait3A_596 = tpu.memref_slice %arg3[%dma_wait3A_595] : memref<2408448xf32, #tpu.memory_space<hbm>> -> memref<224xf32, #tpu.memory_space<hbm>>
    %dma_wait3A_597 = arith.constant 3360 : i32
    %dma_wait3A_598 = tpu.memref_slice %arg6[%dma_wait3A_597] : memref<3584xf32, #tpu.memory_space<vmem>> -> memref<224xf32, #tpu.memory_space<vmem>>
    %dma_wait3A_599 = arith.constant 0 : i32
    %dma_wait3A_600 = tpu.memref_slice %arg3[%dma_wait3A_599] : memref<2408448xf32, #tpu.memory_space<hbm>> -> memref<224xf32, #tpu.memory_space<hbm>>
    tpu.wait_dma2 semaphore(%arg10 : memref<!tpu.dma_semaphore, #tpu.memory_space<semaphore_mem>>) src(%dma_wait3A_600 : memref<224xf32, #tpu.memory_space<hbm>>) dst(%dma_wait3A_598 : memref<224xf32, #tpu.memory_space<vmem>>)
    return
  }
}

</mosaic_0001>

<sc_bundles>
// kernel: kernel.3.cloned.1.call-start
scs
__scs_entry_jumppad:
0x0: {  	(pc) =	sbr.rel $0x88, $3  }
0x1: {  	(tag) =	ssettag $0x0;
	lr =	simm.s32 $0x1  }
0x2: {  	[smem:$0x3FA0] =	sst lr;
	_ =	strace $0xD0000000  }
0x3: {  	_ = 	snop  }
0x4: {  	_ = 	snop  }
0x5: {  	_ = 	snop  }
0x6: {  	_ = 	snop  }
0x7: {  	_ = 	snop  }
__scs_overlays_trampoline_lowered:
0x8: {  	[smem:$0x3FAF] =	sst s0  }
0x9: {  	[smem:$0x3FB0] =	sst s1  }
0xa: {  	[smem:$0x3FB1] =	sst s2  }
0xb: {  	[smem:$0x3FB2] =	sst s3  }
0xc: {  	[smem:$0x3FB3] =	sst s4  }
0xd: {  	[smem:$0x3FB4] =	sst s5  }
0xe: {  	[smem:$0x3FB5] =	sst s6  }
0xf: {  	[smem:$0x3FB6] =	sst s7  }
0x10: {  	[smem:$0x3FB7] =	sst s8  }
0x11: {  	[smem:$0x3FB8] =	sst s9;
	s0 =	simm.s32 @!p0 $0x0  }
0x12: {  	s1 =	sld [smem:$0x3F9E];
	s0 =	simm.s32 @p0 $0x1  }
0x13: {  	[smem:$0x3FB9] =	sst s0;
	s0 =	simm.s32 @!p1 $0x0  }
0x14: {  	s2 =	sld [smem:$0x3F9D];
	s0 =	simm.s32 @p1 $0x1  }
0x15: {  	[smem:$0x3FBA] =	sst s0;
	s0 =	simm.s32 @!p2 $0x0  }
0x16: {  	s3 =	sld [smem:$0x3FDB];
	s0 =	simm.s32 @p2 $0x1  }
0x17: {  	s4 =	simm.s32 $0x1BF5;
	[smem:$0x3FBC] =	sst s0  }
0x18: {  	s0 =	sld [smem:$0x3F9F];
	_ =	swait.ge [sflag:s4], $0x0  }
0x19: {  	s7 =	sld [smem:$0x3FA0]  }
0x1a: {  	s8 =	sadd.s32 $0xFFFFE003, lr  }
0x1b: {  	s9 =	sadd.s32 $0xFFFFFEF7, lr;
	s5 =	simm.s32 $0xFFFFFFFF;
	p2 =	slt.u32 s8, $0xFFFFF086  }
0x1c: {  	p1 =	slt.u32 s9, $0xF7A;
	s5 =	simm.s32 @!p2 $0x0  }
0x1d: {  	s5 =	simm.s32 @p1 $0x1;
	p0 =	seq.s32 s7, s2  }
0x1e: {  	s7 =	smul.u32 @!p0 $0xF7A, s2;
	p2 =	seq.s32 @!p0 s5, $0x0  }
0x1f: {  	s9 =	smul.u32 $0xF7A, s1;
	s8 =	simm.s32 @!p0 $0x1BF5;
	p2 =	por !p2, p0  }
0x20: {  	[sflag:s8] =	ssyncset.s32 @!p0 $0xFFFFF086;
	s6 =	sadd.s32 @!p0 s3, s7;
	s7 =	simm.s32 @!p0 $0x108  }
0x21: {  	s3 =	sadd.s32 s3, s9;
	s6 =	sadd.s32 @!p0 $0x88, s6;
	s7 =	simm.s32 @p2 $0x1082  }
0x22: {  	[simem:s7], [sflag:s8] =	dma.local @!p0 [hbm:s6], $0xF7A  }
0x23: {  	s9 =	sor.u32 $0xD0000000, s2;
	s6 =	simm.s32 $0x108;
	_ =	swait.ge @!p0 [sflag:s8], $0x0  }
0x24: {  	s3 =	sadd.s32 $0x88, s3;
	s6 =	simm.s32 @!p1 $0x1082;
	[sflag:s4] =	ssyncset.s32 $0xFFFFF086  }
0x25: {  	[simem:s6], [sflag:s4] =	dma.local [hbm:s3], $0xF7A  }
0x26: {  	[smem:$0x3FA0] =	sst s1;
	(tag) =	ssettag s2;
	_ =	strace s9  }
0x27: {  	s1 =	sld [smem:$0x3FB0]  }
0x28: {  	s2 =	sld [smem:$0x3FB1]  }
0x29: {  	s4 =	sld [smem:$0x3FB3]  }
0x2a: {  	p0 =	seq.s32 s5, $0x0;
	s5 =	sld [smem:$0x3FB4]  }
0x2b: {  	s6 =	sld [smem:$0x3FB5]  }
0x2c: {  	s7 =	sld [smem:$0x3FB6]  }
0x2d: {  	s3 =	simm.s32 $0x108;
	s8 =	sld [smem:$0x3FB7]  }
0x2e: {  	s3 =	simm.s32 @!p0 $0x1082;
	s9 =	sld [smem:$0x3FB8]  }
0x2f: {  	lr =	sadd.s32 s0, s3;
	s0 =	sld [smem:$0x3FAF]  }
0x30: {  	s3 =	sld [smem:$0x3FB2]  }
0x31: {  	[smem:$0x3FBB] =	sst s10  }
0x32: {  	s10 =	sld [smem:$0x3FB9];
	_ =	sdelay $0x3  }
0x33: {  	p0 =	seq.s32 s10, $0x1;
	s10 =	sld [smem:$0x3FBB];
	_ =	sdelay $0x3  }
0x34: {  	[smem:$0x3FBB] =	sst s10  }
0x35: {  	s10 =	sld [smem:$0x3FBA];
	_ =	sdelay $0x3  }
0x36: {  	p1 =	seq.s32 s10, $0x1;
	s10 =	sld [smem:$0x3FBB];
	_ =	sdelay $0x3  }
0x37: {  	[smem:$0x3FBB] =	sst s10  }
0x38: {  	s10 =	sld [smem:$0x3FBC]  }
0x39: {  	_ = 	snop;
	(pc) =	sbr.ind lr, $3  }
0x3a: {  	_ = 	snop  }
0x3b: {  	_ = 	snop  }
0x3c: {  	p2 =	seq.s32 s10, $0x1;
	s10 =	sld [smem:$0x3FBB]  }
0x3d: {  	_ =	shalt  }
0x3e: {  	_ =	shalt  }
0x3f: {  	_ =	shalt  }
0x40: {  	_ =	shalt  }
0x41: {  	_ =	shalt  }
0x42: {  	_ =	shalt  }
0x43: {  	_ =	shalt  }
0x44: {  	_ =	shalt  }
0x45: {  	_ =	shalt  }
0x46: {  	_ =	shalt  }
0x47: {  	_ =	shalt  }
0x48: {  	_ =	shalt  }
0x49: {  	_ =	shalt  }
0x4a: {  	_ =	shalt  }
0x4b: {  	_ =	shalt  }
0x4c: {  	_ =	shalt  }
0x4d: {  	_ =	shalt  }
0x4e: {  	_ =	shalt  }
0x4f: {  	_ =	shalt  }
0x50: {  	_ =	shalt  }
0x51: {  	_ =	shalt  }
0x52: {  	_ =	shalt  }
0x53: {  	_ =	shalt  }
0x54: {  	_ =	shalt  }
0x55: {  	_ =	shalt  }
0x56: {  	_ =	shalt  }
0x57: {  	_ =	shalt  }
0x58: {  	_ =	shalt  }
0x59: {  	_ =	shalt  }
0x5a: {  	_ =	shalt  }
0x5b: {  	_ =	shalt  }
0x5c: {  	_ =	shalt  }
0x5d: {  	_ =	shalt  }
0x5e: {  	_ =	shalt  }
0x5f: {  	_ =	shalt  }
0x60: {  	_ =	shalt  }
0x61: {  	_ =	shalt  }
0x62: {  	_ =	shalt  }
0x63: {  	_ =	shalt  }
0x64: {  	_ =	shalt  }
0x65: {  	_ =	shalt  }
0x66: {  	_ =	shalt  }
0x67: {  	_ =	shalt  }
0x68: {  	_ =	shalt  }
0x69: {  	_ =	shalt  }
0x6a: {  	_ =	shalt  }
0x6b: {  	_ =	shalt  }
0x6c: {  	_ =	shalt  }
0x6d: {  	_ =	shalt  }
0x6e: {  	_ =	shalt  }
0x6f: {  	_ =	shalt  }
0x70: {  	_ =	shalt  }
0x71: {  	_ =	shalt  }
0x72: {  	_ =	shalt  }
0x73: {  	_ =	shalt  }
0x74: {  	_ =	shalt  }
0x75: {  	_ =	shalt  }
0x76: {  	_ =	shalt  }
0x77: {  	_ =	shalt  }
0x78: {  	_ =	shalt  }
0x79: {  	_ =	shalt  }
0x7a: {  	_ =	shalt  }
0x7b: {  	_ =	shalt  }
0x7c: {  	_ =	shalt  }
0x7d: {  	_ =	shalt  }
0x7e: {  	_ =	shalt  }
0x7f: {  	_ =	shalt  }
0x80: {  	_ =	shalt  }
0x81: {  	_ =	shalt  }
0x82: {  	_ =	shalt  }
0x83: {  	_ =	shalt  }
0x84: {  	_ =	shalt  }
0x85: {  	_ =	shalt  }
0x86: {  	_ =	shalt  }
0x87: {  	_ =	shalt  }
.Lfunc_end0:
.L_simem_size_0:
called_computation_lowered:
.L_overlay_start_0:
0x88: {  	s2 =	sld [smem:$0x3FD9]  }
0x89: {  	s3 =	sld [smem:$0x3FFE];
	_ =	sdelay $0x1  }
0x8a: {  	s1 =	srdreg.scid  }
0x8b: {  	s0 =	sand.u32 $0x1, s1  }
0x8c: {  	s17 =	sshll.u32 s0, $0xA;
	s2 =	sadd.s32 s3, s2  }
0x8d: {  	s2 =	sadd.s32 s2, s17  }
0x8e: {  	[smem:$0x3FC7] =	sst s2  }
0x8f: {  	_ = 	snop  }
0x90: {  	s2 =	sld [smem:$0x3FC9];
	(tm) =	ssettm $0x1  }
0x91: {  	s18 =	sld [smem:$0x3FFB];
	_ =	sdelay $0x3  }
0x92: {  	_ =	strace s18  }
0x93: {  	s3 =	sld [smem:$0x3FFC];
	_ =	sdelay $0x3  }
0x94: {  	_ =	strace s3  }
0x95: {  	s3 =	sld [smem:$0x3FFD];
	_ =	sdelay $0x3  }
0x96: {  	_ =	strace s3  }
0x97: {  	_ =	strace $0x8FFFFFFF  }
0x98: {  	s19 =	sld [smem:$0x3FDB];
	_ =	sdelay $0x1  }
0x99: {  	s4 =	simm.s32 $_scs_section_size  }
0x9a: {  	s5 =	simm.s32 $_size__tile_overlayer_lowered;
	s6 =	simm.s32 $_tile_overlayer_lowered  }
0x9b: {  	s22 =	simm.s32 $0x1BFF;
	s21 =	sshll.u32 s6, $0x1;
	s3 =	sadd.s32 s4, s19  }
0x9c: {  	s7 =	simm.s32 $0x0;
	s20 =	sshll.u32 s5, $0x1;
	s5 =	sadd.s32 s21, s3  }
0x9d: {  	[timem:s7], [sflag:s22] =	dma.local [hbm:s5], s20  }
0x9e: {  	_ =	swait.ge [sflag:s22], s20  }
0x9f: {  	s4 =	ssub.s32 $0x0, s20;
	[sflag:s22] =	ssyncset.done $0x0  }
0xa0: {  	[sflag:s22] =	ssyncadd.s32 s4;
	_ =	sdelay $0x1  }
0xa1: {  	s23 =	simm.s32 $0x1B8B  }
0xa2: {  	_ =	swait.ge [sflag:s23], $0x1  }
0xa3: {  	[sflag:s23] =	ssyncset.done $0x0  }
0xa4: {  	s25 =	simm.s32 $0x1B8E;
	s24 =	sld [smem:$0x3FFE];
	[sflag:s23] =	ssyncadd.s32 $0xFFFFFFFF  }
0xa5: {  	s26 =	simm.s32 $execute0_lowered;
	[smem:$0x3FD2] =	sst s25  }
0xa6: {  	s5 =	sshll.u32 s26, $0x1;
	_ =	strace $0x80000046;
	[dreg:$0x1] =	wrdreg $0xFFFFFFFF  }
0xa7: {  	s28 =	simm.s32 $_size_execute0_lowered;
	s3 =	sadd.s32 s3, s5;
	[dreg:$0x0] =	wrdreg $0x0  }
0xa8: {  	s5 =	sshll.u32 s28, $0x1;
	[dreg:$0x2] =	wrdreg s3  }
0xa9: {  	[dreg:$0x3] =	wrdreg s5  }
0xaa: {  	[dreg:$0x4] =	wrdreg $0xC0  }
0xab: {  	_ =	task [dreg:s7], $0x5FFFF  }
0xac: {  	[dreg:$0x1] =	wrdreg $0xFFFFFFFF  }
0xad: {  	[dreg:$0x0] =	wrdreg $0x60  }
0xae: {  	[dreg:$0x2] =	wrdreg s2  }
0xaf: {  	[dreg:$0x3] =	wrdreg s24  }
0xb0: {  	[dreg:$0x4] =	wrdreg $0x9  }
0xb1: {  	_ =	task.clear_ibuf [dreg:s7], $0x5FFFF;
	_ =	strace $0x90000046  }
0xb2: {  	s29 =	simm.s32 $0x9;
	_ =	strace $0x80000048  }
0xb3: {  	_ =	swait.ge [sflag:s29], $0x1  }
0xb4: {  	[sflag:s29] =	ssyncadd.s32 $0xFFFFFFFF  }
0xb5: {  	_ =	strace $0x90000048  }
0xb6: {  	_ =	sfence  }
0xb7: {  	s30 =	sld [smem:$0x0];
	_ =	sdelay $0x2  }
0xb8: {  	s31 =	sshll.u32 s1, $0xD;
	s1 =	sshrl.u32 s1, $0x2  }
0xb9: {  	s3 =	sand.u32 $0x4000, s31;
	s1 =	sadd.s32 s1, s30  }
0xba: {  	s0 =	sor.u32 s3, s0;
	s1 =	sshll.u32 s1, $0x11  }
0xbb: {  	s0 =	sor.u32 s1, s0  }
0xbc: {  	s0 =	sadd.s32 $0x8F2B, s0  }
0xbd: {  	[sflag:s0] =	ssyncadd.remote.s32 $0x1  }
0xbe: {  	_ =	sfence.sel $0xFFFF  }
0xbf: {  	[dreg:$0x0] =	wrdreg $0xFFFFFFFF;
	(pc) =	sbr.abs _section_cstart, $3  }
0xc0: {  	[dreg:$0x1] =	wrdreg $0xFFFFFFFF  }
0xc1: {  	_ =	task.clear_ibuf [dreg:s7], $0x2FFFF;
	_ =	strace $0x9FFFFFFF  }
0xc2: {  	(tm) =	ssettm $0x7FFFFFFF  }
0xc3: {  	_ =	shalt  }
tec
execute0_lowered:
.L_overlay_start_1:
0x0: {  	(tag) =	ssettag $0x1  }
0x1: {  	s0 =	srdreg.scid;
	s1 =	stileid.u32  }
0x2: {  	s0 =	sand.u32 $0x1, s0;
	s1 =	sshll.u32 s1, $0x1  }
0x3: {  	s2 =	sor.u32 s0, s1  }
0x4: {  	s1 =	smul.u32 $0x15, s2  }
0x5: {  	s2 =	smul.u32 $0x600F, s2  }
0x6: {  	s5 =	sadd.s32 $0x14, s1  }
0x7: {  	s3 =	rddreg [dreg:$0x0];
	s2 =	sshrl.u32 s2, $0x12;
	s4 =	smul.u32 $0x925, s5  }
0x8: {  	s8 =	rddreg [dreg:$0x1];
	s28 =	simm.s32 $0xFB20;
	s6 =	smul.u32 $0xFFFFFF20, s2  }
0x9: {  	s0 =	ssub.s32 $0x2, s0;
	s2 =	smul.u32 $0x620000, s2;
	s7 =	sshrl.u32 s4, $0x13  }
0xa: {  	s23 =	sshrl.u32 s0, $0x1;
	s19 =	sadd.s32 s1, s6;
	s20 =	smul.u32 $0xFFFFFF20, s7  }
0xb: {  	s29 =	simm.s32 $0x4;
	s0 =	ssub.s32 s0, s23;
	s9 =	smul.u32 $0x7000, s19  }
0xc: {  	s4 =	simm.s32 $0x0;
	s21 =	smul.u32 $0xC4000, s7;
	s5 =	sadd.s32 s5, s20  }
0xd: {  	[smem:$0x7FF] =	sst s4;
	s2 =	sadd.s32 s2, s9;
	s22 =	smul.u32 $0xE0, s5  }
0xe: {  	s0 =	smax.u32 s0, $0x1;
	_ =	strace $0x80000047;
	s2 =	sshrl.u32 s2, $0x3  }
0xf: {  	[dreg:$0x14] =	wrdreg s0;
	s2 =	sadd.s32 s3, s2;
	s6 =	sadd.s32 s21, s22  }
0x10: {  	s5 =	sadd.s32 $0x400, s8;
	[dreg:$0x3] =	wrdreg s2;
	s24 =	sshrl.u32 s6, $0x3  }
0x11: {  	s26 =	sadd.s32 $0xC400, s6;
	s30 =	sadd.s32 $0x18800, s6;
	s31 =	sadd.s32 $0x24C00, s6  }
0x12: {  	s10 =	sadd.s32 $0x31000, s6;
	s11 =	sadd.s32 $0x3D400, s6;
	s12 =	sadd.s32 $0x49800, s6  }
0x13: {  	s15 =	sadd.s32 $0x55C00, s6;
	s16 =	sadd.s32 $0x62000, s6;
	s17 =	sadd.s32 $0x6E400, s6  }
0x14: {  	s20 =	sadd.s32 $0x7A800, s6;
	s21 =	sadd.s32 $0x86C00, s6;
	s22 =	sadd.s32 $0x93000, s6  }
0x15: {  	s25 =	sadd.s32 s5, s24;
	s2 =	sshrl.u32 s26, $0x3;
	s7 =	sshrl.u32 s30, $0x3  }
0x16: {  	s8 =	sshrl.u32 s31, $0x3;
	s26 =	sadd.s32 $0xAB800, s6;
	[dreg:$0x4] =	wrdreg s25  }
0x17: {  	s2 =	sadd.s32 s5, s2;
	s7 =	sadd.s32 s5, s7;
	s9 =	sadd.s32 s5, s8  }
0x18: {  	s8 =	sshrl.u32 s12, $0x3;
	s25 =	sadd.s32 $0x9F400, s6;
	[dreg:$0x5] =	wrdreg s2  }
0x19: {  	s6 =	sadd.s32 $0xB7C00, s6;
	s12 =	simm.s32 $0xEB60;
	[dreg:$0x6] =	wrdreg s7  }
0x1a: {  	[dreg:$0x7] =	wrdreg s9;
	s2 =	sshrl.u32 s10, $0x3;
	s7 =	sshrl.u32 s11, $0x3  }
0x1b: {  	s14 =	sadd.s32 s5, s8;
	s8 =	sshrl.u32 s17, $0x3;
	s6 =	sshrl.u32 s6, $0x3  }
0x1c: {  	s9 =	simm.s32 $0xE8C0;
	s10 =	simm.s32 $0xE9A0;
	s11 =	simm.s32 $0xEA80  }
0x1d: {  	s17 =	simm.s32 $0x3;
	s2 =	sadd.s32 s5, s2;
	s13 =	sadd.s32 s5, s7  }
0x1e: {  	[dreg:$0xa] =	wrdreg s14;
	s7 =	sshrl.u32 s16, $0x3;
	s19 =	sadd.s32 s5, s8  }
0x1f: {  	s8 =	sshrl.u32 s22, $0x3;
	s31 =	sadd.s32 s5, s6;
	s14 =	simm.s32 $0xED20  }
0x20: {  	s16 =	simm.s32 $0xEE00;
	s22 =	simm.s32 $0xF960;
	[dreg:$0x8] =	wrdreg s2  }
0x21: {  	v0 =	vlaneseq.u32;
	[dreg:$0x9] =	wrdreg s13;
	s2 =	sshrl.u32 s15, $0x3;
	s18 =	sadd.s32 s5, s7  }
0x22: {  	v26 =	vmul.u32 $0x80, v0;
	[dreg:$0xd] =	wrdreg s19;
	s7 =	sshrl.u32 s21, $0x3;
	s24 =	sadd.s32 s5, s8  }
0x23: {  	v3 =	vor.u32 $0x10, v0;
	v5 =	vor.u32 $0x20, v0;
	v7 =	vor.u32 $0x30, v0;
	[dreg:$0x13] =	wrdreg s31;
	s8 =	simm.s32 $0xE7E0;
	s13 =	simm.s32 $0xEC40  }
0x24: {  	v9 =	vor.u32 $0x40, v0;
	v11 =	vor.u32 $0x50, v0;
	v13 =	vor.u32 $0x60, v0;
	s15 =	simm.s32 $0x2;
	s21 =	simm.s32 $0xF880;
	[dreg:$0xc] =	wrdreg s18  }
0x25: {  	v15 =	vor.u32 $0x70, v0;
	v17 =	vor.u32 $0x80, v0;
	v19 =	vor.u32 $0x90, v0;
	s2 =	sadd.s32 s5, s2;
	s23 =	sadd.s32 s5, s7;
	[dreg:$0x10] =	wrdreg s24  }
0x26: {  	v21 =	vor.u32 $0xA0, v0;
	v23 =	vor.u32 $0xB0, v0;
	v25 =	vor.u32 $0xC0, v0;
	s7 =	sshrl.u32 s26, $0x3;
	s24 =	simm.s32 $0x1;
	[dreg:$0xb] =	wrdreg s2  }
0x27: {  	v27 =	vor.u32 $0xD0, v0;
	v1 =	vor.u32 $0x21, v26;
	v2 =	vor.u32 $0x821, v26;
	s26 =	simm.s32 $0xE000;
	s2 =	sshrl.u32 s20, $0x3;
	[dreg:$0xf] =	wrdreg s23  }
0x28: {  	v4 =	vor.u32 $0x1021, v26;
	v6 =	vor.u32 $0x1821, v26;
	v8 =	vor.u32 $0x2021, v26;
	s30 =	sadd.s32 s5, s7;
	s7 =	simm.s32 $0xE700;
	s2 =	sadd.s32 s5, s2  }
0x29: {  	v10 =	vor.u32 $0x2821, v26;
	v12 =	vor.u32 $0x3021, v26;
	v14 =	vor.u32 $0x3821, v26;
	s20 =	simm.s32 $0xF7A0;
	[dreg:$0xe] =	wrdreg s2;
	s2 =	sshrl.u32 s25, $0x3  }
0x2a: {  	v16 =	vor.u32 $0x4021, v26;
	v18 =	vor.u32 $0x4821, v26;
	v20 =	vor.u32 $0x5021, v26;
	s23 =	simm.s32 $0xFA40;
	[dreg:$0x12] =	wrdreg s30;
	s2 =	sadd.s32 s5, s2  }
0x2b: {  	v22 =	vor.u32 $0x5821, v26;
	v24 =	vor.u32 $0x6021, v26;
	v26 =	vor.u32 $0x6821, v26;
	s25 =	simm.s32 $0x7000;
	[dreg:$0x11] =	wrdreg s2;
	s2 =	simm.s32 $0x0  }
.LBB2_1:
0x2c: {  	[dreg:$0x15] =	wrdreg s2  }
0x2d: {  	s0 =	rddreg [dreg:$0x3];
	s18 =	simm.s32 $0x0  }
0x2e: {  	[tilespmem:s4], [sflag:$0x1] =	stream.linear.gather [hbm4b:s0+s4], $0x7000, $0x38;
	[tilespmem:$0xFC00] =	vst v63  }
.LBB2_2:
0x2f: {  	s0 =	sshll.u32 s18, $0x1  }
0x30: {  	s2 =	sadd.s32 s1, s0  }
0x31: {  	s0 =	sadd.s32 $0x1, s2  }
0x32: {  	s30 =	smulhi.u32 $0x92492493, s0;
	_ =	sdelay $0x1  }
0x33: {  	s30 =	sshrl.u32 s30, $0x7  }
0x34: {  	s31 =	smul.u32 $0xFFFFFF20, s30;
	_ =	sdelay $0x1  }
0x35: {  	s6 =	smul.u32 $0x620000, s30;
	s31 =	sadd.s32 s0, s31  }
0x36: {  	s19 =	smul.u32 $0x7000, s31;
	_ =	sdelay $0x1  }
0x37: {  	_ =	swait.ge [sflag:s24], $0x7000;
	s0 =	sadd.s32 s6, s19  }
0x38: {  	[sflag:s24] =	ssyncset.done $0x0;
	s0 =	sshrl.u32 s0, $0x3  }
0x39: {  	p0 =	seq.s32 s18, $0x0;
	[sflag:s24] =	ssyncadd.s32 $0xFFFF9000;
	s0 =	sadd.s32 s3, s0  }
0x3a: {  	[tilespmem:s25], [sflag:$0x2] =	stream.linear.gather [hbm4b:s0+s4], $0x7000, $0x38;
	[tilespmem:$0xFC00] =	vst v63  }
0x3b: {  	s0 =	simm.s32 @!p0 $0x3  }
0x3c: {  	_ =	swait.ge @!p0 [sflag:s0], $0xE0  }
0x3d: {  	[sflag:s0] =	ssyncset.done @!p0 $0x0  }
0x3e: {  	[sflag:s0] =	ssyncadd.s32 @!p0 $0xFFFFFF20  }
0x3f: {  	_ =	swait.ge @!p0 [sflag:s0], $0xE0  }
0x40: {  	[sflag:s0] =	ssyncset.done @!p0 $0x0  }
0x41: {  	[sflag:s0] =	ssyncadd.s32 @!p0 $0xFFFFFF20  }
0x42: {  	_ =	swait.ge @!p0 [sflag:s0], $0xE0  }
0x43: {  	[sflag:s0] =	ssyncset.done @!p0 $0x0  }
0x44: {  	[sflag:s0] =	ssyncadd.s32 @!p0 $0xFFFFFF20  }
0x45: {  	_ =	swait.ge @!p0 [sflag:s0], $0xE0  }
0x46: {  	[sflag:s0] =	ssyncset.done @!p0 $0x0  }
0x47: {  	[sflag:s0] =	ssyncadd.s32 @!p0 $0xFFFFFF20  }
0x48: {  	_ =	swait.ge @!p0 [sflag:s0], $0xE0  }
0x49: {  	[sflag:s0] =	ssyncset.done @!p0 $0x0  }
0x4a: {  	[sflag:s0] =	ssyncadd.s32 @!p0 $0xFFFFFF20  }
0x4b: {  	_ =	swait.ge @!p0 [sflag:s0], $0xE0  }
0x4c: {  	[sflag:s0] =	ssyncset.done @!p0 $0x0  }
0x4d: {  	[sflag:s0] =	ssyncadd.s32 @!p0 $0xFFFFFF20  }
0x4e: {  	_ =	swait.ge @!p0 [sflag:s0], $0xE0  }
0x4f: {  	[sflag:s0] =	ssyncset.done @!p0 $0x0  }
0x50: {  	[sflag:s0] =	ssyncadd.s32 @!p0 $0xFFFFFF20  }
0x51: {  	_ =	swait.ge @!p0 [sflag:s0], $0xE0  }
0x52: {  	[sflag:s0] =	ssyncset.done @!p0 $0x0  }
0x53: {  	[sflag:s0] =	ssyncadd.s32 @!p0 $0xFFFFFF20  }
0x54: {  	_ =	swait.ge @!p0 [sflag:s0], $0xE0  }
0x55: {  	[sflag:s0] =	ssyncset.done @!p0 $0x0  }
0x56: {  	[sflag:s0] =	ssyncadd.s32 @!p0 $0xFFFFFF20  }
0x57: {  	_ =	swait.ge @!p0 [sflag:s0], $0xE0  }
0x58: {  	[sflag:s0] =	ssyncset.done @!p0 $0x0  }
0x59: {  	[sflag:s0] =	ssyncadd.s32 @!p0 $0xFFFFFF20  }
0x5a: {  	_ =	swait.ge @!p0 [sflag:s0], $0xE0  }
0x5b: {  	[sflag:s0] =	ssyncset.done @!p0 $0x0  }
0x5c: {  	[sflag:s0] =	ssyncadd.s32 @!p0 $0xFFFFFF20  }
0x5d: {  	_ =	swait.ge @!p0 [sflag:s0], $0xE0  }
0x5e: {  	[sflag:s0] =	ssyncset.done @!p0 $0x0  }
0x5f: {  	[sflag:s0] =	ssyncadd.s32 @!p0 $0xFFFFFF20  }
0x60: {  	_ =	swait.ge @!p0 [sflag:s0], $0xE0  }
0x61: {  	[sflag:s0] =	ssyncset.done @!p0 $0x0  }
0x62: {  	[sflag:s0] =	ssyncadd.s32 @!p0 $0xFFFFFF20  }
0x63: {  	s6 =	simm.s32 $0x0;
	_ =	swait.ge @!p0 [sflag:s0], $0xE0  }
0x64: {  	v28 =	vadd.s32 s6, v0;
	[sflag:s0] =	ssyncset.done @!p0 $0x0  }
0x65: {  	v28 =	vand.u32 $0xF, v28;
	[sflag:s0] =	ssyncadd.s32 @!p0 $0xFFFFFF20  }
0x66: {  	v29 =	vshll.u32 v28, $0x2;
	_ =	swait.ge @!p0 [sflag:s0], $0xE0  }
0x67: {  	v30 =	vadd.s32 v1, v29;
	[sflag:s0] =	ssyncset.done @!p0 $0x0  }
0x68: {  	[sflag:s0] =	ssyncadd.s32 @!p0 $0xFFFFFF20  }
0x69: {  	_ =	swait.ge @!p0 [sflag:s0], $0xE0  }
0x6a: {  	v28 =	vmul.u32 $0xE0, v28;
	[sflag:s0] =	ssyncset.done @!p0 $0x0  }
0x6b: {  	[sflag:s0] =	ssyncadd.s32 @!p0 $0xFFFFFF20  }
0x6c: {  	v31 =	vor.u32 v0, v28;
	v30 =	vld.idx.msk [tilespmem:v30+s4+$0x0], $0xffff  }
0x6d: {  	v32 =	vadd.s32 v2, v29;
	_ =	sdelay $0x3  }
0x6e: {  	[tilespmem:v31+s26+$0x0] =	vst.idx.msk $0xffff, v30  }
0x6f: {  	v31 =	vor.u32 v3, v28;
	v30 =	vld.idx.msk [tilespmem:v32+s4+$0x0], $0xffff  }
0x70: {  	v52 =	vadd.s32 v4, v29;
	_ =	sdelay $0x3  }
0x71: {  	[tilespmem:v31+s26+$0x0] =	vst.idx.msk $0xffff, v30  }
0x72: {  	v31 =	vadd.s32 v5, v28;
	v30 =	vld.idx.msk [tilespmem:v52+s4+$0x0], $0xffff  }
0x73: {  	v53 =	vadd.s32 v6, v29;
	_ =	sdelay $0x3  }
0x74: {  	[tilespmem:v31+s26+$0x0] =	vst.idx.msk $0xffff, v30  }
0x75: {  	v31 =	vadd.s32 v7, v28;
	v30 =	vld.idx.msk [tilespmem:v53+s4+$0x0], $0xffff  }
0x76: {  	v54 =	vadd.s32 v8, v29;
	_ =	sdelay $0x3  }
0x77: {  	[tilespmem:v31+s26+$0x0] =	vst.idx.msk $0xffff, v30  }
0x78: {  	v31 =	vadd.s32 v9, v28;
	v30 =	vld.idx.msk [tilespmem:v54+s4+$0x0], $0xffff  }
0x79: {  	v55 =	vadd.s32 v10, v29;
	_ =	sdelay $0x3  }
0x7a: {  	[tilespmem:v31+s26+$0x0] =	vst.idx.msk $0xffff, v30  }
0x7b: {  	v31 =	vadd.s32 v11, v28;
	v30 =	vld.idx.msk [tilespmem:v55+s4+$0x0], $0xffff  }
0x7c: {  	v56 =	vadd.s32 v12, v29;
	_ =	sdelay $0x3  }
0x7d: {  	[tilespmem:v31+s26+$0x0] =	vst.idx.msk $0xffff, v30  }
0x7e: {  	v31 =	vadd.s32 v13, v28;
	v30 =	vld.idx.msk [tilespmem:v56+s4+$0x0], $0xffff  }
0x7f: {  	v57 =	vadd.s32 v14, v29;
	_ =	sdelay $0x3  }
0x80: {  	[tilespmem:v31+s26+$0x0] =	vst.idx.msk $0xffff, v30  }
0x81: {  	v31 =	vadd.s32 v15, v28;
	v30 =	vld.idx.msk [tilespmem:v57+s4+$0x0], $0xffff  }
0x82: {  	v58 =	vadd.s32 v16, v29;
	_ =	sdelay $0x3  }
0x83: {  	[tilespmem:v31+s26+$0x0] =	vst.idx.msk $0xffff, v30  }
0x84: {  	v31 =	vadd.s32 v17, v28;
	v30 =	vld.idx.msk [tilespmem:v58+s4+$0x0], $0xffff  }
0x85: {  	v59 =	vadd.s32 v18, v29;
	_ =	sdelay $0x3  }
0x86: {  	[tilespmem:v31+s26+$0x0] =	vst.idx.msk $0xffff, v30  }
0x87: {  	v31 =	vadd.s32 v19, v28;
	v30 =	vld.idx.msk [tilespmem:v59+s4+$0x0], $0xffff  }
0x88: {  	v60 =	vadd.s32 v20, v29;
	_ =	sdelay $0x3  }
0x89: {  	[tilespmem:v31+s26+$0x0] =	vst.idx.msk $0xffff, v30  }
0x8a: {  	v31 =	vadd.s32 v21, v28;
	v30 =	vld.idx.msk [tilespmem:v60+s4+$0x0], $0xffff  }
0x8b: {  	v61 =	vadd.s32 v22, v29;
	_ =	sdelay $0x3  }
0x8c: {  	[tilespmem:v31+s26+$0x0] =	vst.idx.msk $0xffff, v30  }
0x8d: {  	v31 =	vadd.s32 v23, v28;
	v30 =	vld.idx.msk [tilespmem:v61+s4+$0x0], $0xffff  }
0x8e: {  	v62 =	vadd.s32 v24, v29;
	_ =	sdelay $0x3  }
0x8f: {  	[tilespmem:v31+s26+$0x0] =	vst.idx.msk $0xffff, v30  }
0x90: {  	v63 =	vadd.s32 v25, v28;
	v31 =	vld.idx.msk [tilespmem:v62+s4+$0x0], $0xffff  }
0x91: {  	v29 =	vadd.s32 v26, v29;
	_ =	sdelay $0x2  }
0x92: {  	s19 =	simm.s32 $0x1  }
0x93: {  	s0 =	simm.s32 $0x2;
	v30 =	vadd.s32 s19, v0;
	[tilespmem:v63+s26+$0x0] =	vst.idx.msk $0xffff, v31  }
.LBB2_3:
0x94: {  	p1 =	sne.s32 s0, $0xF;
	v30 =	vand.u32 $0xF, v30;
	v31 =	vld.idx.msk [tilespmem:v29+s4+$0x0], $0xffff  }
0x95: {  	v32 =	vadd.s32 v27, v28;
	v29 =	vshll.u32 v30, $0x2  }
0x96: {  	v33 =	vadd.s32 v1, v29;
	_ =	sdelay $0x3  }
0x97: {  	v28 =	vmul.u32 $0xE0, v30;
	[tilespmem:v32+s26+$0x0] =	vst.idx.msk $0xffff, v31  }
0x98: {  	v30 =	vld.idx.msk [tilespmem:v33+s4+$0x0], $0xffff  }
0x99: {  	v31 =	vor.u32 v0, v28  }
0x9a: {  	v32 =	vadd.s32 v2, v29;
	_ =	sdelay $0x3  }
0x9b: {  	[tilespmem:v31+s26+$0x0] =	vst.idx.msk $0xffff, v30  }
0x9c: {  	v30 =	vld.idx.msk [tilespmem:v32+s4+$0x0], $0xffff  }
0x9d: {  	v31 =	vor.u32 v3, v28  }
0x9e: {  	v32 =	vadd.s32 v4, v29;
	_ =	sdelay $0x3  }
0x9f: {  	[tilespmem:v31+s26+$0x0] =	vst.idx.msk $0xffff, v30  }
0xa0: {  	v30 =	vld.idx.msk [tilespmem:v32+s4+$0x0], $0xffff  }
0xa1: {  	v31 =	vadd.s32 v5, v28  }
0xa2: {  	v32 =	vadd.s32 v6, v29;
	_ =	sdelay $0x3  }
0xa3: {  	[tilespmem:v31+s26+$0x0] =	vst.idx.msk $0xffff, v30  }
0xa4: {  	v30 =	vld.idx.msk [tilespmem:v32+s4+$0x0], $0xffff  }
0xa5: {  	v31 =	vadd.s32 v7, v28  }
0xa6: {  	v32 =	vadd.s32 v8, v29;
	_ =	sdelay $0x3  }
0xa7: {  	[tilespmem:v31+s26+$0x0] =	vst.idx.msk $0xffff, v30  }
0xa8: {  	v30 =	vld.idx.msk [tilespmem:v32+s4+$0x0], $0xffff  }
0xa9: {  	v31 =	vadd.s32 v9, v28  }
0xaa: {  	v32 =	vadd.s32 v10, v29;
	_ =	sdelay $0x3  }
0xab: {  	[tilespmem:v31+s26+$0x0] =	vst.idx.msk $0xffff, v30  }
0xac: {  	v30 =	vld.idx.msk [tilespmem:v32+s4+$0x0], $0xffff  }
0xad: {  	v31 =	vadd.s32 v11, v28  }
0xae: {  	v32 =	vadd.s32 v12, v29;
	_ =	sdelay $0x3  }
0xaf: {  	[tilespmem:v31+s26+$0x0] =	vst.idx.msk $0xffff, v30  }
0xb0: {  	v30 =	vld.idx.msk [tilespmem:v32+s4+$0x0], $0xffff  }
0xb1: {  	v31 =	vadd.s32 v13, v28  }
0xb2: {  	v32 =	vadd.s32 v14, v29;
	_ =	sdelay $0x3  }
0xb3: {  	[tilespmem:v31+s26+$0x0] =	vst.idx.msk $0xffff, v30  }
0xb4: {  	v30 =	vld.idx.msk [tilespmem:v32+s4+$0x0], $0xffff  }
0xb5: {  	v31 =	vadd.s32 v15, v28  }
0xb6: {  	v32 =	vadd.s32 v16, v29;
	_ =	sdelay $0x3  }
0xb7: {  	[tilespmem:v31+s26+$0x0] =	vst.idx.msk $0xffff, v30  }
0xb8: {  	v30 =	vld.idx.msk [tilespmem:v32+s4+$0x0], $0xffff  }
0xb9: {  	v31 =	vadd.s32 v17, v28  }
0xba: {  	v32 =	vadd.s32 v18, v29;
	_ =	sdelay $0x3  }
0xbb: {  	[tilespmem:v31+s26+$0x0] =	vst.idx.msk $0xffff, v30  }
0xbc: {  	v30 =	vld.idx.msk [tilespmem:v32+s4+$0x0], $0xffff  }
0xbd: {  	v31 =	vadd.s32 v19, v28  }
0xbe: {  	v32 =	vadd.s32 v20, v29;
	_ =	sdelay $0x3  }
0xbf: {  	[tilespmem:v31+s26+$0x0] =	vst.idx.msk $0xffff, v30  }
0xc0: {  	v30 =	vld.idx.msk [tilespmem:v32+s4+$0x0], $0xffff  }
0xc1: {  	v31 =	vadd.s32 v21, v28  }
0xc2: {  	v32 =	vadd.s32 v22, v29;
	_ =	sdelay $0x3  }
0xc3: {  	[tilespmem:v31+s26+$0x0] =	vst.idx.msk $0xffff, v30  }
0xc4: {  	v30 =	vld.idx.msk [tilespmem:v32+s4+$0x0], $0xffff  }
0xc5: {  	v31 =	vadd.s32 v23, v28  }
0xc6: {  	v32 =	vadd.s32 v24, v29;
	_ =	sdelay $0x3  }
0xc7: {  	[tilespmem:v31+s26+$0x0] =	vst.idx.msk $0xffff, v30  }
0xc8: {  	v31 =	vld.idx.msk [tilespmem:v32+s4+$0x0], $0xffff  }
0xc9: {  	v32 =	vadd.s32 v25, v28  }
.Ltmp0:
0xca: {  	v29 =	vadd.s32 v26, v29;
	(pc) =	sbr.rel @p1 .LBB2_3-.Ltmp0, $2  }
0xcb: {  	_ =	sdelay $0x2  }
0xcc: {  	v30 =	vadd.s32 s0, v0;
	s0 =	sadd.s32 $0x1, s0;
	[tilespmem:v32+s26+$0x0] =	vst.idx.msk $0xffff, v31  }
0xcd: {  	_ =	sdelay $0x2  }
0xce: {  	v30 =	vand.u32 $0xF, v30  }
0xcf: {  	v29 =	vld.idx.msk [tilespmem:v29+s4+$0x0], $0xffff;
	v28 =	vadd.s32 v27, v28;
	v31 =	vshll.u32 v30, $0x2  }
0xd0: {  	v32 =	vadd.s32 v1, v31;
	_ =	sdelay $0x2  }
0xd1: {  	v30 =	vmul.u32 $0xE0, v30  }
0xd2: {  	[tilespmem:v28+s26+$0x0] =	vst.idx.msk $0xffff, v29  }
0xd3: {  	v29 =	vor.u32 v0, v30;
	v28 =	vld.idx.msk [tilespmem:v32+s4+$0x0], $0xffff  }
0xd4: {  	v39 =	vadd.s32 v2, v31;
	_ =	sdelay $0x3  }
0xd5: {  	[tilespmem:v29+s26+$0x0] =	vst.idx.msk $0xffff, v28  }
0xd6: {  	v29 =	vor.u32 v3, v30;
	v28 =	vld.idx.msk [tilespmem:v39+s4+$0x0], $0xffff  }
0xd7: {  	v40 =	vadd.s32 v4, v31;
	_ =	sdelay $0x3  }
0xd8: {  	[tilespmem:v29+s26+$0x0] =	vst.idx.msk $0xffff, v28  }
0xd9: {  	v29 =	vadd.s32 v5, v30;
	v28 =	vld.idx.msk [tilespmem:v40+s4+$0x0], $0xffff  }
0xda: {  	v41 =	vadd.s32 v6, v31;
	_ =	sdelay $0x3  }
0xdb: {  	[tilespmem:v29+s26+$0x0] =	vst.idx.msk $0xffff, v28  }
0xdc: {  	v29 =	vadd.s32 v7, v30;
	v28 =	vld.idx.msk [tilespmem:v41+s4+$0x0], $0xffff  }
0xdd: {  	v42 =	vadd.s32 v8, v31;
	_ =	sdelay $0x3  }
0xde: {  	[tilespmem:v29+s26+$0x0] =	vst.idx.msk $0xffff, v28  }
0xdf: {  	v29 =	vadd.s32 v9, v30;
	v28 =	vld.idx.msk [tilespmem:v42+s4+$0x0], $0xffff  }
0xe0: {  	v43 =	vadd.s32 v10, v31;
	_ =	sdelay $0x3  }
0xe1: {  	[tilespmem:v29+s26+$0x0] =	vst.idx.msk $0xffff, v28  }
0xe2: {  	v29 =	vadd.s32 v11, v30;
	v28 =	vld.idx.msk [tilespmem:v43+s4+$0x0], $0xffff  }
0xe3: {  	v44 =	vadd.s32 v12, v31;
	_ =	sdelay $0x3  }
0xe4: {  	[tilespmem:v29+s26+$0x0] =	vst.idx.msk $0xffff, v28  }
0xe5: {  	v29 =	vadd.s32 v13, v30;
	v28 =	vld.idx.msk [tilespmem:v44+s4+$0x0], $0xffff  }
0xe6: {  	v45 =	vadd.s32 v14, v31;
	_ =	sdelay $0x3  }
0xe7: {  	[tilespmem:v29+s26+$0x0] =	vst.idx.msk $0xffff, v28  }
0xe8: {  	v29 =	vadd.s32 v15, v30;
	v28 =	vld.idx.msk [tilespmem:v45+s4+$0x0], $0xffff  }
0xe9: {  	v46 =	vadd.s32 v16, v31;
	_ =	sdelay $0x3  }
0xea: {  	[tilespmem:v29+s26+$0x0] =	vst.idx.msk $0xffff, v28  }
0xeb: {  	v29 =	vadd.s32 v17, v30;
	v28 =	vld.idx.msk [tilespmem:v46+s4+$0x0], $0xffff  }
0xec: {  	v47 =	vadd.s32 v18, v31;
	_ =	sdelay $0x3  }
0xed: {  	[tilespmem:v29+s26+$0x0] =	vst.idx.msk $0xffff, v28  }
0xee: {  	v29 =	vadd.s32 v19, v30;
	v28 =	vld.idx.msk [tilespmem:v47+s4+$0x0], $0xffff  }
0xef: {  	v48 =	vadd.s32 v20, v31;
	_ =	sdelay $0x3  }
0xf0: {  	[tilespmem:v29+s26+$0x0] =	vst.idx.msk $0xffff, v28  }
0xf1: {  	v29 =	vadd.s32 v21, v30;
	v28 =	vld.idx.msk [tilespmem:v48+s4+$0x0], $0xffff  }
0xf2: {  	v49 =	vadd.s32 v22, v31;
	_ =	sdelay $0x3  }
0xf3: {  	[tilespmem:v29+s26+$0x0] =	vst.idx.msk $0xffff, v28  }
0xf4: {  	v29 =	vadd.s32 v23, v30;
	v28 =	vld.idx.msk [tilespmem:v49+s4+$0x0], $0xffff  }
0xf5: {  	v50 =	vadd.s32 v24, v31;
	_ =	sdelay $0x3  }
0xf6: {  	[tilespmem:v29+s26+$0x0] =	vst.idx.msk $0xffff, v28  }
0xf7: {  	v29 =	vadd.s32 v25, v30;
	v28 =	vld.idx.msk [tilespmem:v50+s4+$0x0], $0xffff  }
0xf8: {  	s0 =	smulhi.u32 $0x92492493, s2;
	v31 =	vadd.s32 v26, v31;
	_ =	sdelay $0x1  }
0xf9: {  	s0 =	sshrl.u32 s0, $0x7  }
0xfa: {  	s19 =	smul.u32 $0xFFFFFF20, s0  }
0xfb: {  	[tilespmem:v29+s26+$0x0] =	vst.idx.msk $0xffff, v28  }
0xfc: {  	s0 =	smul.u32 $0xC4000, s0;
	s19 =	sadd.s32 s2, s19;
	v29 =	vadd.s32 v27, v30;
	v28 =	vld.idx.msk [tilespmem:v31+s4+$0x0], $0xffff  }
0xfd: {  	s19 =	smul.u32 $0xE0, s19;
	_ =	sdelay $0x1  }
0xfe: {  	s0 =	sadd.s32 s0, s19  }
0xff: {  	s19 =	sshrl.u32 s0, $0x3  }
0x100: {  	s6 =	sadd.s32 $0xC400, s0;
	s19 =	sadd.s32 s5, s19;
	[tilespmem:v29+s26+$0x0] =	vst.idx.msk $0xffff, v28  }
0x101: {  	[hbm4b:s19+s4] =	stream.linear.scatter [tilespmem:s26], [sflag:$0x3], $0xE0, $0x38;
	[tilespmem:$0xFC00] =	vst v63  }
0x102: {  	s19 =	sshrl.u32 s6, $0x3  }
0x103: {  	s6 =	simm.s32 $0xE0E0;
	s19 =	sadd.s32 s5, s19  }
0x104: {  	[hbm4b:s19+s4] =	stream.linear.scatter [tilespmem:s6], [sflag:$0x3], $0xE0, $0x38;
	[tilespmem:$0xFC00] =	vst v63  }
0x105: {  	s6 =	sadd.s32 $0x18800, s0  }
0x106: {  	s19 =	sshrl.u32 s6, $0x3  }
0x107: {  	s6 =	simm.s32 $0xE1C0;
	s19 =	sadd.s32 s5, s19  }
0x108: {  	[hbm4b:s19+s4] =	stream.linear.scatter [tilespmem:s6], [sflag:$0x3], $0xE0, $0x38;
	[tilespmem:$0xFC00] =	vst v63  }
0x109: {  	s6 =	sadd.s32 $0x24C00, s0  }
0x10a: {  	s19 =	sshrl.u32 s6, $0x3  }
0x10b: {  	s6 =	simm.s32 $0xE2A0;
	s19 =	sadd.s32 s5, s19  }
0x10c: {  	[hbm4b:s19+s4] =	stream.linear.scatter [tilespmem:s6], [sflag:$0x3], $0xE0, $0x38;
	[tilespmem:$0xFC00] =	vst v63  }
0x10d: {  	s6 =	sadd.s32 $0x31000, s0  }
0x10e: {  	s19 =	sshrl.u32 s6, $0x3  }
0x10f: {  	s6 =	simm.s32 $0xE380;
	s19 =	sadd.s32 s5, s19  }
0x110: {  	[hbm4b:s19+s4] =	stream.linear.scatter [tilespmem:s6], [sflag:$0x3], $0xE0, $0x38;
	[tilespmem:$0xFC00] =	vst v63  }
0x111: {  	s6 =	sadd.s32 $0x3D400, s0  }
0x112: {  	s19 =	sshrl.u32 s6, $0x3  }
0x113: {  	s6 =	simm.s32 $0xE460;
	s19 =	sadd.s32 s5, s19  }
0x114: {  	[hbm4b:s19+s4] =	stream.linear.scatter [tilespmem:s6], [sflag:$0x3], $0xE0, $0x38;
	[tilespmem:$0xFC00] =	vst v63  }
0x115: {  	s6 =	sadd.s32 $0x49800, s0  }
0x116: {  	s19 =	sshrl.u32 s6, $0x3  }
0x117: {  	s6 =	simm.s32 $0xE540;
	s19 =	sadd.s32 s5, s19  }
0x118: {  	[hbm4b:s19+s4] =	stream.linear.scatter [tilespmem:s6], [sflag:$0x3], $0xE0, $0x38;
	[tilespmem:$0xFC00] =	vst v63  }
0x119: {  	s6 =	sadd.s32 $0x55C00, s0  }
0x11a: {  	s19 =	sshrl.u32 s6, $0x3  }
0x11b: {  	s6 =	simm.s32 $0xE620;
	s19 =	sadd.s32 s5, s19  }
0x11c: {  	[hbm4b:s19+s4] =	stream.linear.scatter [tilespmem:s6], [sflag:$0x3], $0xE0, $0x38;
	[tilespmem:$0xFC00] =	vst v63  }
0x11d: {  	s6 =	sadd.s32 $0x62000, s0  }
0x11e: {  	s19 =	sshrl.u32 s6, $0x3  }
0x11f: {  	s6 =	sadd.s32 $0x6E400, s0;
	s19 =	sadd.s32 s5, s19  }
0x120: {  	[hbm4b:s19+s4] =	stream.linear.scatter [tilespmem:s7], [sflag:$0x3], $0xE0, $0x38;
	[tilespmem:$0xFC00] =	vst v63  }
0x121: {  	s19 =	sshrl.u32 s6, $0x3  }
0x122: {  	s6 =	sadd.s32 $0x7A800, s0;
	s19 =	sadd.s32 s5, s19  }
0x123: {  	[hbm4b:s19+s4] =	stream.linear.scatter [tilespmem:s8], [sflag:$0x3], $0xE0, $0x38;
	[tilespmem:$0xFC00] =	vst v63  }
0x124: {  	s19 =	sshrl.u32 s6, $0x3  }
0x125: {  	s6 =	sadd.s32 $0x86C00, s0;
	s19 =	sadd.s32 s5, s19  }
0x126: {  	[hbm4b:s19+s4] =	stream.linear.scatter [tilespmem:s9], [sflag:$0x3], $0xE0, $0x38;
	[tilespmem:$0xFC00] =	vst v63  }
0x127: {  	s19 =	sshrl.u32 s6, $0x3  }
0x128: {  	s6 =	sadd.s32 $0x93000, s0;
	s19 =	sadd.s32 s5, s19  }
0x129: {  	[hbm4b:s19+s4] =	stream.linear.scatter [tilespmem:s10], [sflag:$0x3], $0xE0, $0x38;
	[tilespmem:$0xFC00] =	vst v63  }
0x12a: {  	s19 =	sshrl.u32 s6, $0x3  }
0x12b: {  	s6 =	sadd.s32 $0x9F400, s0;
	s19 =	sadd.s32 s5, s19  }
0x12c: {  	[hbm4b:s19+s4] =	stream.linear.scatter [tilespmem:s11], [sflag:$0x3], $0xE0, $0x38;
	[tilespmem:$0xFC00] =	vst v63  }
0x12d: {  	s19 =	sshrl.u32 s6, $0x3  }
0x12e: {  	s6 =	sadd.s32 $0xAB800, s0;
	s19 =	sadd.s32 s5, s19  }
0x12f: {  	[hbm4b:s19+s4] =	stream.linear.scatter [tilespmem:s12], [sflag:$0x3], $0xE0, $0x38;
	[tilespmem:$0xFC00] =	vst v63  }
0x130: {  	s2 =	sadd.s32 $0x2, s2;
	s19 =	sshrl.u32 s6, $0x3  }
0x131: {  	s6 =	smulhi.u32 $0x92492493, s2;
	s19 =	sadd.s32 s5, s19  }
0x132: {  	[hbm4b:s19+s4] =	stream.linear.scatter [tilespmem:s13], [sflag:$0x3], $0xE0, $0x38;
	[tilespmem:$0xFC00] =	vst v63  }
0x133: {  	s6 =	sshrl.u32 s6, $0x7  }
0x134: {  	s19 =	smul.u32 $0xFFFFFF20, s6  }
0x135: {  	s0 =	sadd.s32 $0xB7C00, s0  }
0x136: {  	s0 =	sshrl.u32 s0, $0x3;
	s6 =	smul.u32 $0x620000, s6;
	s2 =	sadd.s32 s2, s19  }
0x137: {  	s0 =	sadd.s32 s5, s0;
	s2 =	smul.u32 $0x7000, s2  }
0x138: {  	[hbm4b:s0+s4] =	stream.linear.scatter [tilespmem:s14], [sflag:$0x3], $0xE0, $0x38;
	[tilespmem:$0xFC00] =	vst v63  }
0x139: {  	_ =	swait.ge [sflag:s15], $0x7000;
	s2 =	sadd.s32 s6, s2  }
0x13a: {  	[sflag:s15] =	ssyncset.done $0x0;
	s0 =	sshrl.u32 s2, $0x3  }
0x13b: {  	[sflag:s15] =	ssyncadd.s32 $0xFFFF9000;
	s0 =	sadd.s32 s3, s0  }
0x13c: {  	[tilespmem:s4], [sflag:$0x1] =	stream.linear.gather [hbm4b:s0+s4], $0x7000, $0x38;
	[tilespmem:$0xFC00] =	vst v63  }
0x13d: {  	s0 =	simm.s32 @!p0 $0x4  }
0x13e: {  	_ =	swait.ge @!p0 [sflag:s0], $0xE0  }
0x13f: {  	[sflag:s0] =	ssyncset.done @!p0 $0x0  }
0x140: {  	[sflag:s0] =	ssyncadd.s32 @!p0 $0xFFFFFF20  }
0x141: {  	_ =	swait.ge @!p0 [sflag:s0], $0xE0  }
0x142: {  	[sflag:s0] =	ssyncset.done @!p0 $0x0  }
0x143: {  	[sflag:s0] =	ssyncadd.s32 @!p0 $0xFFFFFF20  }
0x144: {  	_ =	swait.ge @!p0 [sflag:s0], $0xE0  }
0x145: {  	[sflag:s0] =	ssyncset.done @!p0 $0x0  }
0x146: {  	[sflag:s0] =	ssyncadd.s32 @!p0 $0xFFFFFF20  }
0x147: {  	_ =	swait.ge @!p0 [sflag:s0], $0xE0  }
0x148: {  	[sflag:s0] =	ssyncset.done @!p0 $0x0  }
0x149: {  	[sflag:s0] =	ssyncadd.s32 @!p0 $0xFFFFFF20  }
0x14a: {  	_ =	swait.ge @!p0 [sflag:s0], $0xE0  }
0x14b: {  	[sflag:s0] =	ssyncset.done @!p0 $0x0  }
0x14c: {  	[sflag:s0] =	ssyncadd.s32 @!p0 $0xFFFFFF20  }
0x14d: {  	_ =	swait.ge @!p0 [sflag:s0], $0xE0  }
0x14e: {  	[sflag:s0] =	ssyncset.done @!p0 $0x0  }
0x14f: {  	[sflag:s0] =	ssyncadd.s32 @!p0 $0xFFFFFF20  }
0x150: {  	_ =	swait.ge @!p0 [sflag:s0], $0xE0  }
0x151: {  	[sflag:s0] =	ssyncset.done @!p0 $0x0  }
0x152: {  	[sflag:s0] =	ssyncadd.s32 @!p0 $0xFFFFFF20  }
0x153: {  	_ =	swait.ge @!p0 [sflag:s0], $0xE0  }
0x154: {  	[sflag:s0] =	ssyncset.done @!p0 $0x0  }
0x155: {  	[sflag:s0] =	ssyncadd.s32 @!p0 $0xFFFFFF20  }
0x156: {  	_ =	swait.ge @!p0 [sflag:s0], $0xE0  }
0x157: {  	[sflag:s0] =	ssyncset.done @!p0 $0x0  }
0x158: {  	[sflag:s0] =	ssyncadd.s32 @!p0 $0xFFFFFF20  }
0x159: {  	_ =	swait.ge @!p0 [sflag:s0], $0xE0  }
0x15a: {  	[sflag:s0] =	ssyncset.done @!p0 $0x0  }
0x15b: {  	[sflag:s0] =	ssyncadd.s32 @!p0 $0xFFFFFF20  }
0x15c: {  	_ =	swait.ge @!p0 [sflag:s0], $0xE0  }
0x15d: {  	[sflag:s0] =	ssyncset.done @!p0 $0x0  }
0x15e: {  	[sflag:s0] =	ssyncadd.s32 @!p0 $0xFFFFFF20  }
0x15f: {  	_ =	swait.ge @!p0 [sflag:s0], $0xE0  }
0x160: {  	[sflag:s0] =	ssyncset.done @!p0 $0x0  }
0x161: {  	[sflag:s0] =	ssyncadd.s32 @!p0 $0xFFFFFF20  }
0x162: {  	_ =	swait.ge @!p0 [sflag:s0], $0xE0  }
0x163: {  	[sflag:s0] =	ssyncset.done @!p0 $0x0  }
0x164: {  	[sflag:s0] =	ssyncadd.s32 @!p0 $0xFFFFFF20  }
0x165: {  	s6 =	simm.s32 $0x0;
	_ =	swait.ge @!p0 [sflag:s0], $0xE0  }
0x166: {  	v28 =	vadd.s32 s6, v0;
	[sflag:s0] =	ssyncset.done @!p0 $0x0  }
0x167: {  	v28 =	vand.u32 $0xF, v28;
	[sflag:s0] =	ssyncadd.s32 @!p0 $0xFFFFFF20  }
0x168: {  	v29 =	vshll.u32 v28, $0x2;
	_ =	swait.ge @!p0 [sflag:s0], $0xE0  }
0x169: {  	v30 =	vadd.s32 v1, v29;
	[sflag:s0] =	ssyncset.done @!p0 $0x0  }
0x16a: {  	[sflag:s0] =	ssyncadd.s32 @!p0 $0xFFFFFF20  }
0x16b: {  	_ =	swait.ge @!p0 [sflag:s0], $0xE0  }
0x16c: {  	v28 =	vmul.u32 $0xE0, v28;
	[sflag:s0] =	ssyncset.done @!p0 $0x0  }
0x16d: {  	[sflag:s0] =	ssyncadd.s32 @!p0 $0xFFFFFF20  }
0x16e: {  	v31 =	vor.u32 v0, v28;
	v30 =	vld.idx.msk [tilespmem:v30+s25+$0x0], $0xffff  }
0x16f: {  	v51 =	vadd.s32 v2, v29;
	_ =	sdelay $0x3  }
0x170: {  	[tilespmem:v31+s16+$0x0] =	vst.idx.msk $0xffff, v30  }
0x171: {  	v31 =	vor.u32 v3, v28;
	v30 =	vld.idx.msk [tilespmem:v51+s25+$0x0], $0xffff  }
0x172: {  	v52 =	vadd.s32 v4, v29;
	_ =	sdelay $0x3  }
0x173: {  	[tilespmem:v31+s16+$0x0] =	vst.idx.msk $0xffff, v30  }
0x174: {  	v31 =	vadd.s32 v5, v28;
	v30 =	vld.idx.msk [tilespmem:v52+s25+$0x0], $0xffff  }
0x175: {  	v53 =	vadd.s32 v6, v29;
	_ =	sdelay $0x3  }
0x176: {  	[tilespmem:v31+s16+$0x0] =	vst.idx.msk $0xffff, v30  }
0x177: {  	v31 =	vadd.s32 v7, v28;
	v30 =	vld.idx.msk [tilespmem:v53+s25+$0x0], $0xffff  }
0x178: {  	v54 =	vadd.s32 v8, v29;
	_ =	sdelay $0x3  }
0x179: {  	[tilespmem:v31+s16+$0x0] =	vst.idx.msk $0xffff, v30  }
0x17a: {  	v31 =	vadd.s32 v9, v28;
	v30 =	vld.idx.msk [tilespmem:v54+s25+$0x0], $0xffff  }
0x17b: {  	v55 =	vadd.s32 v10, v29;
	_ =	sdelay $0x3  }
0x17c: {  	[tilespmem:v31+s16+$0x0] =	vst.idx.msk $0xffff, v30  }
0x17d: {  	v31 =	vadd.s32 v11, v28;
	v30 =	vld.idx.msk [tilespmem:v55+s25+$0x0], $0xffff  }
0x17e: {  	v56 =	vadd.s32 v12, v29;
	_ =	sdelay $0x3  }
0x17f: {  	[tilespmem:v31+s16+$0x0] =	vst.idx.msk $0xffff, v30  }
0x180: {  	v31 =	vadd.s32 v13, v28;
	v30 =	vld.idx.msk [tilespmem:v56+s25+$0x0], $0xffff  }
0x181: {  	v57 =	vadd.s32 v14, v29;
	_ =	sdelay $0x3  }
0x182: {  	[tilespmem:v31+s16+$0x0] =	vst.idx.msk $0xffff, v30  }
0x183: {  	v31 =	vadd.s32 v15, v28;
	v30 =	vld.idx.msk [tilespmem:v57+s25+$0x0], $0xffff  }
0x184: {  	v58 =	vadd.s32 v16, v29;
	_ =	sdelay $0x3  }
0x185: {  	[tilespmem:v31+s16+$0x0] =	vst.idx.msk $0xffff, v30  }
0x186: {  	v31 =	vadd.s32 v17, v28;
	v30 =	vld.idx.msk [tilespmem:v58+s25+$0x0], $0xffff  }
0x187: {  	v59 =	vadd.s32 v18, v29;
	_ =	sdelay $0x3  }
0x188: {  	[tilespmem:v31+s16+$0x0] =	vst.idx.msk $0xffff, v30  }
0x189: {  	v31 =	vadd.s32 v19, v28;
	v30 =	vld.idx.msk [tilespmem:v59+s25+$0x0], $0xffff  }
0x18a: {  	v60 =	vadd.s32 v20, v29;
	_ =	sdelay $0x3  }
0x18b: {  	[tilespmem:v31+s16+$0x0] =	vst.idx.msk $0xffff, v30  }
0x18c: {  	v31 =	vadd.s32 v21, v28;
	v30 =	vld.idx.msk [tilespmem:v60+s25+$0x0], $0xffff  }
0x18d: {  	v61 =	vadd.s32 v22, v29;
	_ =	sdelay $0x3  }
0x18e: {  	[tilespmem:v31+s16+$0x0] =	vst.idx.msk $0xffff, v30  }
0x18f: {  	v31 =	vadd.s32 v23, v28;
	v30 =	vld.idx.msk [tilespmem:v61+s25+$0x0], $0xffff  }
0x190: {  	v62 =	vadd.s32 v24, v29;
	_ =	sdelay $0x3  }
0x191: {  	[tilespmem:v31+s16+$0x0] =	vst.idx.msk $0xffff, v30  }
0x192: {  	v63 =	vadd.s32 v25, v28;
	v31 =	vld.idx.msk [tilespmem:v62+s25+$0x0], $0xffff  }
0x193: {  	v29 =	vadd.s32 v26, v29;
	_ =	sdelay $0x2  }
0x194: {  	s19 =	simm.s32 $0x1  }
0x195: {  	s0 =	simm.s32 $0x2;
	v30 =	vadd.s32 s19, v0;
	[tilespmem:v63+s16+$0x0] =	vst.idx.msk $0xffff, v31  }
.LBB2_5:
0x196: {  	p0 =	sne.s32 s0, $0xF;
	v30 =	vand.u32 $0xF, v30;
	v31 =	vld.idx.msk [tilespmem:v29+s25+$0x0], $0xffff  }
0x197: {  	v32 =	vadd.s32 v27, v28;
	v29 =	vshll.u32 v30, $0x2  }
0x198: {  	v33 =	vadd.s32 v1, v29;
	_ =	sdelay $0x3  }
0x199: {  	v28 =	vmul.u32 $0xE0, v30;
	[tilespmem:v32+s16+$0x0] =	vst.idx.msk $0xffff, v31  }
0x19a: {  	v30 =	vld.idx.msk [tilespmem:v33+s25+$0x0], $0xffff  }
0x19b: {  	v31 =	vor.u32 v0, v28  }
0x19c: {  	v32 =	vadd.s32 v2, v29;
	_ =	sdelay $0x3  }
0x19d: {  	[tilespmem:v31+s16+$0x0] =	vst.idx.msk $0xffff, v30  }
0x19e: {  	v30 =	vld.idx.msk [tilespmem:v32+s25+$0x0], $0xffff  }
0x19f: {  	v31 =	vor.u32 v3, v28  }
0x1a0: {  	v32 =	vadd.s32 v4, v29;
	_ =	sdelay $0x3  }
0x1a1: {  	[tilespmem:v31+s16+$0x0] =	vst.idx.msk $0xffff, v30  }
0x1a2: {  	v30 =	vld.idx.msk [tilespmem:v32+s25+$0x0], $0xffff  }
0x1a3: {  	v31 =	vadd.s32 v5, v28  }
0x1a4: {  	v32 =	vadd.s32 v6, v29;
	_ =	sdelay $0x3  }
0x1a5: {  	[tilespmem:v31+s16+$0x0] =	vst.idx.msk $0xffff, v30  }
0x1a6: {  	v30 =	vld.idx.msk [tilespmem:v32+s25+$0x0], $0xffff  }
0x1a7: {  	v31 =	vadd.s32 v7, v28  }
0x1a8: {  	v32 =	vadd.s32 v8, v29;
	_ =	sdelay $0x3  }
0x1a9: {  	[tilespmem:v31+s16+$0x0] =	vst.idx.msk $0xffff, v30  }
0x1aa: {  	v30 =	vld.idx.msk [tilespmem:v32+s25+$0x0], $0xffff  }
0x1ab: {  	v31 =	vadd.s32 v9, v28  }
0x1ac: {  	v32 =	vadd.s32 v10, v29;
	_ =	sdelay $0x3  }
0x1ad: {  	[tilespmem:v31+s16+$0x0] =	vst.idx.msk $0xffff, v30  }
0x1ae: {  	v30 =	vld.idx.msk [tilespmem:v32+s25+$0x0], $0xffff  }
0x1af: {  	v31 =	vadd.s32 v11, v28  }
0x1b0: {  	v32 =	vadd.s32 v12, v29;
	_ =	sdelay $0x3  }
0x1b1: {  	[tilespmem:v31+s16+$0x0] =	vst.idx.msk $0xffff, v30  }
0x1b2: {  	v30 =	vld.idx.msk [tilespmem:v32+s25+$0x0], $0xffff  }
0x1b3: {  	v31 =	vadd.s32 v13, v28  }
0x1b4: {  	v32 =	vadd.s32 v14, v29;
	_ =	sdelay $0x3  }
0x1b5: {  	[tilespmem:v31+s16+$0x0] =	vst.idx.msk $0xffff, v30  }
0x1b6: {  	v30 =	vld.idx.msk [tilespmem:v32+s25+$0x0], $0xffff  }
0x1b7: {  	v31 =	vadd.s32 v15, v28  }
0x1b8: {  	v32 =	vadd.s32 v16, v29;
	_ =	sdelay $0x3  }
0x1b9: {  	[tilespmem:v31+s16+$0x0] =	vst.idx.msk $0xffff, v30  }
0x1ba: {  	v30 =	vld.idx.msk [tilespmem:v32+s25+$0x0], $0xffff  }
0x1bb: {  	v31 =	vadd.s32 v17, v28  }
0x1bc: {  	v32 =	vadd.s32 v18, v29;
	_ =	sdelay $0x3  }
0x1bd: {  	[tilespmem:v31+s16+$0x0] =	vst.idx.msk $0xffff, v30  }
0x1be: {  	v30 =	vld.idx.msk [tilespmem:v32+s25+$0x0], $0xffff  }
0x1bf: {  	v31 =	vadd.s32 v19, v28  }
0x1c0: {  	v32 =	vadd.s32 v20, v29;
	_ =	sdelay $0x3  }
0x1c1: {  	[tilespmem:v31+s16+$0x0] =	vst.idx.msk $0xffff, v30  }
0x1c2: {  	v30 =	vld.idx.msk [tilespmem:v32+s25+$0x0], $0xffff  }
0x1c3: {  	v31 =	vadd.s32 v21, v28  }
0x1c4: {  	v32 =	vadd.s32 v22, v29;
	_ =	sdelay $0x3  }
0x1c5: {  	[tilespmem:v31+s16+$0x0] =	vst.idx.msk $0xffff, v30  }
0x1c6: {  	v30 =	vld.idx.msk [tilespmem:v32+s25+$0x0], $0xffff  }
0x1c7: {  	v31 =	vadd.s32 v23, v28  }
0x1c8: {  	v32 =	vadd.s32 v24, v29;
	_ =	sdelay $0x3  }
0x1c9: {  	[tilespmem:v31+s16+$0x0] =	vst.idx.msk $0xffff, v30  }
0x1ca: {  	v31 =	vld.idx.msk [tilespmem:v32+s25+$0x0], $0xffff  }
0x1cb: {  	v32 =	vadd.s32 v25, v28  }
.Ltmp1:
0x1cc: {  	v29 =	vadd.s32 v26, v29;
	(pc) =	sbr.rel @p0 .LBB2_5-.Ltmp1, $2  }
0x1cd: {  	_ =	sdelay $0x2  }
0x1ce: {  	v30 =	vadd.s32 s0, v0;
	s0 =	sadd.s32 $0x1, s0;
	[tilespmem:v32+s16+$0x0] =	vst.idx.msk $0xffff, v31  }
0x1cf: {  	_ =	sdelay $0x2  }
0x1d0: {  	v30 =	vand.u32 $0xF, v30  }
0x1d1: {  	v29 =	vld.idx.msk [tilespmem:v29+s25+$0x0], $0xffff;
	v28 =	vadd.s32 v27, v28;
	v31 =	vshll.u32 v30, $0x2  }
0x1d2: {  	v32 =	vadd.s32 v1, v31;
	_ =	sdelay $0x2  }
0x1d3: {  	v30 =	vmul.u32 $0xE0, v30  }
0x1d4: {  	[tilespmem:v28+s16+$0x0] =	vst.idx.msk $0xffff, v29  }
0x1d5: {  	v29 =	vor.u32 v0, v30;
	v28 =	vld.idx.msk [tilespmem:v32+s25+$0x0], $0xffff  }
0x1d6: {  	v52 =	vadd.s32 v2, v31;
	_ =	sdelay $0x3  }
0x1d7: {  	[tilespmem:v29+s16+$0x0] =	vst.idx.msk $0xffff, v28  }
0x1d8: {  	v29 =	vor.u32 v3, v30;
	v28 =	vld.idx.msk [tilespmem:v52+s25+$0x0], $0xffff  }
0x1d9: {  	v53 =	vadd.s32 v4, v31;
	_ =	sdelay $0x3  }
0x1da: {  	[tilespmem:v29+s16+$0x0] =	vst.idx.msk $0xffff, v28  }
0x1db: {  	v29 =	vadd.s32 v5, v30;
	v28 =	vld.idx.msk [tilespmem:v53+s25+$0x0], $0xffff  }
0x1dc: {  	v54 =	vadd.s32 v6, v31;
	_ =	sdelay $0x3  }
0x1dd: {  	[tilespmem:v29+s16+$0x0] =	vst.idx.msk $0xffff, v28  }
0x1de: {  	v29 =	vadd.s32 v7, v30;
	v28 =	vld.idx.msk [tilespmem:v54+s25+$0x0], $0xffff  }
0x1df: {  	v55 =	vadd.s32 v8, v31;
	_ =	sdelay $0x3  }
0x1e0: {  	[tilespmem:v29+s16+$0x0] =	vst.idx.msk $0xffff, v28  }
0x1e1: {  	v29 =	vadd.s32 v9, v30;
	v28 =	vld.idx.msk [tilespmem:v55+s25+$0x0], $0xffff  }
0x1e2: {  	v56 =	vadd.s32 v10, v31;
	_ =	sdelay $0x3  }
0x1e3: {  	[tilespmem:v29+s16+$0x0] =	vst.idx.msk $0xffff, v28  }
0x1e4: {  	v29 =	vadd.s32 v11, v30;
	v28 =	vld.idx.msk [tilespmem:v56+s25+$0x0], $0xffff  }
0x1e5: {  	v57 =	vadd.s32 v12, v31;
	_ =	sdelay $0x3  }
0x1e6: {  	[tilespmem:v29+s16+$0x0] =	vst.idx.msk $0xffff, v28  }
0x1e7: {  	v29 =	vadd.s32 v13, v30;
	v28 =	vld.idx.msk [tilespmem:v57+s25+$0x0], $0xffff  }
0x1e8: {  	v58 =	vadd.s32 v14, v31;
	_ =	sdelay $0x3  }
0x1e9: {  	[tilespmem:v29+s16+$0x0] =	vst.idx.msk $0xffff, v28  }
0x1ea: {  	v29 =	vadd.s32 v15, v30;
	v28 =	vld.idx.msk [tilespmem:v58+s25+$0x0], $0xffff  }
0x1eb: {  	v59 =	vadd.s32 v16, v31;
	_ =	sdelay $0x3  }
0x1ec: {  	[tilespmem:v29+s16+$0x0] =	vst.idx.msk $0xffff, v28  }
0x1ed: {  	v29 =	vadd.s32 v17, v30;
	v28 =	vld.idx.msk [tilespmem:v59+s25+$0x0], $0xffff  }
0x1ee: {  	v60 =	vadd.s32 v18, v31;
	_ =	sdelay $0x3  }
0x1ef: {  	[tilespmem:v29+s16+$0x0] =	vst.idx.msk $0xffff, v28  }
0x1f0: {  	v29 =	vadd.s32 v19, v30;
	v28 =	vld.idx.msk [tilespmem:v60+s25+$0x0], $0xffff  }
0x1f1: {  	v61 =	vadd.s32 v20, v31;
	_ =	sdelay $0x3  }
0x1f2: {  	[tilespmem:v29+s16+$0x0] =	vst.idx.msk $0xffff, v28  }
0x1f3: {  	v29 =	vadd.s32 v21, v30;
	v28 =	vld.idx.msk [tilespmem:v61+s25+$0x0], $0xffff  }
0x1f4: {  	v62 =	vadd.s32 v22, v31;
	_ =	sdelay $0x3  }
0x1f5: {  	[tilespmem:v29+s16+$0x0] =	vst.idx.msk $0xffff, v28  }
0x1f6: {  	v29 =	vadd.s32 v23, v30;
	v28 =	vld.idx.msk [tilespmem:v62+s25+$0x0], $0xffff  }
0x1f7: {  	v63 =	vadd.s32 v24, v31;
	_ =	sdelay $0x3  }
0x1f8: {  	[tilespmem:v29+s16+$0x0] =	vst.idx.msk $0xffff, v28  }
0x1f9: {  	v29 =	vadd.s32 v25, v30;
	v28 =	vld.idx.msk [tilespmem:v63+s25+$0x0], $0xffff  }
0x1fa: {  	v31 =	vadd.s32 v26, v31;
	_ =	sdelay $0x3  }
0x1fb: {  	[tilespmem:v29+s16+$0x0] =	vst.idx.msk $0xffff, v28  }
0x1fc: {  	s0 =	smul.u32 $0xC4000, s30;
	v29 =	vadd.s32 v27, v30;
	v28 =	vld.idx.msk [tilespmem:v31+s25+$0x0], $0xffff  }
0x1fd: {  	s2 =	smul.u32 $0xE0, s31;
	_ =	sdelay $0x1  }
0x1fe: {  	s0 =	sadd.s32 s0, s2  }
0x1ff: {  	s2 =	sshrl.u32 s0, $0x3  }
0x200: {  	s19 =	sadd.s32 $0xC400, s0;
	s2 =	sadd.s32 s5, s2;
	[tilespmem:v29+s16+$0x0] =	vst.idx.msk $0xffff, v28  }
0x201: {  	[hbm4b:s2+s4] =	stream.linear.scatter [tilespmem:s16], [sflag:$0x4], $0xE0, $0x38;
	[tilespmem:$0xFC00] =	vst v63  }
0x202: {  	s2 =	sshrl.u32 s19, $0x3  }
0x203: {  	s6 =	simm.s32 $0xEEE0;
	s30 =	sadd.s32 $0x18800, s0;
	s2 =	sadd.s32 s5, s2  }
0x204: {  	[hbm4b:s2+s4] =	stream.linear.scatter [tilespmem:s6], [sflag:$0x4], $0xE0, $0x38;
	[tilespmem:$0xFC00] =	vst v63  }
0x205: {  	s2 =	sshrl.u32 s30, $0x3  }
0x206: {  	s31 =	simm.s32 $0xEFC0;
	s6 =	sadd.s32 $0x24C00, s0;
	s2 =	sadd.s32 s5, s2  }
0x207: {  	[hbm4b:s2+s4] =	stream.linear.scatter [tilespmem:s31], [sflag:$0x4], $0xE0, $0x38;
	[tilespmem:$0xFC00] =	vst v63  }
0x208: {  	s2 =	sshrl.u32 s6, $0x3  }
0x209: {  	s19 =	simm.s32 $0xF0A0;
	s30 =	sadd.s32 $0x31000, s0;
	s2 =	sadd.s32 s5, s2  }
0x20a: {  	[hbm4b:s2+s4] =	stream.linear.scatter [tilespmem:s19], [sflag:$0x4], $0xE0, $0x38;
	[tilespmem:$0xFC00] =	vst v63  }
0x20b: {  	s2 =	sshrl.u32 s30, $0x3  }
0x20c: {  	s31 =	simm.s32 $0xF180;
	s6 =	sadd.s32 $0x3D400, s0;
	s2 =	sadd.s32 s5, s2  }
0x20d: {  	[hbm4b:s2+s4] =	stream.linear.scatter [tilespmem:s31], [sflag:$0x4], $0xE0, $0x38;
	[tilespmem:$0xFC00] =	vst v63  }
0x20e: {  	s2 =	sshrl.u32 s6, $0x3  }
0x20f: {  	s19 =	simm.s32 $0xF260;
	s30 =	sadd.s32 $0x49800, s0;
	s2 =	sadd.s32 s5, s2  }
0x210: {  	[hbm4b:s2+s4] =	stream.linear.scatter [tilespmem:s19], [sflag:$0x4], $0xE0, $0x38;
	[tilespmem:$0xFC00] =	vst v63  }
0x211: {  	s2 =	sshrl.u32 s30, $0x3  }
0x212: {  	s31 =	simm.s32 $0xF340;
	s6 =	sadd.s32 $0x55C00, s0;
	s2 =	sadd.s32 s5, s2  }
0x213: {  	[hbm4b:s2+s4] =	stream.linear.scatter [tilespmem:s31], [sflag:$0x4], $0xE0, $0x38;
	[tilespmem:$0xFC00] =	vst v63  }
0x214: {  	s2 =	sshrl.u32 s6, $0x3  }
0x215: {  	s19 =	simm.s32 $0xF420;
	s30 =	sadd.s32 $0x62000, s0;
	s2 =	sadd.s32 s5, s2  }
0x216: {  	[hbm4b:s2+s4] =	stream.linear.scatter [tilespmem:s19], [sflag:$0x4], $0xE0, $0x38;
	[tilespmem:$0xFC00] =	vst v63  }
0x217: {  	s2 =	sshrl.u32 s30, $0x3  }
0x218: {  	s31 =	simm.s32 $0xF500;
	s6 =	sadd.s32 $0x6E400, s0;
	s2 =	sadd.s32 s5, s2  }
0x219: {  	[hbm4b:s2+s4] =	stream.linear.scatter [tilespmem:s31], [sflag:$0x4], $0xE0, $0x38;
	[tilespmem:$0xFC00] =	vst v63  }
0x21a: {  	s2 =	sshrl.u32 s6, $0x3  }
0x21b: {  	s19 =	simm.s32 $0xF5E0;
	s30 =	sadd.s32 $0x7A800, s0;
	s2 =	sadd.s32 s5, s2  }
0x21c: {  	[hbm4b:s2+s4] =	stream.linear.scatter [tilespmem:s19], [sflag:$0x4], $0xE0, $0x38;
	[tilespmem:$0xFC00] =	vst v63  }
0x21d: {  	s2 =	sshrl.u32 s30, $0x3  }
0x21e: {  	s31 =	simm.s32 $0xF6C0;
	s6 =	sadd.s32 $0x86C00, s0;
	s2 =	sadd.s32 s5, s2  }
0x21f: {  	[hbm4b:s2+s4] =	stream.linear.scatter [tilespmem:s31], [sflag:$0x4], $0xE0, $0x38;
	[tilespmem:$0xFC00] =	vst v63  }
0x220: {  	s2 =	sshrl.u32 s6, $0x3  }
0x221: {  	s19 =	sadd.s32 $0x93000, s0;
	s2 =	sadd.s32 s5, s2  }
0x222: {  	[hbm4b:s2+s4] =	stream.linear.scatter [tilespmem:s20], [sflag:$0x4], $0xE0, $0x38;
	[tilespmem:$0xFC00] =	vst v63  }
0x223: {  	s2 =	sshrl.u32 s19, $0x3  }
0x224: {  	s30 =	sadd.s32 $0x9F400, s0;
	s2 =	sadd.s32 s5, s2  }
0x225: {  	[hbm4b:s2+s4] =	stream.linear.scatter [tilespmem:s21], [sflag:$0x4], $0xE0, $0x38;
	[tilespmem:$0xFC00] =	vst v63  }
0x226: {  	s18 =	sadd.s32 $0x1, s18;
	s2 =	sshrl.u32 s30, $0x3  }
0x227: {  	p0 =	sne.s32 s18, $0xA;
	s31 =	sadd.s32 $0xAB800, s0;
	s2 =	sadd.s32 s5, s2  }
0x228: {  	[hbm4b:s2+s4] =	stream.linear.scatter [tilespmem:s22], [sflag:$0x4], $0xE0, $0x38;
	[tilespmem:$0xFC00] =	vst v63  }
.Ltmp2:
0x229: {  	s0 =	sadd.s32 $0xB7C00, s0;
	s2 =	sshrl.u32 s31, $0x3;
	(pc) =	sbr.rel @p0 .LBB2_2-.Ltmp2, $4  }
0x22a: {  	s0 =	sshrl.u32 s0, $0x3;
	s2 =	sadd.s32 s5, s2  }
0x22b: {  	[hbm4b:s2+s4] =	stream.linear.scatter [tilespmem:s23], [sflag:$0x4], $0xE0, $0x38;
	[tilespmem:$0xFC00] =	vst v63  }
0x22c: {  	s0 =	sadd.s32 s5, s0  }
0x22d: {  	[hbm4b:s0+s4] =	stream.linear.scatter [tilespmem:s28], [sflag:$0x4], $0xE0, $0x38;
	[tilespmem:$0xFC00] =	vst v63  }
0x22e: {  	_ =	swait.ge [sflag:s24], $0x7000  }
0x22f: {  	[sflag:s24] =	ssyncset.done $0x0  }
0x230: {  	[sflag:s24] =	ssyncadd.s32 $0xFFFF9000  }
0x231: {  	_ =	swait.ge [sflag:s17], $0xE0  }
0x232: {  	[sflag:s17] =	ssyncset.done $0x0  }
0x233: {  	[sflag:s17] =	ssyncadd.s32 $0xFFFFFF20  }
0x234: {  	_ =	swait.ge [sflag:s17], $0xE0  }
0x235: {  	[sflag:s17] =	ssyncset.done $0x0  }
0x236: {  	[sflag:s17] =	ssyncadd.s32 $0xFFFFFF20  }
0x237: {  	_ =	swait.ge [sflag:s17], $0xE0  }
0x238: {  	[sflag:s17] =	ssyncset.done $0x0  }
0x239: {  	[sflag:s17] =	ssyncadd.s32 $0xFFFFFF20  }
0x23a: {  	_ =	swait.ge [sflag:s17], $0xE0  }
0x23b: {  	[sflag:s17] =	ssyncset.done $0x0  }
0x23c: {  	[sflag:s17] =	ssyncadd.s32 $0xFFFFFF20  }
0x23d: {  	_ =	swait.ge [sflag:s17], $0xE0  }
0x23e: {  	[sflag:s17] =	ssyncset.done $0x0  }
0x23f: {  	[sflag:s17] =	ssyncadd.s32 $0xFFFFFF20  }
0x240: {  	_ =	swait.ge [sflag:s17], $0xE0  }
0x241: {  	[sflag:s17] =	ssyncset.done $0x0  }
0x242: {  	[sflag:s17] =	ssyncadd.s32 $0xFFFFFF20  }
0x243: {  	_ =	swait.ge [sflag:s17], $0xE0  }
0x244: {  	[sflag:s17] =	ssyncset.done $0x0  }
0x245: {  	[sflag:s17] =	ssyncadd.s32 $0xFFFFFF20  }
0x246: {  	_ =	swait.ge [sflag:s17], $0xE0  }
0x247: {  	[sflag:s17] =	ssyncset.done $0x0  }
0x248: {  	[sflag:s17] =	ssyncadd.s32 $0xFFFFFF20  }
0x249: {  	_ =	swait.ge [sflag:s17], $0xE0  }
0x24a: {  	[sflag:s17] =	ssyncset.done $0x0  }
0x24b: {  	[sflag:s17] =	ssyncadd.s32 $0xFFFFFF20  }
0x24c: {  	_ =	swait.ge [sflag:s17], $0xE0  }
0x24d: {  	[sflag:s17] =	ssyncset.done $0x0  }
0x24e: {  	[sflag:s17] =	ssyncadd.s32 $0xFFFFFF20  }
0x24f: {  	_ =	swait.ge [sflag:s17], $0xE0  }
0x250: {  	[sflag:s17] =	ssyncset.done $0x0  }
0x251: {  	[sflag:s17] =	ssyncadd.s32 $0xFFFFFF20  }
0x252: {  	_ =	swait.ge [sflag:s17], $0xE0  }
0x253: {  	[sflag:s17] =	ssyncset.done $0x0  }
0x254: {  	[sflag:s17] =	ssyncadd.s32 $0xFFFFFF20  }
0x255: {  	_ =	swait.ge [sflag:s17], $0xE0  }
0x256: {  	[sflag:s17] =	ssyncset.done $0x0  }
0x257: {  	[sflag:s17] =	ssyncadd.s32 $0xFFFFFF20  }
0x258: {  	s0 =	simm.s32 $0x0;
	_ =	swait.ge [sflag:s17], $0xE0  }
0x259: {  	v28 =	vadd.s32 s0, v0;
	[sflag:s17] =	ssyncset.done $0x0  }
0x25a: {  	v28 =	vand.u32 $0xF, v28;
	[sflag:s17] =	ssyncadd.s32 $0xFFFFFF20  }
0x25b: {  	v29 =	vshll.u32 v28, $0x2;
	_ =	swait.ge [sflag:s17], $0xE0  }
0x25c: {  	v30 =	vadd.s32 v1, v29;
	[sflag:s17] =	ssyncset.done $0x0  }
0x25d: {  	[sflag:s17] =	ssyncadd.s32 $0xFFFFFF20  }
0x25e: {  	_ =	swait.ge [sflag:s17], $0xE0  }
0x25f: {  	v28 =	vmul.u32 $0xE0, v28;
	[sflag:s17] =	ssyncset.done $0x0  }
0x260: {  	[sflag:s17] =	ssyncadd.s32 $0xFFFFFF20  }
0x261: {  	v31 =	vor.u32 v0, v28;
	v30 =	vld.idx.msk [tilespmem:v30+s4+$0x0], $0xffff  }
0x262: {  	v32 =	vadd.s32 v2, v29;
	_ =	sdelay $0x3  }
0x263: {  	[tilespmem:v31+s26+$0x0] =	vst.idx.msk $0xffff, v30  }
0x264: {  	v31 =	vor.u32 v3, v28;
	v30 =	vld.idx.msk [tilespmem:v32+s4+$0x0], $0xffff  }
0x265: {  	v52 =	vadd.s32 v4, v29;
	_ =	sdelay $0x3  }
0x266: {  	[tilespmem:v31+s26+$0x0] =	vst.idx.msk $0xffff, v30  }
0x267: {  	v31 =	vadd.s32 v5, v28;
	v30 =	vld.idx.msk [tilespmem:v52+s4+$0x0], $0xffff  }
0x268: {  	v53 =	vadd.s32 v6, v29;
	_ =	sdelay $0x3  }
0x269: {  	[tilespmem:v31+s26+$0x0] =	vst.idx.msk $0xffff, v30  }
0x26a: {  	v31 =	vadd.s32 v7, v28;
	v30 =	vld.idx.msk [tilespmem:v53+s4+$0x0], $0xffff  }
0x26b: {  	v54 =	vadd.s32 v8, v29;
	_ =	sdelay $0x3  }
0x26c: {  	[tilespmem:v31+s26+$0x0] =	vst.idx.msk $0xffff, v30  }
0x26d: {  	v31 =	vadd.s32 v9, v28;
	v30 =	vld.idx.msk [tilespmem:v54+s4+$0x0], $0xffff  }
0x26e: {  	v55 =	vadd.s32 v10, v29;
	_ =	sdelay $0x3  }
0x26f: {  	[tilespmem:v31+s26+$0x0] =	vst.idx.msk $0xffff, v30  }
0x270: {  	v31 =	vadd.s32 v11, v28;
	v30 =	vld.idx.msk [tilespmem:v55+s4+$0x0], $0xffff  }
0x271: {  	v56 =	vadd.s32 v12, v29;
	_ =	sdelay $0x3  }
0x272: {  	[tilespmem:v31+s26+$0x0] =	vst.idx.msk $0xffff, v30  }
0x273: {  	v31 =	vadd.s32 v13, v28;
	v30 =	vld.idx.msk [tilespmem:v56+s4+$0x0], $0xffff  }
0x274: {  	v57 =	vadd.s32 v14, v29;
	_ =	sdelay $0x3  }
0x275: {  	[tilespmem:v31+s26+$0x0] =	vst.idx.msk $0xffff, v30  }
0x276: {  	v31 =	vadd.s32 v15, v28;
	v30 =	vld.idx.msk [tilespmem:v57+s4+$0x0], $0xffff  }
0x277: {  	v58 =	vadd.s32 v16, v29;
	_ =	sdelay $0x3  }
0x278: {  	[tilespmem:v31+s26+$0x0] =	vst.idx.msk $0xffff, v30  }
0x279: {  	v31 =	vadd.s32 v17, v28;
	v30 =	vld.idx.msk [tilespmem:v58+s4+$0x0], $0xffff  }
0x27a: {  	v59 =	vadd.s32 v18, v29;
	_ =	sdelay $0x3  }
0x27b: {  	[tilespmem:v31+s26+$0x0] =	vst.idx.msk $0xffff, v30  }
0x27c: {  	v31 =	vadd.s32 v19, v28;
	v30 =	vld.idx.msk [tilespmem:v59+s4+$0x0], $0xffff  }
0x27d: {  	v60 =	vadd.s32 v20, v29;
	_ =	sdelay $0x3  }
0x27e: {  	[tilespmem:v31+s26+$0x0] =	vst.idx.msk $0xffff, v30  }
0x27f: {  	v31 =	vadd.s32 v21, v28;
	v30 =	vld.idx.msk [tilespmem:v60+s4+$0x0], $0xffff  }
0x280: {  	v61 =	vadd.s32 v22, v29;
	_ =	sdelay $0x3  }
0x281: {  	[tilespmem:v31+s26+$0x0] =	vst.idx.msk $0xffff, v30  }
0x282: {  	v31 =	vadd.s32 v23, v28;
	v30 =	vld.idx.msk [tilespmem:v61+s4+$0x0], $0xffff  }
0x283: {  	v62 =	vadd.s32 v24, v29;
	_ =	sdelay $0x3  }
0x284: {  	[tilespmem:v31+s26+$0x0] =	vst.idx.msk $0xffff, v30  }
0x285: {  	v63 =	vadd.s32 v25, v28;
	v31 =	vld.idx.msk [tilespmem:v62+s4+$0x0], $0xffff  }
0x286: {  	v29 =	vadd.s32 v26, v29;
	_ =	sdelay $0x2  }
0x287: {  	s31 =	simm.s32 $0x1  }
0x288: {  	s0 =	simm.s32 $0x2;
	v30 =	vadd.s32 s31, v0;
	[tilespmem:v63+s26+$0x0] =	vst.idx.msk $0xffff, v31  }
.LBB2_8:
0x289: {  	p0 =	sne.s32 s0, $0xF;
	v30 =	vand.u32 $0xF, v30;
	v31 =	vld.idx.msk [tilespmem:v29+s4+$0x0], $0xffff  }
0x28a: {  	v32 =	vadd.s32 v27, v28;
	v29 =	vshll.u32 v30, $0x2  }
0x28b: {  	v33 =	vadd.s32 v1, v29;
	_ =	sdelay $0x3  }
0x28c: {  	v28 =	vmul.u32 $0xE0, v30;
	[tilespmem:v32+s26+$0x0] =	vst.idx.msk $0xffff, v31  }
0x28d: {  	v30 =	vld.idx.msk [tilespmem:v33+s4+$0x0], $0xffff  }
0x28e: {  	v31 =	vor.u32 v0, v28  }
0x28f: {  	v32 =	vadd.s32 v2, v29;
	_ =	sdelay $0x3  }
0x290: {  	[tilespmem:v31+s26+$0x0] =	vst.idx.msk $0xffff, v30  }
0x291: {  	v30 =	vld.idx.msk [tilespmem:v32+s4+$0x0], $0xffff  }
0x292: {  	v31 =	vor.u32 v3, v28  }
0x293: {  	v32 =	vadd.s32 v4, v29;
	_ =	sdelay $0x3  }
0x294: {  	[tilespmem:v31+s26+$0x0] =	vst.idx.msk $0xffff, v30  }
0x295: {  	v30 =	vld.idx.msk [tilespmem:v32+s4+$0x0], $0xffff  }
0x296: {  	v31 =	vadd.s32 v5, v28  }
0x297: {  	v32 =	vadd.s32 v6, v29;
	_ =	sdelay $0x3  }
0x298: {  	[tilespmem:v31+s26+$0x0] =	vst.idx.msk $0xffff, v30  }
0x299: {  	v30 =	vld.idx.msk [tilespmem:v32+s4+$0x0], $0xffff  }
0x29a: {  	v31 =	vadd.s32 v7, v28  }
0x29b: {  	v32 =	vadd.s32 v8, v29;
	_ =	sdelay $0x3  }
0x29c: {  	[tilespmem:v31+s26+$0x0] =	vst.idx.msk $0xffff, v30  }
0x29d: {  	v30 =	vld.idx.msk [tilespmem:v32+s4+$0x0], $0xffff  }
0x29e: {  	v31 =	vadd.s32 v9, v28  }
0x29f: {  	v32 =	vadd.s32 v10, v29;
	_ =	sdelay $0x3  }
0x2a0: {  	[tilespmem:v31+s26+$0x0] =	vst.idx.msk $0xffff, v30  }
0x2a1: {  	v30 =	vld.idx.msk [tilespmem:v32+s4+$0x0], $0xffff  }
0x2a2: {  	v31 =	vadd.s32 v11, v28  }
0x2a3: {  	v32 =	vadd.s32 v12, v29;
	_ =	sdelay $0x3  }
0x2a4: {  	[tilespmem:v31+s26+$0x0] =	vst.idx.msk $0xffff, v30  }
0x2a5: {  	v30 =	vld.idx.msk [tilespmem:v32+s4+$0x0], $0xffff  }
0x2a6: {  	v31 =	vadd.s32 v13, v28  }
0x2a7: {  	v32 =	vadd.s32 v14, v29;
	_ =	sdelay $0x3  }
0x2a8: {  	[tilespmem:v31+s26+$0x0] =	vst.idx.msk $0xffff, v30  }
0x2a9: {  	v30 =	vld.idx.msk [tilespmem:v32+s4+$0x0], $0xffff  }
0x2aa: {  	v31 =	vadd.s32 v15, v28  }
0x2ab: {  	v32 =	vadd.s32 v16, v29;
	_ =	sdelay $0x3  }
0x2ac: {  	[tilespmem:v31+s26+$0x0] =	vst.idx.msk $0xffff, v30  }
0x2ad: {  	v30 =	vld.idx.msk [tilespmem:v32+s4+$0x0], $0xffff  }
0x2ae: {  	v31 =	vadd.s32 v17, v28  }
0x2af: {  	v32 =	vadd.s32 v18, v29;
	_ =	sdelay $0x3  }
0x2b0: {  	[tilespmem:v31+s26+$0x0] =	vst.idx.msk $0xffff, v30  }
0x2b1: {  	v30 =	vld.idx.msk [tilespmem:v32+s4+$0x0], $0xffff  }
0x2b2: {  	v31 =	vadd.s32 v19, v28  }
0x2b3: {  	v32 =	vadd.s32 v20, v29;
	_ =	sdelay $0x3  }
0x2b4: {  	[tilespmem:v31+s26+$0x0] =	vst.idx.msk $0xffff, v30  }
0x2b5: {  	v30 =	vld.idx.msk [tilespmem:v32+s4+$0x0], $0xffff  }
0x2b6: {  	v31 =	vadd.s32 v21, v28  }
0x2b7: {  	v32 =	vadd.s32 v22, v29;
	_ =	sdelay $0x3  }
0x2b8: {  	[tilespmem:v31+s26+$0x0] =	vst.idx.msk $0xffff, v30  }
0x2b9: {  	v30 =	vld.idx.msk [tilespmem:v32+s4+$0x0], $0xffff  }
0x2ba: {  	v31 =	vadd.s32 v23, v28  }
0x2bb: {  	v32 =	vadd.s32 v24, v29;
	_ =	sdelay $0x3  }
0x2bc: {  	[tilespmem:v31+s26+$0x0] =	vst.idx.msk $0xffff, v30  }
0x2bd: {  	v31 =	vld.idx.msk [tilespmem:v32+s4+$0x0], $0xffff  }
0x2be: {  	v32 =	vadd.s32 v25, v28  }
.Ltmp3:
0x2bf: {  	v29 =	vadd.s32 v26, v29;
	(pc) =	sbr.rel @p0 .LBB2_8-.Ltmp3, $2  }
0x2c0: {  	_ =	sdelay $0x2  }
0x2c1: {  	v30 =	vadd.s32 s0, v0;
	s0 =	sadd.s32 $0x1, s0;
	[tilespmem:v32+s26+$0x0] =	vst.idx.msk $0xffff, v31  }
0x2c2: {  	_ =	sdelay $0x2  }
0x2c3: {  	v30 =	vand.u32 $0xF, v30  }
0x2c4: {  	v29 =	vld.idx.msk [tilespmem:v29+s4+$0x0], $0xffff;
	v28 =	vadd.s32 v27, v28;
	v31 =	vshll.u32 v30, $0x2  }
0x2c5: {  	v32 =	vadd.s32 v1, v31;
	_ =	sdelay $0x2  }
0x2c6: {  	v30 =	vmul.u32 $0xE0, v30  }
0x2c7: {  	[tilespmem:v28+s26+$0x0] =	vst.idx.msk $0xffff, v29  }
0x2c8: {  	v29 =	vor.u32 v0, v30;
	v28 =	vld.idx.msk [tilespmem:v32+s4+$0x0], $0xffff  }
0x2c9: {  	v52 =	vadd.s32 v2, v31;
	_ =	sdelay $0x3  }
0x2ca: {  	[tilespmem:v29+s26+$0x0] =	vst.idx.msk $0xffff, v28  }
0x2cb: {  	v29 =	vor.u32 v3, v30;
	v28 =	vld.idx.msk [tilespmem:v52+s4+$0x0], $0xffff  }
0x2cc: {  	v53 =	vadd.s32 v4, v31;
	_ =	sdelay $0x3  }
0x2cd: {  	[tilespmem:v29+s26+$0x0] =	vst.idx.msk $0xffff, v28  }
0x2ce: {  	v29 =	vadd.s32 v5, v30;
	v28 =	vld.idx.msk [tilespmem:v53+s4+$0x0], $0xffff  }
0x2cf: {  	v54 =	vadd.s32 v6, v31;
	_ =	sdelay $0x3  }
0x2d0: {  	[tilespmem:v29+s26+$0x0] =	vst.idx.msk $0xffff, v28  }
0x2d1: {  	v29 =	vadd.s32 v7, v30;
	v28 =	vld.idx.msk [tilespmem:v54+s4+$0x0], $0xffff  }
0x2d2: {  	v55 =	vadd.s32 v8, v31;
	_ =	sdelay $0x3  }
0x2d3: {  	[tilespmem:v29+s26+$0x0] =	vst.idx.msk $0xffff, v28  }
0x2d4: {  	v29 =	vadd.s32 v9, v30;
	v28 =	vld.idx.msk [tilespmem:v55+s4+$0x0], $0xffff  }
0x2d5: {  	v56 =	vadd.s32 v10, v31;
	_ =	sdelay $0x3  }
0x2d6: {  	[tilespmem:v29+s26+$0x0] =	vst.idx.msk $0xffff, v28  }
0x2d7: {  	v29 =	vadd.s32 v11, v30;
	v28 =	vld.idx.msk [tilespmem:v56+s4+$0x0], $0xffff  }
0x2d8: {  	v57 =	vadd.s32 v12, v31;
	_ =	sdelay $0x3  }
0x2d9: {  	[tilespmem:v29+s26+$0x0] =	vst.idx.msk $0xffff, v28  }
0x2da: {  	v29 =	vadd.s32 v13, v30;
	v28 =	vld.idx.msk [tilespmem:v57+s4+$0x0], $0xffff  }
0x2db: {  	v58 =	vadd.s32 v14, v31;
	_ =	sdelay $0x3  }
0x2dc: {  	[tilespmem:v29+s26+$0x0] =	vst.idx.msk $0xffff, v28  }
0x2dd: {  	v29 =	vadd.s32 v15, v30;
	v28 =	vld.idx.msk [tilespmem:v58+s4+$0x0], $0xffff  }
0x2de: {  	v59 =	vadd.s32 v16, v31;
	_ =	sdelay $0x3  }
0x2df: {  	[tilespmem:v29+s26+$0x0] =	vst.idx.msk $0xffff, v28  }
0x2e0: {  	v29 =	vadd.s32 v17, v30;
	v28 =	vld.idx.msk [tilespmem:v59+s4+$0x0], $0xffff  }
0x2e1: {  	v60 =	vadd.s32 v18, v31;
	_ =	sdelay $0x3  }
0x2e2: {  	[tilespmem:v29+s26+$0x0] =	vst.idx.msk $0xffff, v28  }
0x2e3: {  	v29 =	vadd.s32 v19, v30;
	v28 =	vld.idx.msk [tilespmem:v60+s4+$0x0], $0xffff  }
0x2e4: {  	v61 =	vadd.s32 v20, v31;
	_ =	sdelay $0x3  }
0x2e5: {  	[tilespmem:v29+s26+$0x0] =	vst.idx.msk $0xffff, v28  }
0x2e6: {  	v29 =	vadd.s32 v21, v30;
	v28 =	vld.idx.msk [tilespmem:v61+s4+$0x0], $0xffff  }
0x2e7: {  	v62 =	vadd.s32 v22, v31;
	_ =	sdelay $0x3  }
0x2e8: {  	[tilespmem:v29+s26+$0x0] =	vst.idx.msk $0xffff, v28  }
0x2e9: {  	v29 =	vadd.s32 v23, v30;
	v28 =	vld.idx.msk [tilespmem:v62+s4+$0x0], $0xffff  }
0x2ea: {  	v63 =	vadd.s32 v24, v31;
	_ =	sdelay $0x3  }
0x2eb: {  	[tilespmem:v29+s26+$0x0] =	vst.idx.msk $0xffff, v28  }
0x2ec: {  	v29 =	vadd.s32 v25, v30;
	v28 =	vld.idx.msk [tilespmem:v63+s4+$0x0], $0xffff  }
0x2ed: {  	v31 =	vadd.s32 v26, v31;
	_ =	sdelay $0x3  }
0x2ee: {  	[tilespmem:v29+s26+$0x0] =	vst.idx.msk $0xffff, v28  }
0x2ef: {  	v29 =	vadd.s32 v27, v30;
	v28 =	vld.idx.msk [tilespmem:v31+s4+$0x0], $0xffff;
	_ =	sdelay $0x4  }
0x2f0: {  	s0 =	rddreg [dreg:$0x4];
	[tilespmem:v29+s26+$0x0] =	vst.idx.msk $0xffff, v28  }
0x2f1: {  	[hbm4b:s0+s4] =	stream.linear.scatter [tilespmem:s26], [sflag:$0x3], $0xE0, $0x38;
	[tilespmem:$0xFC00] =	vst v63  }
0x2f2: {  	s6 =	rddreg [dreg:$0x5];
	s2 =	simm.s32 $0xE0E0  }
0x2f3: {  	[hbm4b:s6+s4] =	stream.linear.scatter [tilespmem:s2], [sflag:$0x3], $0xE0, $0x38;
	[tilespmem:$0xFC00] =	vst v63  }
0x2f4: {  	s18 =	rddreg [dreg:$0x6];
	s19 =	simm.s32 $0xE1C0  }
0x2f5: {  	[hbm4b:s18+s4] =	stream.linear.scatter [tilespmem:s19], [sflag:$0x3], $0xE0, $0x38;
	[tilespmem:$0xFC00] =	vst v63  }
0x2f6: {  	s30 =	rddreg [dreg:$0x7];
	s31 =	simm.s32 $0xE2A0  }
0x2f7: {  	[hbm4b:s30+s4] =	stream.linear.scatter [tilespmem:s31], [sflag:$0x3], $0xE0, $0x38;
	[tilespmem:$0xFC00] =	vst v63  }
0x2f8: {  	s2 =	rddreg [dreg:$0x8];
	s6 =	simm.s32 $0xE380  }
0x2f9: {  	[hbm4b:s2+s4] =	stream.linear.scatter [tilespmem:s6], [sflag:$0x3], $0xE0, $0x38;
	[tilespmem:$0xFC00] =	vst v63  }
0x2fa: {  	s18 =	rddreg [dreg:$0x9];
	s19 =	simm.s32 $0xE460  }
0x2fb: {  	[hbm4b:s18+s4] =	stream.linear.scatter [tilespmem:s19], [sflag:$0x3], $0xE0, $0x38;
	[tilespmem:$0xFC00] =	vst v63  }
0x2fc: {  	s30 =	rddreg [dreg:$0xa];
	s31 =	simm.s32 $0xE540  }
0x2fd: {  	[hbm4b:s30+s4] =	stream.linear.scatter [tilespmem:s31], [sflag:$0x3], $0xE0, $0x38;
	[tilespmem:$0xFC00] =	vst v63  }
0x2fe: {  	s2 =	rddreg [dreg:$0xb];
	s6 =	simm.s32 $0xE620  }
0x2ff: {  	[hbm4b:s2+s4] =	stream.linear.scatter [tilespmem:s6], [sflag:$0x3], $0xE0, $0x38;
	[tilespmem:$0xFC00] =	vst v63  }
0x300: {  	s18 =	rddreg [dreg:$0xc]  }
0x301: {  	[hbm4b:s18+s4] =	stream.linear.scatter [tilespmem:s7], [sflag:$0x3], $0xE0, $0x38;
	[tilespmem:$0xFC00] =	vst v63  }
0x302: {  	s19 =	rddreg [dreg:$0xd]  }
0x303: {  	[hbm4b:s19+s4] =	stream.linear.scatter [tilespmem:s8], [sflag:$0x3], $0xE0, $0x38;
	[tilespmem:$0xFC00] =	vst v63  }
0x304: {  	s30 =	rddreg [dreg:$0xe]  }
0x305: {  	[hbm4b:s30+s4] =	stream.linear.scatter [tilespmem:s9], [sflag:$0x3], $0xE0, $0x38;
	[tilespmem:$0xFC00] =	vst v63  }
0x306: {  	s31 =	rddreg [dreg:$0xf]  }
0x307: {  	[hbm4b:s31+s4] =	stream.linear.scatter [tilespmem:s10], [sflag:$0x3], $0xE0, $0x38;
	[tilespmem:$0xFC00] =	vst v63  }
0x308: {  	s2 =	rddreg [dreg:$0x10]  }
0x309: {  	[hbm4b:s2+s4] =	stream.linear.scatter [tilespmem:s11], [sflag:$0x3], $0xE0, $0x38;
	[tilespmem:$0xFC00] =	vst v63  }
0x30a: {  	s6 =	rddreg [dreg:$0x11]  }
0x30b: {  	[hbm4b:s6+s4] =	stream.linear.scatter [tilespmem:s12], [sflag:$0x3], $0xE0, $0x38;
	[tilespmem:$0xFC00] =	vst v63  }
0x30c: {  	s18 =	rddreg [dreg:$0x12]  }
0x30d: {  	[hbm4b:s18+s4] =	stream.linear.scatter [tilespmem:s13], [sflag:$0x3], $0xE0, $0x38;
	[tilespmem:$0xFC00] =	vst v63  }
0x30e: {  	s19 =	rddreg [dreg:$0x13]  }
0x30f: {  	[hbm4b:s19+s4] =	stream.linear.scatter [tilespmem:s14], [sflag:$0x3], $0xE0, $0x38;
	[tilespmem:$0xFC00] =	vst v63  }
0x310: {  	_ =	swait.ge [sflag:s29], $0xE0  }
0x311: {  	[sflag:s29] =	ssyncset.done $0x0  }
0x312: {  	[sflag:s29] =	ssyncadd.s32 $0xFFFFFF20  }
0x313: {  	_ =	swait.ge [sflag:s29], $0xE0  }
0x314: {  	[sflag:s29] =	ssyncset.done $0x0  }
0x315: {  	[sflag:s29] =	ssyncadd.s32 $0xFFFFFF20  }
0x316: {  	_ =	swait.ge [sflag:s29], $0xE0  }
0x317: {  	[sflag:s29] =	ssyncset.done $0x0  }
0x318: {  	[sflag:s29] =	ssyncadd.s32 $0xFFFFFF20  }
0x319: {  	_ =	swait.ge [sflag:s29], $0xE0  }
0x31a: {  	[sflag:s29] =	ssyncset.done $0x0  }
0x31b: {  	[sflag:s29] =	ssyncadd.s32 $0xFFFFFF20  }
0x31c: {  	_ =	swait.ge [sflag:s29], $0xE0  }
0x31d: {  	[sflag:s29] =	ssyncset.done $0x0  }
0x31e: {  	[sflag:s29] =	ssyncadd.s32 $0xFFFFFF20  }
0x31f: {  	_ =	swait.ge [sflag:s29], $0xE0  }
0x320: {  	[sflag:s29] =	ssyncset.done $0x0  }
0x321: {  	[sflag:s29] =	ssyncadd.s32 $0xFFFFFF20  }
0x322: {  	_ =	swait.ge [sflag:s29], $0xE0  }
0x323: {  	[sflag:s29] =	ssyncset.done $0x0  }
0x324: {  	[sflag:s29] =	ssyncadd.s32 $0xFFFFFF20  }
0x325: {  	_ =	swait.ge [sflag:s29], $0xE0  }
0x326: {  	[sflag:s29] =	ssyncset.done $0x0  }
0x327: {  	[sflag:s29] =	ssyncadd.s32 $0xFFFFFF20  }
0x328: {  	_ =	swait.ge [sflag:s29], $0xE0  }
0x329: {  	[sflag:s29] =	ssyncset.done $0x0  }
0x32a: {  	[sflag:s29] =	ssyncadd.s32 $0xFFFFFF20  }
0x32b: {  	_ =	swait.ge [sflag:s29], $0xE0  }
0x32c: {  	[sflag:s29] =	ssyncset.done $0x0  }
0x32d: {  	[sflag:s29] =	ssyncadd.s32 $0xFFFFFF20  }
0x32e: {  	_ =	swait.ge [sflag:s29], $0xE0  }
0x32f: {  	[sflag:s29] =	ssyncset.done $0x0  }
0x330: {  	[sflag:s29] =	ssyncadd.s32 $0xFFFFFF20  }
0x331: {  	_ =	swait.ge [sflag:s29], $0xE0  }
0x332: {  	[sflag:s29] =	ssyncset.done $0x0  }
0x333: {  	[sflag:s29] =	ssyncadd.s32 $0xFFFFFF20  }
0x334: {  	_ =	swait.ge [sflag:s29], $0xE0  }
0x335: {  	[sflag:s29] =	ssyncset.done $0x0  }
0x336: {  	[sflag:s29] =	ssyncadd.s32 $0xFFFFFF20  }
0x337: {  	_ =	swait.ge [sflag:s29], $0xE0  }
0x338: {  	[sflag:s29] =	ssyncset.done $0x0  }
0x339: {  	[sflag:s29] =	ssyncadd.s32 $0xFFFFFF20  }
0x33a: {  	_ =	swait.ge [sflag:s29], $0xE0  }
0x33b: {  	[sflag:s29] =	ssyncset.done $0x0  }
0x33c: {  	[sflag:s29] =	ssyncadd.s32 $0xFFFFFF20  }
0x33d: {  	_ =	swait.ge [sflag:s29], $0xE0  }
0x33e: {  	[sflag:s29] =	ssyncset.done $0x0  }
0x33f: {  	[sflag:s29] =	ssyncadd.s32 $0xFFFFFF20  }
0x340: {  	_ =	swait.ge [sflag:s17], $0xE0  }
0x341: {  	[sflag:s17] =	ssyncset.done $0x0  }
0x342: {  	[sflag:s17] =	ssyncadd.s32 $0xFFFFFF20  }
0x343: {  	_ =	swait.ge [sflag:s17], $0xE0  }
0x344: {  	[sflag:s17] =	ssyncset.done $0x0  }
0x345: {  	[sflag:s17] =	ssyncadd.s32 $0xFFFFFF20  }
0x346: {  	_ =	swait.ge [sflag:s17], $0xE0  }
0x347: {  	[sflag:s17] =	ssyncset.done $0x0  }
0x348: {  	[sflag:s17] =	ssyncadd.s32 $0xFFFFFF20  }
0x349: {  	_ =	swait.ge [sflag:s17], $0xE0  }
0x34a: {  	[sflag:s17] =	ssyncset.done $0x0  }
0x34b: {  	[sflag:s17] =	ssyncadd.s32 $0xFFFFFF20  }
0x34c: {  	_ =	swait.ge [sflag:s17], $0xE0  }
0x34d: {  	[sflag:s17] =	ssyncset.done $0x0  }
0x34e: {  	[sflag:s17] =	ssyncadd.s32 $0xFFFFFF20  }
0x34f: {  	_ =	swait.ge [sflag:s17], $0xE0  }
0x350: {  	[sflag:s17] =	ssyncset.done $0x0  }
0x351: {  	[sflag:s17] =	ssyncadd.s32 $0xFFFFFF20  }
0x352: {  	_ =	swait.ge [sflag:s17], $0xE0  }
0x353: {  	[sflag:s17] =	ssyncset.done $0x0  }
0x354: {  	[sflag:s17] =	ssyncadd.s32 $0xFFFFFF20  }
0x355: {  	_ =	swait.ge [sflag:s17], $0xE0  }
0x356: {  	[sflag:s17] =	ssyncset.done $0x0  }
0x357: {  	[sflag:s17] =	ssyncadd.s32 $0xFFFFFF20  }
0x358: {  	_ =	swait.ge [sflag:s17], $0xE0  }
0x359: {  	[sflag:s17] =	ssyncset.done $0x0  }
0x35a: {  	[sflag:s17] =	ssyncadd.s32 $0xFFFFFF20  }
0x35b: {  	_ =	swait.ge [sflag:s17], $0xE0  }
0x35c: {  	[sflag:s17] =	ssyncset.done $0x0  }
0x35d: {  	[sflag:s17] =	ssyncadd.s32 $0xFFFFFF20  }
0x35e: {  	_ =	swait.ge [sflag:s17], $0xE0  }
0x35f: {  	[sflag:s17] =	ssyncset.done $0x0  }
0x360: {  	[sflag:s17] =	ssyncadd.s32 $0xFFFFFF20  }
0x361: {  	_ =	swait.ge [sflag:s17], $0xE0  }
0x362: {  	[sflag:s17] =	ssyncset.done $0x0  }
0x363: {  	[sflag:s17] =	ssyncadd.s32 $0xFFFFFF20  }
0x364: {  	_ =	swait.ge [sflag:s17], $0xE0  }
0x365: {  	[sflag:s17] =	ssyncset.done $0x0  }
0x366: {  	[sflag:s17] =	ssyncadd.s32 $0xFFFFFF20  }
0x367: {  	_ =	swait.ge [sflag:s17], $0xE0  }
0x368: {  	[sflag:s17] =	ssyncset.done $0x0  }
0x369: {  	[sflag:s17] =	ssyncadd.s32 $0xFFFFFF20  }
0x36a: {  	_ =	swait.ge [sflag:s17], $0xE0  }
0x36b: {  	[sflag:s17] =	ssyncset.done $0x0  }
0x36c: {  	[sflag:s17] =	ssyncadd.s32 $0xFFFFFF20  }
0x36d: {  	_ =	swait.ge [sflag:s17], $0xE0  }
0x36e: {  	s30 =	rddreg [dreg:$0x15]  }
0x36f: {  	s31 =	rddreg [dreg:$0x14];
	s2 =	sadd.s32 $0x1, s30  }
0x370: {  	p0 =	sne.s32 s2, s31  }
.Ltmp4:
0x371: {  	_ = 	snop;
	(pc) =	sbr.rel @p0 .LBB2_1-.Ltmp4, $3  }
0x372: {  	_ =	sdelay $0x1  }
0x373: {  	[sflag:s17] =	ssyncset.done $0x0  }
0x374: {  	[sflag:s17] =	ssyncadd.s32 $0xFFFFFF20  }
0x375: {  	_ =	sfence.sel $0x180000  }
0x376: {  	[bflag:$0x0] =	sbarrier.arrive $0xFFFF  }
0x377: {  	_ =	strace $0x90000047  }
0x378: {  	s0 =	stileid.u32;
	[bflag:$0x2] =	sbarrier.arrive $0xFFFF  }
0x379: {  	p0 =	sne.s32 s0, $0x0;
	s0 =	rddreg [dreg:$0x2]  }
0x37a: {  	s0 =	sadd.s32 @!p0 $0x100000, s0  }
0x37b: {  	[sflag:s0] =	ssyncadd.tile.s32 @!p0 $0x1;
	_ =	shalt  }
.Lfunc_end2:
_tile_overlayer_lowered:
.L_overlay_start_2:
0x37c: {  	(tag) =	ssettag $0x2  }
0x37d: {  	s0 =	rddreg [dreg:$0x0];
	s2 =	stileid.u32  }
0x37e: {  	s1 =	rddreg [dreg:$0x1];
	p0 =	sne.s32 s2, $0x0  }
0x37f: {  	s3 =	rddreg [dreg:$0x2];
	[bflag:$0x3] =	sbarrier.arrive $0xFFFF;
	s2 =	simm.s32 @!p0 $0x1C05  }
0x380: {  	[timem:s3], [sflag:s2] =	dma.local @!p0 [hbm:s0], s1  }
0x381: {  	s0 =	simm.s32 @!p0 $0x5  }
0x382: {  	_ =	swait.ge @!p0 [sflag:s0], s1  }
0x383: {  	s1 =	ssub.s32 @!p0 $0x0, s1;
	[sflag:s0] =	ssyncset.done @!p0 $0x0  }
0x384: {  	[sflag:s0] =	ssyncadd.s32 @!p0 s1  }
0x385: {  	[bflag:$0x3] =	sbarrier.arrive $0xFFFF  }
0x386: {  	_ =	shalt  }

</sc_bundles>
